<compile_context>
chip_gen: v7x
topology: tpu7x:2x2x1
jax: 0.10.2.dev20260603
libtpu: 0.0.44.dev20260713+nightly
codegen_flags: <defaults>
</compile_context>

<pallas_src>
import functools

import jax
import jax.numpy as jnp
from jax import lax
from jax.experimental import pallas as pl
from jax.experimental.pallas import tpu as pltpu
from jax.experimental.pallas import tpu_sc as plsc

_B_ROWS = 1024
_B_COLS = 200
_B = _B_ROWS * _B_COLS
_D = 300
_NC = 2
_NS = 16
_NW = _NC * _NS
_CH = 128
_PER_W = _B // _NW
_NCH = _PER_W // _CH
_G = 16

_mesh = plsc.VectorSubcoreMesh(core_axis_name="c", subcore_axis_name="s")


@functools.partial(
    pl.kernel,
    mesh=_mesh,
    out_type=jax.ShapeDtypeStruct((_B, _D), jnp.float32),
    scratch_types=[
        pltpu.VMEM((_PER_W + _CH,), jnp.int32),
        pltpu.VMEM((_CH, _D), jnp.float32),
        pltpu.VMEM((_CH, _D), jnp.float32),
        pltpu.SemaphoreType.DMA,
        pltpu.SemaphoreType.DMA,
        pltpu.SemaphoreType.DMA,
        pltpu.SemaphoreType.DMA,
    ],
)
def _emb_lookup(x_hbm, table_hbm, out_hbm, idx_v,
                rows0, rows1, gsem0, gsem1, wsem0, wsem1):
    wid = lax.axis_index("s") * _NC + lax.axis_index("c")
    base = wid * _PER_W
    pltpu.sync_copy(x_hbm.at[pl.ds(base, _PER_W)], idx_v.at[pl.ds(0, _PER_W)])

    rows = (rows0, rows1)
    gsem = (gsem0, gsem1)
    wsem = (wsem0, wsem1)

    zeros = jnp.zeros((_G,), jnp.int32)
    for g in range(_CH // _G):
        idx_v[pl.ds(_PER_W + g * _G, _G)] = zeros

    def issue_gather(c, b):
        def grp(g, carry):
            vec = idx_v[pl.ds(c * _CH + g * _G, _G)]
            for k in range(_G):
                pltpu.async_copy(
                    table_hbm.at[pl.ds(vec[k], 1)],
                    rows[b].at[pl.ds(g * _G + k, 1)],
                    gsem[b],
                )
            return carry

        lax.fori_loop(0, _CH // _G, grp, 0)

    def wait_gather(b):
        pltpu.make_async_copy(
            table_hbm.at[pl.ds(0, _CH)],
            rows[b],
            gsem[b],
        ).wait()

    def issue_write(c, b):
        pltpu.async_copy(
            rows[b],
            out_hbm.at[pl.ds(base + c * _CH, _CH)],
            wsem[b],
        )

    def wait_write(b):
        pltpu.make_async_copy(
            rows[b],
            out_hbm.at[pl.ds(base, _CH)],
            wsem[b],
        ).wait()

    issue_gather(0, 0)
    issue_gather(1, 1)
    wait_gather(0)
    issue_write(0, 0)
    wait_gather(1)
    issue_write(1, 1)
    wait_write(0)
    issue_gather(2, 0)

    def steady(gidx, carry):
        for b in range(2):
            c = 2 * gidx + 2 + b
            wait_gather(b)
            issue_write(c, b)
            wait_write(1 - b)
            issue_gather(c + 1, 1 - b)
        return carry

    lax.fori_loop(0, (_NCH - 2) // 2, steady, 0)

    wait_gather(_NCH % 2)
    wait_write(1 - (_NCH % 2))


def kernel(x, table):
    idx = x.astype(jnp.int32).reshape(_B)
    out = _emb_lookup(idx, table)
    return out.reshape(_B_ROWS, _B_COLS, _D)

# --- scband reference (transcript-rebuilt; emitter-appended) ---
"""Pipeline reference for scband-fast-text-embedding-38989713113409 (READ-ONLY COPY).

The authoritative reference and input builder live on the scoring server;
editing this copy changes nothing except your own understanding.
"""

import jax, jax.numpy as jnp
import numpy as np

VOCAB_SIZE = 999994
EMBED_DIM = 300

def setup_inputs(seed: int = 0) -> dict:
    key = jax.random.key(seed)
    k1, k2 = jax.random.split(key)
    x = jax.random.randint(k1, (1024, 200), 0, VOCAB_SIZE, dtype=jnp.int64)
    # Learned parameter: embedding table (stands in for pretrained FastText weights)
    table = jax.random.normal(k2, (VOCAB_SIZE, EMBED_DIM), dtype=jnp.float32) * 0.1
    return {"x": x, "table": table}

def reference(x, table):
    # Faithful to nn.Embedding forward: row gather from the embedding table.
    return jnp.take(table, x, axis=0)

if __name__ == "__main__":
    import jax
    _d = setup_inputs()
    print(jax.jit(kernel)(*tuple(_d.values())))

</pallas_src>

<mosaic_0001>
#map = affine_map<(d0, d1) -> (0)>
#map1 = affine_map<(d0, d1) -> (0, 0)>
module attributes {stable_mosaic.version = 14 : i64} {
  func.func @_emb_lookup(%arg0: i32, %arg1: i32, %arg2: memref<204800xi32, #tpu.memory_space<hbm>>, %arg3: memref<999994x300xf32, #tpu.memory_space<hbm>>, %arg4: memref<204800x300xf32, #tpu.memory_space<hbm>>, %arg5: memref<6528xi32, #tpu.memory_space<vmem>>, %arg6: memref<128x300xf32, #tpu.memory_space<vmem>>, %arg7: memref<128x300xf32, #tpu.memory_space<vmem>>, %arg8: memref<!tpu.dma_semaphore, #tpu.memory_space<semaphore_mem>>, %arg9: memref<!tpu.dma_semaphore, #tpu.memory_space<semaphore_mem>>, %arg10: memref<!tpu.dma_semaphore, #tpu.memory_space<semaphore_mem>>, %arg11: memref<!tpu.dma_semaphore, #tpu.memory_space<semaphore_mem>>) attributes {dimension_semantics = [#tpu.dimension_semantics<core_parallel>, #tpu.dimension_semantics<subcore_parallel>], iteration_bounds = array<i64: 2, 16>, scalar_prefetch = 0 : i64, scratch_operands = 7 : i64, tpu.core_type = #tpu.core_type<sc_vector_subcore>, window_params = [{transform_indices = #map}, {transform_indices = #map1}, {transform_indices = #map1}]} {
    %mul3A = arith.constant 2 : i32
    %mul3A_0 = arith.muli %arg1, %mul3A : i32
    %add3A = arith.addi %mul3A_0, %arg0 : i32
    %mul3A_1 = arith.constant 6400 : i32
    %mul3A_2 = arith.muli %add3A, %mul3A_1 : i32
    "tpu.region"() ({
      %run_scoped3A = tpu.sem_alloc : memref<!tpu.dma_semaphore, #tpu.memory_space<semaphore_mem>>
      %dma_start3A_94 = arith.constant 0 : i32
      %dma_start3A_95 = tpu.memref_slice %arg5[%dma_start3A_94] : memref<6528xi32, #tpu.memory_space<vmem>> -> memref<6400xi32, #tpu.memory_space<vmem>>
      %dma_start3A_96 = tpu.memref_slice %arg2[%mul3A_2] : memref<204800xi32, #tpu.memory_space<hbm>> -> memref<6400xi32, #tpu.memory_space<hbm>>
      %dma_start3A_97 = arith.constant 0 : i32
      %dma_start3A_98 = tpu.memref_slice %arg5[%dma_start3A_97] : memref<6528xi32, #tpu.memory_space<vmem>> -> memref<6400xi32, #tpu.memory_space<vmem>>
      %dma_start3A_99 = tpu.memref_slice %arg2[%mul3A_2] : memref<204800xi32, #tpu.memory_space<hbm>> -> memref<6400xi32, #tpu.memory_space<hbm>>
      tpu.enqueue_dma source(%dma_start3A_99 : memref<6400xi32, #tpu.memory_space<hbm>>) target(%dma_start3A_98 : memref<6400xi32, #tpu.memory_space<vmem>>) target_semaphore(%run_scoped3A : memref<!tpu.dma_semaphore, #tpu.memory_space<semaphore_mem>>)
      %dma_wait3A_100 = arith.constant 0 : i32
      %dma_wait3A_101 = tpu.memref_slice %arg5[%dma_wait3A_100] : memref<6528xi32, #tpu.memory_space<vmem>> -> memref<6400xi32, #tpu.memory_space<vmem>>
      %dma_wait3A_102 = tpu.memref_slice %arg2[%mul3A_2] : memref<204800xi32, #tpu.memory_space<hbm>> -> memref<6400xi32, #tpu.memory_space<hbm>>
      %dma_wait3A_103 = arith.constant 0 : i32
      %dma_wait3A_104 = tpu.memref_slice %arg5[%dma_wait3A_103] : memref<6528xi32, #tpu.memory_space<vmem>> -> memref<6400xi32, #tpu.memory_space<vmem>>
      %dma_wait3A_105 = tpu.memref_slice %arg2[%mul3A_2] : memref<204800xi32, #tpu.memory_space<hbm>> -> memref<6400xi32, #tpu.memory_space<hbm>>
      tpu.wait_dma2 semaphore(%run_scoped3A : memref<!tpu.dma_semaphore, #tpu.memory_space<semaphore_mem>>) src(%dma_wait3A_105 : memref<6400xi32, #tpu.memory_space<hbm>>) dst(%dma_wait3A_104 : memref<6400xi32, #tpu.memory_space<vmem>>)
      tpu.yield
    }) : () -> ()
    %broadcast_in_dim3A = arith.constant 0 : i32
    %broadcast_in_dim3A_3 = vector.broadcast %broadcast_in_dim3A : i32 to vector<16xi32>
    %swap3A = arith.constant 6400 : index
    %swap3A_4 = tpu.vector_load %arg5[%swap3A] {strides = array<i32>} : memref<6528xi32, #tpu.memory_space<vmem>>, vector<16xi32>,
    %swap3A_5 = vector.shape_cast %swap3A_4 : vector<16xi32> to vector<16xi32>
    %swap3A_6 = vector.shape_cast %broadcast_in_dim3A_3 : vector<16xi32> to vector<16xi32>
    tpu.vector_store %arg5[%swap3A], %swap3A_6 {strides = array<i32>} : memref<6528xi32, #tpu.memory_space<vmem>>, vector<16xi32>,
    %swap3A_7 = arith.constant 6416 : index
    %swap3A_8 = tpu.vector_load %arg5[%swap3A_7] {strides = array<i32>} : memref<6528xi32, #tpu.memory_space<vmem>>, vector<16xi32>,
    %swap3A_9 = vector.shape_cast %swap3A_8 : vector<16xi32> to vector<16xi32>
    %swap3A_10 = vector.shape_cast %broadcast_in_dim3A_3 : vector<16xi32> to vector<16xi32>
    tpu.vector_store %arg5[%swap3A_7], %swap3A_10 {strides = array<i32>} : memref<6528xi32, #tpu.memory_space<vmem>>, vector<16xi32>,
    %swap3A_11 = arith.constant 6432 : index
    %swap3A_12 = tpu.vector_load %arg5[%swap3A_11] {strides = array<i32>} : memref<6528xi32, #tpu.memory_space<vmem>>, vector<16xi32>,
    %swap3A_13 = vector.shape_cast %swap3A_12 : vector<16xi32> to vector<16xi32>
    %swap3A_14 = vector.shape_cast %broadcast_in_dim3A_3 : vector<16xi32> to vector<16xi32>
    tpu.vector_store %arg5[%swap3A_11], %swap3A_14 {strides = array<i32>} : memref<6528xi32, #tpu.memory_space<vmem>>, vector<16xi32>,
    %swap3A_15 = arith.constant 6448 : index
    %swap3A_16 = tpu.vector_load %arg5[%swap3A_15] {strides = array<i32>} : memref<6528xi32, #tpu.memory_space<vmem>>, vector<16xi32>,
    %swap3A_17 = vector.shape_cast %swap3A_16 : vector<16xi32> to vector<16xi32>
    %swap3A_18 = vector.shape_cast %broadcast_in_dim3A_3 : vector<16xi32> to vector<16xi32>
    tpu.vector_store %arg5[%swap3A_15], %swap3A_18 {strides = array<i32>} : memref<6528xi32, #tpu.memory_space<vmem>>, vector<16xi32>,
    %swap3A_19 = arith.constant 6464 : index
    %swap3A_20 = tpu.vector_load %arg5[%swap3A_19] {strides = array<i32>} : memref<6528xi32, #tpu.memory_space<vmem>>, vector<16xi32>,
    %swap3A_21 = vector.shape_cast %swap3A_20 : vector<16xi32> to vector<16xi32>
    %swap3A_22 = vector.shape_cast %broadcast_in_dim3A_3 : vector<16xi32> to vector<16xi32>
    tpu.vector_store %arg5[%swap3A_19], %swap3A_22 {strides = array<i32>} : memref<6528xi32, #tpu.memory_space<vmem>>, vector<16xi32>,
    %swap3A_23 = arith.constant 6480 : index
    %swap3A_24 = tpu.vector_load %arg5[%swap3A_23] {strides = array<i32>} : memref<6528xi32, #tpu.memory_space<vmem>>, vector<16xi32>,
    %swap3A_25 = vector.shape_cast %swap3A_24 : vector<16xi32> to vector<16xi32>
    %swap3A_26 = vector.shape_cast %broadcast_in_dim3A_3 : vector<16xi32> to vector<16xi32>
    tpu.vector_store %arg5[%swap3A_23], %swap3A_26 {strides = array<i32>} : memref<6528xi32, #tpu.memory_space<vmem>>, vector<16xi32>,
    %swap3A_27 = arith.constant 6496 : index
    %swap3A_28 = tpu.vector_load %arg5[%swap3A_27] {strides = array<i32>} : memref<6528xi32, #tpu.memory_space<vmem>>, vector<16xi32>,
    %swap3A_29 = vector.shape_cast %swap3A_28 : vector<16xi32> to vector<16xi32>
    %swap3A_30 = vector.shape_cast %broadcast_in_dim3A_3 : vector<16xi32> to vector<16xi32>
    tpu.vector_store %arg5[%swap3A_27], %swap3A_30 {strides = array<i32>} : memref<6528xi32, #tpu.memory_space<vmem>>, vector<16xi32>,
    %swap3A_31 = arith.constant 6512 : index
    %swap3A_32 = tpu.vector_load %arg5[%swap3A_31] {strides = array<i32>} : memref<6528xi32, #tpu.memory_space<vmem>>, vector<16xi32>,
    %swap3A_33 = vector.shape_cast %swap3A_32 : vector<16xi32> to vector<16xi32>
    %swap3A_34 = vector.shape_cast %broadcast_in_dim3A_3 : vector<16xi32> to vector<16xi32>
    tpu.vector_store %arg5[%swap3A_31], %swap3A_34 {strides = array<i32>} : memref<6528xi32, #tpu.memory_space<vmem>>, vector<16xi32>,
    %scan3A = arith.constant 0 : i32
    %scan3A_35 = arith.constant 0 : i32
    %scan3A_36 = arith.constant 8 : i32
    %scan3A_37 = arith.addi %scan3A_35, %scan3A_36 : i32
    %scan3A_38 = arith.constant 1 : i32
    scf.for %scan3A_94 = %scan3A_35 to %scan3A_37 step %scan3A_38  : i32 {
      %mul3A_95 = arith.constant 16 : i32
      %mul3A_96 = arith.muli %scan3A_94, %mul3A_95 : i32
      %add3A_97 = arith.constant 0 : i32
      %add3A_98 = arith.addi %add3A_97, %mul3A_96 : i32
      %get3A = arith.index_cast %add3A_98 : i32 to index
      %get3A_99 = tpu.vector_load %arg5[%get3A] {strides = array<i32>} : memref<6528xi32, #tpu.memory_space<vmem>>, vector<16xi32>,
      %get3A_100 = vector.shape_cast %get3A_99 : vector<16xi32> to vector<16xi32>
      %slice3A = vector.extract_strided_slice %get3A_100 {offsets = [0], sizes = [1], strides = [1]} : vector<16xi32> to vector<1xi32>
      %squeeze3A = vector.extract %slice3A[0] : i32 from vector<1xi32>
      %mul3A_101 = arith.constant 16 : i32
      %mul3A_102 = arith.muli %scan3A_94, %mul3A_101 : i32
      %add3A_103 = arith.constant 0 : i32
      %add3A_104 = arith.addi %mul3A_102, %add3A_103 : i32
      %dma_start3A_105 = arith.constant 0 : i32
      %dma_start3A_106 = tpu.memref_slice %arg6[%add3A_104, %dma_start3A_105] : memref<128x300xf32, #tpu.memory_space<vmem>> -> memref<1x300xf32, #tpu.memory_space<vmem>>
      %dma_start3A_107 = arith.constant 0 : i32
      %dma_start3A_108 = tpu.memref_slice %arg3[%squeeze3A, %dma_start3A_107] : memref<999994x300xf32, #tpu.memory_space<hbm>> -> memref<1x300xf32, #tpu.memory_space<hbm>>
      %dma_start3A_109 = arith.constant 0 : i32
      %dma_start3A_110 = tpu.memref_slice %arg6[%add3A_104, %dma_start3A_109] : memref<128x300xf32, #tpu.memory_space<vmem>> -> memref<1x300xf32, #tpu.memory_space<vmem>>
      %dma_start3A_111 = arith.constant 0 : i32
      %dma_start3A_112 = tpu.memref_slice %arg3[%squeeze3A, %dma_start3A_111] : memref<999994x300xf32, #tpu.memory_space<hbm>> -> memref<1x300xf32, #tpu.memory_space<hbm>>
      tpu.enqueue_dma source(%dma_start3A_112 : memref<1x300xf32, #tpu.memory_space<hbm>>) target(%dma_start3A_110 : memref<1x300xf32, #tpu.memory_space<vmem>>) target_semaphore(%arg8 : memref<!tpu.dma_semaphore, #tpu.memory_space<semaphore_mem>>)
      %slice3A_113 = vector.extract_strided_slice %get3A_100 {offsets = [1], sizes = [1], strides = [1]} : vector<16xi32> to vector<1xi32>
      %squeeze3A_114 = vector.extract %slice3A_113[0] : i32 from vector<1xi32>
      %mul3A_115 = arith.constant 16 : i32
      %mul3A_116 = arith.muli %scan3A_94, %mul3A_115 : i32
      %add3A_117 = arith.constant 1 : i32
      %add3A_118 = arith.addi %mul3A_116, %add3A_117 : i32
      %dma_start3A_119 = arith.constant 0 : i32
      %dma_start3A_120 = tpu.memref_slice %arg6[%add3A_118, %dma_start3A_119] : memref<128x300xf32, #tpu.memory_space<vmem>> -> memref<1x300xf32, #tpu.memory_space<vmem>>
      %dma_start3A_121 = arith.constant 0 : i32
      %dma_start3A_122 = tpu.memref_slice %arg3[%squeeze3A_114, %dma_start3A_121] : memref<999994x300xf32, #tpu.memory_space<hbm>> -> memref<1x300xf32, #tpu.memory_space<hbm>>
      %dma_start3A_123 = arith.constant 0 : i32
      %dma_start3A_124 = tpu.memref_slice %arg6[%add3A_118, %dma_start3A_123] : memref<128x300xf32, #tpu.memory_space<vmem>> -> memref<1x300xf32, #tpu.memory_space<vmem>>
      %dma_start3A_125 = arith.constant 0 : i32
      %dma_start3A_126 = tpu.memref_slice %arg3[%squeeze3A_114, %dma_start3A_125] : memref<999994x300xf32, #tpu.memory_space<hbm>> -> memref<1x300xf32, #tpu.memory_space<hbm>>
      tpu.enqueue_dma source(%dma_start3A_126 : memref<1x300xf32, #tpu.memory_space<hbm>>) target(%dma_start3A_124 : memref<1x300xf32, #tpu.memory_space<vmem>>) target_semaphore(%arg8 : memref<!tpu.dma_semaphore, #tpu.memory_space<semaphore_mem>>)
      %slice3A_127 = vector.extract_strided_slice %get3A_100 {offsets = [2], sizes = [1], strides = [1]} : vector<16xi32> to vector<1xi32>
      %squeeze3A_128 = vector.extract %slice3A_127[0] : i32 from vector<1xi32>
      %mul3A_129 = arith.constant 16 : i32
      %mul3A_130 = arith.muli %scan3A_94, %mul3A_129 : i32
      %add3A_131 = arith.constant 2 : i32
      %add3A_132 = arith.addi %mul3A_130, %add3A_131 : i32
      %dma_start3A_133 = arith.constant 0 : i32
      %dma_start3A_134 = tpu.memref_slice %arg6[%add3A_132, %dma_start3A_133] : memref<128x300xf32, #tpu.memory_space<vmem>> -> memref<1x300xf32, #tpu.memory_space<vmem>>
      %dma_start3A_135 = arith.constant 0 : i32
      %dma_start3A_136 = tpu.memref_slice %arg3[%squeeze3A_128, %dma_start3A_135] : memref<999994x300xf32, #tpu.memory_space<hbm>> -> memref<1x300xf32, #tpu.memory_space<hbm>>
      %dma_start3A_137 = arith.constant 0 : i32
      %dma_start3A_138 = tpu.memref_slice %arg6[%add3A_132, %dma_start3A_137] : memref<128x300xf32, #tpu.memory_space<vmem>> -> memref<1x300xf32, #tpu.memory_space<vmem>>
      %dma_start3A_139 = arith.constant 0 : i32
      %dma_start3A_140 = tpu.memref_slice %arg3[%squeeze3A_128, %dma_start3A_139] : memref<999994x300xf32, #tpu.memory_space<hbm>> -> memref<1x300xf32, #tpu.memory_space<hbm>>
      tpu.enqueue_dma source(%dma_start3A_140 : memref<1x300xf32, #tpu.memory_space<hbm>>) target(%dma_start3A_138 : memref<1x300xf32, #tpu.memory_space<vmem>>) target_semaphore(%arg8 : memref<!tpu.dma_semaphore, #tpu.memory_space<semaphore_mem>>)
      %slice3A_141 = vector.extract_strided_slice %get3A_100 {offsets = [3], sizes = [1], strides = [1]} : vector<16xi32> to vector<1xi32>
      %squeeze3A_142 = vector.extract %slice3A_141[0] : i32 from vector<1xi32>
      %mul3A_143 = arith.constant 16 : i32
      %mul3A_144 = arith.muli %scan3A_94, %mul3A_143 : i32
      %add3A_145 = arith.constant 3 : i32
      %add3A_146 = arith.addi %mul3A_144, %add3A_145 : i32
      %dma_start3A_147 = arith.constant 0 : i32
      %dma_start3A_148 = tpu.memref_slice %arg6[%add3A_146, %dma_start3A_147] : memref<128x300xf32, #tpu.memory_space<vmem>> -> memref<1x300xf32, #tpu.memory_space<vmem>>
      %dma_start3A_149 = arith.constant 0 : i32
      %dma_start3A_150 = tpu.memref_slice %arg3[%squeeze3A_142, %dma_start3A_149] : memref<999994x300xf32, #tpu.memory_space<hbm>> -> memref<1x300xf32, #tpu.memory_space<hbm>>
      %dma_start3A_151 = arith.constant 0 : i32
      %dma_start3A_152 = tpu.memref_slice %arg6[%add3A_146, %dma_start3A_151] : memref<128x300xf32, #tpu.memory_space<vmem>> -> memref<1x300xf32, #tpu.memory_space<vmem>>
      %dma_start3A_153 = arith.constant 0 : i32
      %dma_start3A_154 = tpu.memref_slice %arg3[%squeeze3A_142, %dma_start3A_153] : memref<999994x300xf32, #tpu.memory_space<hbm>> -> memref<1x300xf32, #tpu.memory_space<hbm>>
      tpu.enqueue_dma source(%dma_start3A_154 : memref<1x300xf32, #tpu.memory_space<hbm>>) target(%dma_start3A_152 : memref<1x300xf32, #tpu.memory_space<vmem>>) target_semaphore(%arg8 : memref<!tpu.dma_semaphore, #tpu.memory_space<semaphore_mem>>)
      %slice3A_155 = vector.extract_strided_slice %get3A_100 {offsets = [4], sizes = [1], strides = [1]} : vector<16xi32> to vector<1xi32>
      %squeeze3A_156 = vector.extract %slice3A_155[0] : i32 from vector<1xi32>
      %mul3A_157 = arith.constant 16 : i32
      %mul3A_158 = arith.muli %scan3A_94, %mul3A_157 : i32
      %add3A_159 = arith.constant 4 : i32
      %add3A_160 = arith.addi %mul3A_158, %add3A_159 : i32
      %dma_start3A_161 = arith.constant 0 : i32
      %dma_start3A_162 = tpu.memref_slice %arg6[%add3A_160, %dma_start3A_161] : memref<128x300xf32, #tpu.memory_space<vmem>> -> memref<1x300xf32, #tpu.memory_space<vmem>>
      %dma_start3A_163 = arith.constant 0 : i32
      %dma_start3A_164 = tpu.memref_slice %arg3[%squeeze3A_156, %dma_start3A_163] : memref<999994x300xf32, #tpu.memory_space<hbm>> -> memref<1x300xf32, #tpu.memory_space<hbm>>
      %dma_start3A_165 = arith.constant 0 : i32
      %dma_start3A_166 = tpu.memref_slice %arg6[%add3A_160, %dma_start3A_165] : memref<128x300xf32, #tpu.memory_space<vmem>> -> memref<1x300xf32, #tpu.memory_space<vmem>>
      %dma_start3A_167 = arith.constant 0 : i32
      %dma_start3A_168 = tpu.memref_slice %arg3[%squeeze3A_156, %dma_start3A_167] : memref<999994x300xf32, #tpu.memory_space<hbm>> -> memref<1x300xf32, #tpu.memory_space<hbm>>
      tpu.enqueue_dma source(%dma_start3A_168 : memref<1x300xf32, #tpu.memory_space<hbm>>) target(%dma_start3A_166 : memref<1x300xf32, #tpu.memory_space<vmem>>) target_semaphore(%arg8 : memref<!tpu.dma_semaphore, #tpu.memory_space<semaphore_mem>>)
      %slice3A_169 = vector.extract_strided_slice %get3A_100 {offsets = [5], sizes = [1], strides = [1]} : vector<16xi32> to vector<1xi32>
      %squeeze3A_170 = vector.extract %slice3A_169[0] : i32 from vector<1xi32>
      %mul3A_171 = arith.constant 16 : i32
      %mul3A_172 = arith.muli %scan3A_94, %mul3A_171 : i32
      %add3A_173 = arith.constant 5 : i32
      %add3A_174 = arith.addi %mul3A_172, %add3A_173 : i32
      %dma_start3A_175 = arith.constant 0 : i32
      %dma_start3A_176 = tpu.memref_slice %arg6[%add3A_174, %dma_start3A_175] : memref<128x300xf32, #tpu.memory_space<vmem>> -> memref<1x300xf32, #tpu.memory_space<vmem>>
      %dma_start3A_177 = arith.constant 0 : i32
      %dma_start3A_178 = tpu.memref_slice %arg3[%squeeze3A_170, %dma_start3A_177] : memref<999994x300xf32, #tpu.memory_space<hbm>> -> memref<1x300xf32, #tpu.memory_space<hbm>>
      %dma_start3A_179 = arith.constant 0 : i32
      %dma_start3A_180 = tpu.memref_slice %arg6[%add3A_174, %dma_start3A_179] : memref<128x300xf32, #tpu.memory_space<vmem>> -> memref<1x300xf32, #tpu.memory_space<vmem>>
      %dma_start3A_181 = arith.constant 0 : i32
      %dma_start3A_182 = tpu.memref_slice %arg3[%squeeze3A_170, %dma_start3A_181] : memref<999994x300xf32, #tpu.memory_space<hbm>> -> memref<1x300xf32, #tpu.memory_space<hbm>>
      tpu.enqueue_dma source(%dma_start3A_182 : memref<1x300xf32, #tpu.memory_space<hbm>>) target(%dma_start3A_180 : memref<1x300xf32, #tpu.memory_space<vmem>>) target_semaphore(%arg8 : memref<!tpu.dma_semaphore, #tpu.memory_space<semaphore_mem>>)
      %slice3A_183 = vector.extract_strided_slice %get3A_100 {offsets = [6], sizes = [1], strides = [1]} : vector<16xi32> to vector<1xi32>
      %squeeze3A_184 = vector.extract %slice3A_183[0] : i32 from vector<1xi32>
      %mul3A_185 = arith.constant 16 : i32
      %mul3A_186 = arith.muli %scan3A_94, %mul3A_185 : i32
      %add3A_187 = arith.constant 6 : i32
      %add3A_188 = arith.addi %mul3A_186, %add3A_187 : i32
      %dma_start3A_189 = arith.constant 0 : i32
      %dma_start3A_190 = tpu.memref_slice %arg6[%add3A_188, %dma_start3A_189] : memref<128x300xf32, #tpu.memory_space<vmem>> -> memref<1x300xf32, #tpu.memory_space<vmem>>
      %dma_start3A_191 = arith.constant 0 : i32
      %dma_start3A_192 = tpu.memref_slice %arg3[%squeeze3A_184, %dma_start3A_191] : memref<999994x300xf32, #tpu.memory_space<hbm>> -> memref<1x300xf32, #tpu.memory_space<hbm>>
      %dma_start3A_193 = arith.constant 0 : i32
      %dma_start3A_194 = tpu.memref_slice %arg6[%add3A_188, %dma_start3A_193] : memref<128x300xf32, #tpu.memory_space<vmem>> -> memref<1x300xf32, #tpu.memory_space<vmem>>
      %dma_start3A_195 = arith.constant 0 : i32
      %dma_start3A_196 = tpu.memref_slice %arg3[%squeeze3A_184, %dma_start3A_195] : memref<999994x300xf32, #tpu.memory_space<hbm>> -> memref<1x300xf32, #tpu.memory_space<hbm>>
      tpu.enqueue_dma source(%dma_start3A_196 : memref<1x300xf32, #tpu.memory_space<hbm>>) target(%dma_start3A_194 : memref<1x300xf32, #tpu.memory_space<vmem>>) target_semaphore(%arg8 : memref<!tpu.dma_semaphore, #tpu.memory_space<semaphore_mem>>)
      %slice3A_197 = vector.extract_strided_slice %get3A_100 {offsets = [7], sizes = [1], strides = [1]} : vector<16xi32> to vector<1xi32>
      %squeeze3A_198 = vector.extract %slice3A_197[0] : i32 from vector<1xi32>
      %mul3A_199 = arith.constant 16 : i32
      %mul3A_200 = arith.muli %scan3A_94, %mul3A_199 : i32
      %add3A_201 = arith.constant 7 : i32
      %add3A_202 = arith.addi %mul3A_200, %add3A_201 : i32
      %dma_start3A_203 = arith.constant 0 : i32
      %dma_start3A_204 = tpu.memref_slice %arg6[%add3A_202, %dma_start3A_203] : memref<128x300xf32, #tpu.memory_space<vmem>> -> memref<1x300xf32, #tpu.memory_space<vmem>>
      %dma_start3A_205 = arith.constant 0 : i32
      %dma_start3A_206 = tpu.memref_slice %arg3[%squeeze3A_198, %dma_start3A_205] : memref<999994x300xf32, #tpu.memory_space<hbm>> -> memref<1x300xf32, #tpu.memory_space<hbm>>
      %dma_start3A_207 = arith.constant 0 : i32
      %dma_start3A_208 = tpu.memref_slice %arg6[%add3A_202, %dma_start3A_207] : memref<128x300xf32, #tpu.memory_space<vmem>> -> memref<1x300xf32, #tpu.memory_space<vmem>>
      %dma_start3A_209 = arith.constant 0 : i32
      %dma_start3A_210 = tpu.memref_slice %arg3[%squeeze3A_198, %dma_start3A_209] : memref<999994x300xf32, #tpu.memory_space<hbm>> -> memref<1x300xf32, #tpu.memory_space<hbm>>
      tpu.enqueue_dma source(%dma_start3A_210 : memref<1x300xf32, #tpu.memory_space<hbm>>) target(%dma_start3A_208 : memref<1x300xf32, #tpu.memory_space<vmem>>) target_semaphore(%arg8 : memref<!tpu.dma_semaphore, #tpu.memory_space<semaphore_mem>>)
      %slice3A_211 = vector.extract_strided_slice %get3A_100 {offsets = [8], sizes = [1], strides = [1]} : vector<16xi32> to vector<1xi32>
      %squeeze3A_212 = vector.extract %slice3A_211[0] : i32 from vector<1xi32>
      %mul3A_213 = arith.constant 16 : i32
      %mul3A_214 = arith.muli %scan3A_94, %mul3A_213 : i32
      %add3A_215 = arith.constant 8 : i32
      %add3A_216 = arith.addi %mul3A_214, %add3A_215 : i32
      %dma_start3A_217 = arith.constant 0 : i32
      %dma_start3A_218 = tpu.memref_slice %arg6[%add3A_216, %dma_start3A_217] : memref<128x300xf32, #tpu.memory_space<vmem>> -> memref<1x300xf32, #tpu.memory_space<vmem>>
      %dma_start3A_219 = arith.constant 0 : i32
      %dma_start3A_220 = tpu.memref_slice %arg3[%squeeze3A_212, %dma_start3A_219] : memref<999994x300xf32, #tpu.memory_space<hbm>> -> memref<1x300xf32, #tpu.memory_space<hbm>>
      %dma_start3A_221 = arith.constant 0 : i32
      %dma_start3A_222 = tpu.memref_slice %arg6[%add3A_216, %dma_start3A_221] : memref<128x300xf32, #tpu.memory_space<vmem>> -> memref<1x300xf32, #tpu.memory_space<vmem>>
      %dma_start3A_223 = arith.constant 0 : i32
      %dma_start3A_224 = tpu.memref_slice %arg3[%squeeze3A_212, %dma_start3A_223] : memref<999994x300xf32, #tpu.memory_space<hbm>> -> memref<1x300xf32, #tpu.memory_space<hbm>>
      tpu.enqueue_dma source(%dma_start3A_224 : memref<1x300xf32, #tpu.memory_space<hbm>>) target(%dma_start3A_222 : memref<1x300xf32, #tpu.memory_space<vmem>>) target_semaphore(%arg8 : memref<!tpu.dma_semaphore, #tpu.memory_space<semaphore_mem>>)
      %slice3A_225 = vector.extract_strided_slice %get3A_100 {offsets = [9], sizes = [1], strides = [1]} : vector<16xi32> to vector<1xi32>
      %squeeze3A_226 = vector.extract %slice3A_225[0] : i32 from vector<1xi32>
      %mul3A_227 = arith.constant 16 : i32
      %mul3A_228 = arith.muli %scan3A_94, %mul3A_227 : i32
      %add3A_229 = arith.constant 9 : i32
      %add3A_230 = arith.addi %mul3A_228, %add3A_229 : i32
      %dma_start3A_231 = arith.constant 0 : i32
      %dma_start3A_232 = tpu.memref_slice %arg6[%add3A_230, %dma_start3A_231] : memref<128x300xf32, #tpu.memory_space<vmem>> -> memref<1x300xf32, #tpu.memory_space<vmem>>
      %dma_start3A_233 = arith.constant 0 : i32
      %dma_start3A_234 = tpu.memref_slice %arg3[%squeeze3A_226, %dma_start3A_233] : memref<999994x300xf32, #tpu.memory_space<hbm>> -> memref<1x300xf32, #tpu.memory_space<hbm>>
      %dma_start3A_235 = arith.constant 0 : i32
      %dma_start3A_236 = tpu.memref_slice %arg6[%add3A_230, %dma_start3A_235] : memref<128x300xf32, #tpu.memory_space<vmem>> -> memref<1x300xf32, #tpu.memory_space<vmem>>
      %dma_start3A_237 = arith.constant 0 : i32
      %dma_start3A_238 = tpu.memref_slice %arg3[%squeeze3A_226, %dma_start3A_237] : memref<999994x300xf32, #tpu.memory_space<hbm>> -> memref<1x300xf32, #tpu.memory_space<hbm>>
      tpu.enqueue_dma source(%dma_start3A_238 : memref<1x300xf32, #tpu.memory_space<hbm>>) target(%dma_start3A_236 : memref<1x300xf32, #tpu.memory_space<vmem>>) target_semaphore(%arg8 : memref<!tpu.dma_semaphore, #tpu.memory_space<semaphore_mem>>)
      %slice3A_239 = vector.extract_strided_slice %get3A_100 {offsets = [10], sizes = [1], strides = [1]} : vector<16xi32> to vector<1xi32>
      %squeeze3A_240 = vector.extract %slice3A_239[0] : i32 from vector<1xi32>
      %mul3A_241 = arith.constant 16 : i32
      %mul3A_242 = arith.muli %scan3A_94, %mul3A_241 : i32
      %add3A_243 = arith.constant 10 : i32
      %add3A_244 = arith.addi %mul3A_242, %add3A_243 : i32
      %dma_start3A_245 = arith.constant 0 : i32
      %dma_start3A_246 = tpu.memref_slice %arg6[%add3A_244, %dma_start3A_245] : memref<128x300xf32, #tpu.memory_space<vmem>> -> memref<1x300xf32, #tpu.memory_space<vmem>>
      %dma_start3A_247 = arith.constant 0 : i32
      %dma_start3A_248 = tpu.memref_slice %arg3[%squeeze3A_240, %dma_start3A_247] : memref<999994x300xf32, #tpu.memory_space<hbm>> -> memref<1x300xf32, #tpu.memory_space<hbm>>
      %dma_start3A_249 = arith.constant 0 : i32
      %dma_start3A_250 = tpu.memref_slice %arg6[%add3A_244, %dma_start3A_249] : memref<128x300xf32, #tpu.memory_space<vmem>> -> memref<1x300xf32, #tpu.memory_space<vmem>>
      %dma_start3A_251 = arith.constant 0 : i32
      %dma_start3A_252 = tpu.memref_slice %arg3[%squeeze3A_240, %dma_start3A_251] : memref<999994x300xf32, #tpu.memory_space<hbm>> -> memref<1x300xf32, #tpu.memory_space<hbm>>
      tpu.enqueue_dma source(%dma_start3A_252 : memref<1x300xf32, #tpu.memory_space<hbm>>) target(%dma_start3A_250 : memref<1x300xf32, #tpu.memory_space<vmem>>) target_semaphore(%arg8 : memref<!tpu.dma_semaphore, #tpu.memory_space<semaphore_mem>>)
      %slice3A_253 = vector.extract_strided_slice %get3A_100 {offsets = [11], sizes = [1], strides = [1]} : vector<16xi32> to vector<1xi32>
      %squeeze3A_254 = vector.extract %slice3A_253[0] : i32 from vector<1xi32>
      %mul3A_255 = arith.constant 16 : i32
      %mul3A_256 = arith.muli %scan3A_94, %mul3A_255 : i32
      %add3A_257 = arith.constant 11 : i32
      %add3A_258 = arith.addi %mul3A_256, %add3A_257 : i32
      %dma_start3A_259 = arith.constant 0 : i32
      %dma_start3A_260 = tpu.memref_slice %arg6[%add3A_258, %dma_start3A_259] : memref<128x300xf32, #tpu.memory_space<vmem>> -> memref<1x300xf32, #tpu.memory_space<vmem>>
      %dma_start3A_261 = arith.constant 0 : i32
      %dma_start3A_262 = tpu.memref_slice %arg3[%squeeze3A_254, %dma_start3A_261] : memref<999994x300xf32, #tpu.memory_space<hbm>> -> memref<1x300xf32, #tpu.memory_space<hbm>>
      %dma_start3A_263 = arith.constant 0 : i32
      %dma_start3A_264 = tpu.memref_slice %arg6[%add3A_258, %dma_start3A_263] : memref<128x300xf32, #tpu.memory_space<vmem>> -> memref<1x300xf32, #tpu.memory_space<vmem>>
      %dma_start3A_265 = arith.constant 0 : i32
      %dma_start3A_266 = tpu.memref_slice %arg3[%squeeze3A_254, %dma_start3A_265] : memref<999994x300xf32, #tpu.memory_space<hbm>> -> memref<1x300xf32, #tpu.memory_space<hbm>>
      tpu.enqueue_dma source(%dma_start3A_266 : memref<1x300xf32, #tpu.memory_space<hbm>>) target(%dma_start3A_264 : memref<1x300xf32, #tpu.memory_space<vmem>>) target_semaphore(%arg8 : memref<!tpu.dma_semaphore, #tpu.memory_space<semaphore_mem>>)
      %slice3A_267 = vector.extract_strided_slice %get3A_100 {offsets = [12], sizes = [1], strides = [1]} : vector<16xi32> to vector<1xi32>
      %squeeze3A_268 = vector.extract %slice3A_267[0] : i32 from vector<1xi32>
      %mul3A_269 = arith.constant 16 : i32
      %mul3A_270 = arith.muli %scan3A_94, %mul3A_269 : i32
      %add3A_271 = arith.constant 12 : i32
      %add3A_272 = arith.addi %mul3A_270, %add3A_271 : i32
      %dma_start3A_273 = arith.constant 0 : i32
      %dma_start3A_274 = tpu.memref_slice %arg6[%add3A_272, %dma_start3A_273] : memref<128x300xf32, #tpu.memory_space<vmem>> -> memref<1x300xf32, #tpu.memory_space<vmem>>
      %dma_start3A_275 = arith.constant 0 : i32
      %dma_start3A_276 = tpu.memref_slice %arg3[%squeeze3A_268, %dma_start3A_275] : memref<999994x300xf32, #tpu.memory_space<hbm>> -> memref<1x300xf32, #tpu.memory_space<hbm>>
      %dma_start3A_277 = arith.constant 0 : i32
      %dma_start3A_278 = tpu.memref_slice %arg6[%add3A_272, %dma_start3A_277] : memref<128x300xf32, #tpu.memory_space<vmem>> -> memref<1x300xf32, #tpu.memory_space<vmem>>
      %dma_start3A_279 = arith.constant 0 : i32
      %dma_start3A_280 = tpu.memref_slice %arg3[%squeeze3A_268, %dma_start3A_279] : memref<999994x300xf32, #tpu.memory_space<hbm>> -> memref<1x300xf32, #tpu.memory_space<hbm>>
      tpu.enqueue_dma source(%dma_start3A_280 : memref<1x300xf32, #tpu.memory_space<hbm>>) target(%dma_start3A_278 : memref<1x300xf32, #tpu.memory_space<vmem>>) target_semaphore(%arg8 : memref<!tpu.dma_semaphore, #tpu.memory_space<semaphore_mem>>)
      %slice3A_281 = vector.extract_strided_slice %get3A_100 {offsets = [13], sizes = [1], strides = [1]} : vector<16xi32> to vector<1xi32>
      %squeeze3A_282 = vector.extract %slice3A_281[0] : i32 from vector<1xi32>
      %mul3A_283 = arith.constant 16 : i32
      %mul3A_284 = arith.muli %scan3A_94, %mul3A_283 : i32
      %add3A_285 = arith.constant 13 : i32
      %add3A_286 = arith.addi %mul3A_284, %add3A_285 : i32
      %dma_start3A_287 = arith.constant 0 : i32
      %dma_start3A_288 = tpu.memref_slice %arg6[%add3A_286, %dma_start3A_287] : memref<128x300xf32, #tpu.memory_space<vmem>> -> memref<1x300xf32, #tpu.memory_space<vmem>>
      %dma_start3A_289 = arith.constant 0 : i32
      %dma_start3A_290 = tpu.memref_slice %arg3[%squeeze3A_282, %dma_start3A_289] : memref<999994x300xf32, #tpu.memory_space<hbm>> -> memref<1x300xf32, #tpu.memory_space<hbm>>
      %dma_start3A_291 = arith.constant 0 : i32
      %dma_start3A_292 = tpu.memref_slice %arg6[%add3A_286, %dma_start3A_291] : memref<128x300xf32, #tpu.memory_space<vmem>> -> memref<1x300xf32, #tpu.memory_space<vmem>>
      %dma_start3A_293 = arith.constant 0 : i32
      %dma_start3A_294 = tpu.memref_slice %arg3[%squeeze3A_282, %dma_start3A_293] : memref<999994x300xf32, #tpu.memory_space<hbm>> -> memref<1x300xf32, #tpu.memory_space<hbm>>
      tpu.enqueue_dma source(%dma_start3A_294 : memref<1x300xf32, #tpu.memory_space<hbm>>) target(%dma_start3A_292 : memref<1x300xf32, #tpu.memory_space<vmem>>) target_semaphore(%arg8 : memref<!tpu.dma_semaphore, #tpu.memory_space<semaphore_mem>>)
      %slice3A_295 = vector.extract_strided_slice %get3A_100 {offsets = [14], sizes = [1], strides = [1]} : vector<16xi32> to vector<1xi32>
      %squeeze3A_296 = vector.extract %slice3A_295[0] : i32 from vector<1xi32>
      %mul3A_297 = arith.constant 16 : i32
      %mul3A_298 = arith.muli %scan3A_94, %mul3A_297 : i32
      %add3A_299 = arith.constant 14 : i32
      %add3A_300 = arith.addi %mul3A_298, %add3A_299 : i32
      %dma_start3A_301 = arith.constant 0 : i32
      %dma_start3A_302 = tpu.memref_slice %arg6[%add3A_300, %dma_start3A_301] : memref<128x300xf32, #tpu.memory_space<vmem>> -> memref<1x300xf32, #tpu.memory_space<vmem>>
      %dma_start3A_303 = arith.constant 0 : i32
      %dma_start3A_304 = tpu.memref_slice %arg3[%squeeze3A_296, %dma_start3A_303] : memref<999994x300xf32, #tpu.memory_space<hbm>> -> memref<1x300xf32, #tpu.memory_space<hbm>>
      %dma_start3A_305 = arith.constant 0 : i32
      %dma_start3A_306 = tpu.memref_slice %arg6[%add3A_300, %dma_start3A_305] : memref<128x300xf32, #tpu.memory_space<vmem>> -> memref<1x300xf32, #tpu.memory_space<vmem>>
      %dma_start3A_307 = arith.constant 0 : i32
      %dma_start3A_308 = tpu.memref_slice %arg3[%squeeze3A_296, %dma_start3A_307] : memref<999994x300xf32, #tpu.memory_space<hbm>> -> memref<1x300xf32, #tpu.memory_space<hbm>>
      tpu.enqueue_dma source(%dma_start3A_308 : memref<1x300xf32, #tpu.memory_space<hbm>>) target(%dma_start3A_306 : memref<1x300xf32, #tpu.memory_space<vmem>>) target_semaphore(%arg8 : memref<!tpu.dma_semaphore, #tpu.memory_space<semaphore_mem>>)
      %slice3A_309 = vector.extract_strided_slice %get3A_100 {offsets = [15], sizes = [1], strides = [1]} : vector<16xi32> to vector<1xi32>
      %squeeze3A_310 = vector.extract %slice3A_309[0] : i32 from vector<1xi32>
      %mul3A_311 = arith.constant 16 : i32
      %mul3A_312 = arith.muli %scan3A_94, %mul3A_311 : i32
      %add3A_313 = arith.constant 15 : i32
      %add3A_314 = arith.addi %mul3A_312, %add3A_313 : i32
      %dma_start3A_315 = arith.constant 0 : i32
      %dma_start3A_316 = tpu.memref_slice %arg6[%add3A_314, %dma_start3A_315] : memref<128x300xf32, #tpu.memory_space<vmem>> -> memref<1x300xf32, #tpu.memory_space<vmem>>
      %dma_start3A_317 = arith.constant 0 : i32
      %dma_start3A_318 = tpu.memref_slice %arg3[%squeeze3A_310, %dma_start3A_317] : memref<999994x300xf32, #tpu.memory_space<hbm>> -> memref<1x300xf32, #tpu.memory_space<hbm>>
      %dma_start3A_319 = arith.constant 0 : i32
      %dma_start3A_320 = tpu.memref_slice %arg6[%add3A_314, %dma_start3A_319] : memref<128x300xf32, #tpu.memory_space<vmem>> -> memref<1x300xf32, #tpu.memory_space<vmem>>
      %dma_start3A_321 = arith.constant 0 : i32
      %dma_start3A_322 = tpu.memref_slice %arg3[%squeeze3A_310, %dma_start3A_321] : memref<999994x300xf32, #tpu.memory_space<hbm>> -> memref<1x300xf32, #tpu.memory_space<hbm>>
      tpu.enqueue_dma source(%dma_start3A_322 : memref<1x300xf32, #tpu.memory_space<hbm>>) target(%dma_start3A_320 : memref<1x300xf32, #tpu.memory_space<vmem>>) target_semaphore(%arg8 : memref<!tpu.dma_semaphore, #tpu.memory_space<semaphore_mem>>)
    }
    %scan3A_39 = arith.constant 8 : i32
    %scan3A_40 = arith.constant 0 : i32
    %scan3A_41 = arith.constant 0 : i32
    %scan3A_42 = arith.constant 8 : i32
    %scan3A_43 = arith.addi %scan3A_41, %scan3A_42 : i32
    %scan3A_44 = arith.constant 1 : i32
    scf.for %scan3A_94 = %scan3A_41 to %scan3A_43 step %scan3A_44  : i32 {
      %mul3A_95 = arith.constant 16 : i32
      %mul3A_96 = arith.muli %scan3A_94, %mul3A_95 : i32
      %add3A_97 = arith.constant 128 : i32
      %add3A_98 = arith.addi %add3A_97, %mul3A_96 : i32
      %get3A = arith.index_cast %add3A_98 : i32 to index
      %get3A_99 = tpu.vector_load %arg5[%get3A] {strides = array<i32>} : memref<6528xi32, #tpu.memory_space<vmem>>, vector<16xi32>,
      %get3A_100 = vector.shape_cast %get3A_99 : vector<16xi32> to vector<16xi32>
      %slice3A = vector.extract_strided_slice %get3A_100 {offsets = [0], sizes = [1], strides = [1]} : vector<16xi32> to vector<1xi32>
      %squeeze3A = vector.extract %slice3A[0] : i32 from vector<1xi32>
      %mul3A_101 = arith.constant 16 : i32
      %mul3A_102 = arith.muli %scan3A_94, %mul3A_101 : i32
      %add3A_103 = arith.constant 0 : i32
      %add3A_104 = arith.addi %mul3A_102, %add3A_103 : i32
      %dma_start3A_105 = arith.constant 0 : i32
      %dma_start3A_106 = tpu.memref_slice %arg7[%add3A_104, %dma_start3A_105] : memref<128x300xf32, #tpu.memory_space<vmem>> -> memref<1x300xf32, #tpu.memory_space<vmem>>
      %dma_start3A_107 = arith.constant 0 : i32
      %dma_start3A_108 = tpu.memref_slice %arg3[%squeeze3A, %dma_start3A_107] : memref<999994x300xf32, #tpu.memory_space<hbm>> -> memref<1x300xf32, #tpu.memory_space<hbm>>
      %dma_start3A_109 = arith.constant 0 : i32
      %dma_start3A_110 = tpu.memref_slice %arg7[%add3A_104, %dma_start3A_109] : memref<128x300xf32, #tpu.memory_space<vmem>> -> memref<1x300xf32, #tpu.memory_space<vmem>>
      %dma_start3A_111 = arith.constant 0 : i32
      %dma_start3A_112 = tpu.memref_slice %arg3[%squeeze3A, %dma_start3A_111] : memref<999994x300xf32, #tpu.memory_space<hbm>> -> memref<1x300xf32, #tpu.memory_space<hbm>>
      tpu.enqueue_dma source(%dma_start3A_112 : memref<1x300xf32, #tpu.memory_space<hbm>>) target(%dma_start3A_110 : memref<1x300xf32, #tpu.memory_space<vmem>>) target_semaphore(%arg9 : memref<!tpu.dma_semaphore, #tpu.memory_space<semaphore_mem>>)
      %slice3A_113 = vector.extract_strided_slice %get3A_100 {offsets = [1], sizes = [1], strides = [1]} : vector<16xi32> to vector<1xi32>
      %squeeze3A_114 = vector.extract %slice3A_113[0] : i32 from vector<1xi32>
      %mul3A_115 = arith.constant 16 : i32
      %mul3A_116 = arith.muli %scan3A_94, %mul3A_115 : i32
      %add3A_117 = arith.constant 1 : i32
      %add3A_118 = arith.addi %mul3A_116, %add3A_117 : i32
      %dma_start3A_119 = arith.constant 0 : i32
      %dma_start3A_120 = tpu.memref_slice %arg7[%add3A_118, %dma_start3A_119] : memref<128x300xf32, #tpu.memory_space<vmem>> -> memref<1x300xf32, #tpu.memory_space<vmem>>
      %dma_start3A_121 = arith.constant 0 : i32
      %dma_start3A_122 = tpu.memref_slice %arg3[%squeeze3A_114, %dma_start3A_121] : memref<999994x300xf32, #tpu.memory_space<hbm>> -> memref<1x300xf32, #tpu.memory_space<hbm>>
      %dma_start3A_123 = arith.constant 0 : i32
      %dma_start3A_124 = tpu.memref_slice %arg7[%add3A_118, %dma_start3A_123] : memref<128x300xf32, #tpu.memory_space<vmem>> -> memref<1x300xf32, #tpu.memory_space<vmem>>
      %dma_start3A_125 = arith.constant 0 : i32
      %dma_start3A_126 = tpu.memref_slice %arg3[%squeeze3A_114, %dma_start3A_125] : memref<999994x300xf32, #tpu.memory_space<hbm>> -> memref<1x300xf32, #tpu.memory_space<hbm>>
      tpu.enqueue_dma source(%dma_start3A_126 : memref<1x300xf32, #tpu.memory_space<hbm>>) target(%dma_start3A_124 : memref<1x300xf32, #tpu.memory_space<vmem>>) target_semaphore(%arg9 : memref<!tpu.dma_semaphore, #tpu.memory_space<semaphore_mem>>)
      %slice3A_127 = vector.extract_strided_slice %get3A_100 {offsets = [2], sizes = [1], strides = [1]} : vector<16xi32> to vector<1xi32>
      %squeeze3A_128 = vector.extract %slice3A_127[0] : i32 from vector<1xi32>
      %mul3A_129 = arith.constant 16 : i32
      %mul3A_130 = arith.muli %scan3A_94, %mul3A_129 : i32
      %add3A_131 = arith.constant 2 : i32
      %add3A_132 = arith.addi %mul3A_130, %add3A_131 : i32
      %dma_start3A_133 = arith.constant 0 : i32
      %dma_start3A_134 = tpu.memref_slice %arg7[%add3A_132, %dma_start3A_133] : memref<128x300xf32, #tpu.memory_space<vmem>> -> memref<1x300xf32, #tpu.memory_space<vmem>>
      %dma_start3A_135 = arith.constant 0 : i32
      %dma_start3A_136 = tpu.memref_slice %arg3[%squeeze3A_128, %dma_start3A_135] : memref<999994x300xf32, #tpu.memory_space<hbm>> -> memref<1x300xf32, #tpu.memory_space<hbm>>
      %dma_start3A_137 = arith.constant 0 : i32
      %dma_start3A_138 = tpu.memref_slice %arg7[%add3A_132, %dma_start3A_137] : memref<128x300xf32, #tpu.memory_space<vmem>> -> memref<1x300xf32, #tpu.memory_space<vmem>>
      %dma_start3A_139 = arith.constant 0 : i32
      %dma_start3A_140 = tpu.memref_slice %arg3[%squeeze3A_128, %dma_start3A_139] : memref<999994x300xf32, #tpu.memory_space<hbm>> -> memref<1x300xf32, #tpu.memory_space<hbm>>
      tpu.enqueue_dma source(%dma_start3A_140 : memref<1x300xf32, #tpu.memory_space<hbm>>) target(%dma_start3A_138 : memref<1x300xf32, #tpu.memory_space<vmem>>) target_semaphore(%arg9 : memref<!tpu.dma_semaphore, #tpu.memory_space<semaphore_mem>>)
      %slice3A_141 = vector.extract_strided_slice %get3A_100 {offsets = [3], sizes = [1], strides = [1]} : vector<16xi32> to vector<1xi32>
      %squeeze3A_142 = vector.extract %slice3A_141[0] : i32 from vector<1xi32>
      %mul3A_143 = arith.constant 16 : i32
      %mul3A_144 = arith.muli %scan3A_94, %mul3A_143 : i32
      %add3A_145 = arith.constant 3 : i32
      %add3A_146 = arith.addi %mul3A_144, %add3A_145 : i32
      %dma_start3A_147 = arith.constant 0 : i32
      %dma_start3A_148 = tpu.memref_slice %arg7[%add3A_146, %dma_start3A_147] : memref<128x300xf32, #tpu.memory_space<vmem>> -> memref<1x300xf32, #tpu.memory_space<vmem>>
      %dma_start3A_149 = arith.constant 0 : i32
      %dma_start3A_150 = tpu.memref_slice %arg3[%squeeze3A_142, %dma_start3A_149] : memref<999994x300xf32, #tpu.memory_space<hbm>> -> memref<1x300xf32, #tpu.memory_space<hbm>>
      %dma_start3A_151 = arith.constant 0 : i32
      %dma_start3A_152 = tpu.memref_slice %arg7[%add3A_146, %dma_start3A_151] : memref<128x300xf32, #tpu.memory_space<vmem>> -> memref<1x300xf32, #tpu.memory_space<vmem>>
      %dma_start3A_153 = arith.constant 0 : i32
      %dma_start3A_154 = tpu.memref_slice %arg3[%squeeze3A_142, %dma_start3A_153] : memref<999994x300xf32, #tpu.memory_space<hbm>> -> memref<1x300xf32, #tpu.memory_space<hbm>>
      tpu.enqueue_dma source(%dma_start3A_154 : memref<1x300xf32, #tpu.memory_space<hbm>>) target(%dma_start3A_152 : memref<1x300xf32, #tpu.memory_space<vmem>>) target_semaphore(%arg9 : memref<!tpu.dma_semaphore, #tpu.memory_space<semaphore_mem>>)
      %slice3A_155 = vector.extract_strided_slice %get3A_100 {offsets = [4], sizes = [1], strides = [1]} : vector<16xi32> to vector<1xi32>
      %squeeze3A_156 = vector.extract %slice3A_155[0] : i32 from vector<1xi32>
      %mul3A_157 = arith.constant 16 : i32
      %mul3A_158 = arith.muli %scan3A_94, %mul3A_157 : i32
      %add3A_159 = arith.constant 4 : i32
      %add3A_160 = arith.addi %mul3A_158, %add3A_159 : i32
      %dma_start3A_161 = arith.constant 0 : i32
      %dma_start3A_162 = tpu.memref_slice %arg7[%add3A_160, %dma_start3A_161] : memref<128x300xf32, #tpu.memory_space<vmem>> -> memref<1x300xf32, #tpu.memory_space<vmem>>
      %dma_start3A_163 = arith.constant 0 : i32
      %dma_start3A_164 = tpu.memref_slice %arg3[%squeeze3A_156, %dma_start3A_163] : memref<999994x300xf32, #tpu.memory_space<hbm>> -> memref<1x300xf32, #tpu.memory_space<hbm>>
      %dma_start3A_165 = arith.constant 0 : i32
      %dma_start3A_166 = tpu.memref_slice %arg7[%add3A_160, %dma_start3A_165] : memref<128x300xf32, #tpu.memory_space<vmem>> -> memref<1x300xf32, #tpu.memory_space<vmem>>
      %dma_start3A_167 = arith.constant 0 : i32
      %dma_start3A_168 = tpu.memref_slice %arg3[%squeeze3A_156, %dma_start3A_167] : memref<999994x300xf32, #tpu.memory_space<hbm>> -> memref<1x300xf32, #tpu.memory_space<hbm>>
      tpu.enqueue_dma source(%dma_start3A_168 : memref<1x300xf32, #tpu.memory_space<hbm>>) target(%dma_start3A_166 : memref<1x300xf32, #tpu.memory_space<vmem>>) target_semaphore(%arg9 : memref<!tpu.dma_semaphore, #tpu.memory_space<semaphore_mem>>)
      %slice3A_169 = vector.extract_strided_slice %get3A_100 {offsets = [5], sizes = [1], strides = [1]} : vector<16xi32> to vector<1xi32>
      %squeeze3A_170 = vector.extract %slice3A_169[0] : i32 from vector<1xi32>
      %mul3A_171 = arith.constant 16 : i32
      %mul3A_172 = arith.muli %scan3A_94, %mul3A_171 : i32
      %add3A_173 = arith.constant 5 : i32
      %add3A_174 = arith.addi %mul3A_172, %add3A_173 : i32
      %dma_start3A_175 = arith.constant 0 : i32
      %dma_start3A_176 = tpu.memref_slice %arg7[%add3A_174, %dma_start3A_175] : memref<128x300xf32, #tpu.memory_space<vmem>> -> memref<1x300xf32, #tpu.memory_space<vmem>>
      %dma_start3A_177 = arith.constant 0 : i32
      %dma_start3A_178 = tpu.memref_slice %arg3[%squeeze3A_170, %dma_start3A_177] : memref<999994x300xf32, #tpu.memory_space<hbm>> -> memref<1x300xf32, #tpu.memory_space<hbm>>
      %dma_start3A_179 = arith.constant 0 : i32
      %dma_start3A_180 = tpu.memref_slice %arg7[%add3A_174, %dma_start3A_179] : memref<128x300xf32, #tpu.memory_space<vmem>> -> memref<1x300xf32, #tpu.memory_space<vmem>>
      %dma_start3A_181 = arith.constant 0 : i32
      %dma_start3A_182 = tpu.memref_slice %arg3[%squeeze3A_170, %dma_start3A_181] : memref<999994x300xf32, #tpu.memory_space<hbm>> -> memref<1x300xf32, #tpu.memory_space<hbm>>
      tpu.enqueue_dma source(%dma_start3A_182 : memref<1x300xf32, #tpu.memory_space<hbm>>) target(%dma_start3A_180 : memref<1x300xf32, #tpu.memory_space<vmem>>) target_semaphore(%arg9 : memref<!tpu.dma_semaphore, #tpu.memory_space<semaphore_mem>>)
      %slice3A_183 = vector.extract_strided_slice %get3A_100 {offsets = [6], sizes = [1], strides = [1]} : vector<16xi32> to vector<1xi32>
      %squeeze3A_184 = vector.extract %slice3A_183[0] : i32 from vector<1xi32>
      %mul3A_185 = arith.constant 16 : i32
      %mul3A_186 = arith.muli %scan3A_94, %mul3A_185 : i32
      %add3A_187 = arith.constant 6 : i32
      %add3A_188 = arith.addi %mul3A_186, %add3A_187 : i32
      %dma_start3A_189 = arith.constant 0 : i32
      %dma_start3A_190 = tpu.memref_slice %arg7[%add3A_188, %dma_start3A_189] : memref<128x300xf32, #tpu.memory_space<vmem>> -> memref<1x300xf32, #tpu.memory_space<vmem>>
      %dma_start3A_191 = arith.constant 0 : i32
      %dma_start3A_192 = tpu.memref_slice %arg3[%squeeze3A_184, %dma_start3A_191] : memref<999994x300xf32, #tpu.memory_space<hbm>> -> memref<1x300xf32, #tpu.memory_space<hbm>>
      %dma_start3A_193 = arith.constant 0 : i32
      %dma_start3A_194 = tpu.memref_slice %arg7[%add3A_188, %dma_start3A_193] : memref<128x300xf32, #tpu.memory_space<vmem>> -> memref<1x300xf32, #tpu.memory_space<vmem>>
      %dma_start3A_195 = arith.constant 0 : i32
      %dma_start3A_196 = tpu.memref_slice %arg3[%squeeze3A_184, %dma_start3A_195] : memref<999994x300xf32, #tpu.memory_space<hbm>> -> memref<1x300xf32, #tpu.memory_space<hbm>>
      tpu.enqueue_dma source(%dma_start3A_196 : memref<1x300xf32, #tpu.memory_space<hbm>>) target(%dma_start3A_194 : memref<1x300xf32, #tpu.memory_space<vmem>>) target_semaphore(%arg9 : memref<!tpu.dma_semaphore, #tpu.memory_space<semaphore_mem>>)
      %slice3A_197 = vector.extract_strided_slice %get3A_100 {offsets = [7], sizes = [1], strides = [1]} : vector<16xi32> to vector<1xi32>
      %squeeze3A_198 = vector.extract %slice3A_197[0] : i32 from vector<1xi32>
      %mul3A_199 = arith.constant 16 : i32
      %mul3A_200 = arith.muli %scan3A_94, %mul3A_199 : i32
      %add3A_201 = arith.constant 7 : i32
      %add3A_202 = arith.addi %mul3A_200, %add3A_201 : i32
      %dma_start3A_203 = arith.constant 0 : i32
      %dma_start3A_204 = tpu.memref_slice %arg7[%add3A_202, %dma_start3A_203] : memref<128x300xf32, #tpu.memory_space<vmem>> -> memref<1x300xf32, #tpu.memory_space<vmem>>
      %dma_start3A_205 = arith.constant 0 : i32
      %dma_start3A_206 = tpu.memref_slice %arg3[%squeeze3A_198, %dma_start3A_205] : memref<999994x300xf32, #tpu.memory_space<hbm>> -> memref<1x300xf32, #tpu.memory_space<hbm>>
      %dma_start3A_207 = arith.constant 0 : i32
      %dma_start3A_208 = tpu.memref_slice %arg7[%add3A_202, %dma_start3A_207] : memref<128x300xf32, #tpu.memory_space<vmem>> -> memref<1x300xf32, #tpu.memory_space<vmem>>
      %dma_start3A_209 = arith.constant 0 : i32
      %dma_start3A_210 = tpu.memref_slice %arg3[%squeeze3A_198, %dma_start3A_209] : memref<999994x300xf32, #tpu.memory_space<hbm>> -> memref<1x300xf32, #tpu.memory_space<hbm>>
      tpu.enqueue_dma source(%dma_start3A_210 : memref<1x300xf32, #tpu.memory_space<hbm>>) target(%dma_start3A_208 : memref<1x300xf32, #tpu.memory_space<vmem>>) target_semaphore(%arg9 : memref<!tpu.dma_semaphore, #tpu.memory_space<semaphore_mem>>)
      %slice3A_211 = vector.extract_strided_slice %get3A_100 {offsets = [8], sizes = [1], strides = [1]} : vector<16xi32> to vector<1xi32>
      %squeeze3A_212 = vector.extract %slice3A_211[0] : i32 from vector<1xi32>
      %mul3A_213 = arith.constant 16 : i32
      %mul3A_214 = arith.muli %scan3A_94, %mul3A_213 : i32
      %add3A_215 = arith.constant 8 : i32
      %add3A_216 = arith.addi %mul3A_214, %add3A_215 : i32
      %dma_start3A_217 = arith.constant 0 : i32
      %dma_start3A_218 = tpu.memref_slice %arg7[%add3A_216, %dma_start3A_217] : memref<128x300xf32, #tpu.memory_space<vmem>> -> memref<1x300xf32, #tpu.memory_space<vmem>>
      %dma_start3A_219 = arith.constant 0 : i32
      %dma_start3A_220 = tpu.memref_slice %arg3[%squeeze3A_212, %dma_start3A_219] : memref<999994x300xf32, #tpu.memory_space<hbm>> -> memref<1x300xf32, #tpu.memory_space<hbm>>
      %dma_start3A_221 = arith.constant 0 : i32
      %dma_start3A_222 = tpu.memref_slice %arg7[%add3A_216, %dma_start3A_221] : memref<128x300xf32, #tpu.memory_space<vmem>> -> memref<1x300xf32, #tpu.memory_space<vmem>>
      %dma_start3A_223 = arith.constant 0 : i32
      %dma_start3A_224 = tpu.memref_slice %arg3[%squeeze3A_212, %dma_start3A_223] : memref<999994x300xf32, #tpu.memory_space<hbm>> -> memref<1x300xf32, #tpu.memory_space<hbm>>
      tpu.enqueue_dma source(%dma_start3A_224 : memref<1x300xf32, #tpu.memory_space<hbm>>) target(%dma_start3A_222 : memref<1x300xf32, #tpu.memory_space<vmem>>) target_semaphore(%arg9 : memref<!tpu.dma_semaphore, #tpu.memory_space<semaphore_mem>>)
      %slice3A_225 = vector.extract_strided_slice %get3A_100 {offsets = [9], sizes = [1], strides = [1]} : vector<16xi32> to vector<1xi32>
      %squeeze3A_226 = vector.extract %slice3A_225[0] : i32 from vector<1xi32>
      %mul3A_227 = arith.constant 16 : i32
      %mul3A_228 = arith.muli %scan3A_94, %mul3A_227 : i32
      %add3A_229 = arith.constant 9 : i32
      %add3A_230 = arith.addi %mul3A_228, %add3A_229 : i32
      %dma_start3A_231 = arith.constant 0 : i32
      %dma_start3A_232 = tpu.memref_slice %arg7[%add3A_230, %dma_start3A_231] : memref<128x300xf32, #tpu.memory_space<vmem>> -> memref<1x300xf32, #tpu.memory_space<vmem>>
      %dma_start3A_233 = arith.constant 0 : i32
      %dma_start3A_234 = tpu.memref_slice %arg3[%squeeze3A_226, %dma_start3A_233] : memref<999994x300xf32, #tpu.memory_space<hbm>> -> memref<1x300xf32, #tpu.memory_space<hbm>>
      %dma_start3A_235 = arith.constant 0 : i32
      %dma_start3A_236 = tpu.memref_slice %arg7[%add3A_230, %dma_start3A_235] : memref<128x300xf32, #tpu.memory_space<vmem>> -> memref<1x300xf32, #tpu.memory_space<vmem>>
      %dma_start3A_237 = arith.constant 0 : i32
      %dma_start3A_238 = tpu.memref_slice %arg3[%squeeze3A_226, %dma_start3A_237] : memref<999994x300xf32, #tpu.memory_space<hbm>> -> memref<1x300xf32, #tpu.memory_space<hbm>>
      tpu.enqueue_dma source(%dma_start3A_238 : memref<1x300xf32, #tpu.memory_space<hbm>>) target(%dma_start3A_236 : memref<1x300xf32, #tpu.memory_space<vmem>>) target_semaphore(%arg9 : memref<!tpu.dma_semaphore, #tpu.memory_space<semaphore_mem>>)
      %slice3A_239 = vector.extract_strided_slice %get3A_100 {offsets = [10], sizes = [1], strides = [1]} : vector<16xi32> to vector<1xi32>
      %squeeze3A_240 = vector.extract %slice3A_239[0] : i32 from vector<1xi32>
      %mul3A_241 = arith.constant 16 : i32
      %mul3A_242 = arith.muli %scan3A_94, %mul3A_241 : i32
      %add3A_243 = arith.constant 10 : i32
      %add3A_244 = arith.addi %mul3A_242, %add3A_243 : i32
      %dma_start3A_245 = arith.constant 0 : i32
      %dma_start3A_246 = tpu.memref_slice %arg7[%add3A_244, %dma_start3A_245] : memref<128x300xf32, #tpu.memory_space<vmem>> -> memref<1x300xf32, #tpu.memory_space<vmem>>
      %dma_start3A_247 = arith.constant 0 : i32
      %dma_start3A_248 = tpu.memref_slice %arg3[%squeeze3A_240, %dma_start3A_247] : memref<999994x300xf32, #tpu.memory_space<hbm>> -> memref<1x300xf32, #tpu.memory_space<hbm>>
      %dma_start3A_249 = arith.constant 0 : i32
      %dma_start3A_250 = tpu.memref_slice %arg7[%add3A_244, %dma_start3A_249] : memref<128x300xf32, #tpu.memory_space<vmem>> -> memref<1x300xf32, #tpu.memory_space<vmem>>
      %dma_start3A_251 = arith.constant 0 : i32
      %dma_start3A_252 = tpu.memref_slice %arg3[%squeeze3A_240, %dma_start3A_251] : memref<999994x300xf32, #tpu.memory_space<hbm>> -> memref<1x300xf32, #tpu.memory_space<hbm>>
      tpu.enqueue_dma source(%dma_start3A_252 : memref<1x300xf32, #tpu.memory_space<hbm>>) target(%dma_start3A_250 : memref<1x300xf32, #tpu.memory_space<vmem>>) target_semaphore(%arg9 : memref<!tpu.dma_semaphore, #tpu.memory_space<semaphore_mem>>)
      %slice3A_253 = vector.extract_strided_slice %get3A_100 {offsets = [11], sizes = [1], strides = [1]} : vector<16xi32> to vector<1xi32>
      %squeeze3A_254 = vector.extract %slice3A_253[0] : i32 from vector<1xi32>
      %mul3A_255 = arith.constant 16 : i32
      %mul3A_256 = arith.muli %scan3A_94, %mul3A_255 : i32
      %add3A_257 = arith.constant 11 : i32
      %add3A_258 = arith.addi %mul3A_256, %add3A_257 : i32
      %dma_start3A_259 = arith.constant 0 : i32
      %dma_start3A_260 = tpu.memref_slice %arg7[%add3A_258, %dma_start3A_259] : memref<128x300xf32, #tpu.memory_space<vmem>> -> memref<1x300xf32, #tpu.memory_space<vmem>>
      %dma_start3A_261 = arith.constant 0 : i32
      %dma_start3A_262 = tpu.memref_slice %arg3[%squeeze3A_254, %dma_start3A_261] : memref<999994x300xf32, #tpu.memory_space<hbm>> -> memref<1x300xf32, #tpu.memory_space<hbm>>
      %dma_start3A_263 = arith.constant 0 : i32
      %dma_start3A_264 = tpu.memref_slice %arg7[%add3A_258, %dma_start3A_263] : memref<128x300xf32, #tpu.memory_space<vmem>> -> memref<1x300xf32, #tpu.memory_space<vmem>>
      %dma_start3A_265 = arith.constant 0 : i32
      %dma_start3A_266 = tpu.memref_slice %arg3[%squeeze3A_254, %dma_start3A_265] : memref<999994x300xf32, #tpu.memory_space<hbm>> -> memref<1x300xf32, #tpu.memory_space<hbm>>
      tpu.enqueue_dma source(%dma_start3A_266 : memref<1x300xf32, #tpu.memory_space<hbm>>) target(%dma_start3A_264 : memref<1x300xf32, #tpu.memory_space<vmem>>) target_semaphore(%arg9 : memref<!tpu.dma_semaphore, #tpu.memory_space<semaphore_mem>>)
      %slice3A_267 = vector.extract_strided_slice %get3A_100 {offsets = [12], sizes = [1], strides = [1]} : vector<16xi32> to vector<1xi32>
      %squeeze3A_268 = vector.extract %slice3A_267[0] : i32 from vector<1xi32>
      %mul3A_269 = arith.constant 16 : i32
      %mul3A_270 = arith.muli %scan3A_94, %mul3A_269 : i32
      %add3A_271 = arith.constant 12 : i32
      %add3A_272 = arith.addi %mul3A_270, %add3A_271 : i32
      %dma_start3A_273 = arith.constant 0 : i32
      %dma_start3A_274 = tpu.memref_slice %arg7[%add3A_272, %dma_start3A_273] : memref<128x300xf32, #tpu.memory_space<vmem>> -> memref<1x300xf32, #tpu.memory_space<vmem>>
      %dma_start3A_275 = arith.constant 0 : i32
      %dma_start3A_276 = tpu.memref_slice %arg3[%squeeze3A_268, %dma_start3A_275] : memref<999994x300xf32, #tpu.memory_space<hbm>> -> memref<1x300xf32, #tpu.memory_space<hbm>>
      %dma_start3A_277 = arith.constant 0 : i32
      %dma_start3A_278 = tpu.memref_slice %arg7[%add3A_272, %dma_start3A_277] : memref<128x300xf32, #tpu.memory_space<vmem>> -> memref<1x300xf32, #tpu.memory_space<vmem>>
      %dma_start3A_279 = arith.constant 0 : i32
      %dma_start3A_280 = tpu.memref_slice %arg3[%squeeze3A_268, %dma_start3A_279] : memref<999994x300xf32, #tpu.memory_space<hbm>> -> memref<1x300xf32, #tpu.memory_space<hbm>>
      tpu.enqueue_dma source(%dma_start3A_280 : memref<1x300xf32, #tpu.memory_space<hbm>>) target(%dma_start3A_278 : memref<1x300xf32, #tpu.memory_space<vmem>>) target_semaphore(%arg9 : memref<!tpu.dma_semaphore, #tpu.memory_space<semaphore_mem>>)
      %slice3A_281 = vector.extract_strided_slice %get3A_100 {offsets = [13], sizes = [1], strides = [1]} : vector<16xi32> to vector<1xi32>
      %squeeze3A_282 = vector.extract %slice3A_281[0] : i32 from vector<1xi32>
      %mul3A_283 = arith.constant 16 : i32
      %mul3A_284 = arith.muli %scan3A_94, %mul3A_283 : i32
      %add3A_285 = arith.constant 13 : i32
      %add3A_286 = arith.addi %mul3A_284, %add3A_285 : i32
      %dma_start3A_287 = arith.constant 0 : i32
      %dma_start3A_288 = tpu.memref_slice %arg7[%add3A_286, %dma_start3A_287] : memref<128x300xf32, #tpu.memory_space<vmem>> -> memref<1x300xf32, #tpu.memory_space<vmem>>
      %dma_start3A_289 = arith.constant 0 : i32
      %dma_start3A_290 = tpu.memref_slice %arg3[%squeeze3A_282, %dma_start3A_289] : memref<999994x300xf32, #tpu.memory_space<hbm>> -> memref<1x300xf32, #tpu.memory_space<hbm>>
      %dma_start3A_291 = arith.constant 0 : i32
      %dma_start3A_292 = tpu.memref_slice %arg7[%add3A_286, %dma_start3A_291] : memref<128x300xf32, #tpu.memory_space<vmem>> -> memref<1x300xf32, #tpu.memory_space<vmem>>
      %dma_start3A_293 = arith.constant 0 : i32
      %dma_start3A_294 = tpu.memref_slice %arg3[%squeeze3A_282, %dma_start3A_293] : memref<999994x300xf32, #tpu.memory_space<hbm>> -> memref<1x300xf32, #tpu.memory_space<hbm>>
      tpu.enqueue_dma source(%dma_start3A_294 : memref<1x300xf32, #tpu.memory_space<hbm>>) target(%dma_start3A_292 : memref<1x300xf32, #tpu.memory_space<vmem>>) target_semaphore(%arg9 : memref<!tpu.dma_semaphore, #tpu.memory_space<semaphore_mem>>)
      %slice3A_295 = vector.extract_strided_slice %get3A_100 {offsets = [14], sizes = [1], strides = [1]} : vector<16xi32> to vector<1xi32>
      %squeeze3A_296 = vector.extract %slice3A_295[0] : i32 from vector<1xi32>
      %mul3A_297 = arith.constant 16 : i32
      %mul3A_298 = arith.muli %scan3A_94, %mul3A_297 : i32
      %add3A_299 = arith.constant 14 : i32
      %add3A_300 = arith.addi %mul3A_298, %add3A_299 : i32
      %dma_start3A_301 = arith.constant 0 : i32
      %dma_start3A_302 = tpu.memref_slice %arg7[%add3A_300, %dma_start3A_301] : memref<128x300xf32, #tpu.memory_space<vmem>> -> memref<1x300xf32, #tpu.memory_space<vmem>>
      %dma_start3A_303 = arith.constant 0 : i32
      %dma_start3A_304 = tpu.memref_slice %arg3[%squeeze3A_296, %dma_start3A_303] : memref<999994x300xf32, #tpu.memory_space<hbm>> -> memref<1x300xf32, #tpu.memory_space<hbm>>
      %dma_start3A_305 = arith.constant 0 : i32
      %dma_start3A_306 = tpu.memref_slice %arg7[%add3A_300, %dma_start3A_305] : memref<128x300xf32, #tpu.memory_space<vmem>> -> memref<1x300xf32, #tpu.memory_space<vmem>>
      %dma_start3A_307 = arith.constant 0 : i32
      %dma_start3A_308 = tpu.memref_slice %arg3[%squeeze3A_296, %dma_start3A_307] : memref<999994x300xf32, #tpu.memory_space<hbm>> -> memref<1x300xf32, #tpu.memory_space<hbm>>
      tpu.enqueue_dma source(%dma_start3A_308 : memref<1x300xf32, #tpu.memory_space<hbm>>) target(%dma_start3A_306 : memref<1x300xf32, #tpu.memory_space<vmem>>) target_semaphore(%arg9 : memref<!tpu.dma_semaphore, #tpu.memory_space<semaphore_mem>>)
      %slice3A_309 = vector.extract_strided_slice %get3A_100 {offsets = [15], sizes = [1], strides = [1]} : vector<16xi32> to vector<1xi32>
      %squeeze3A_310 = vector.extract %slice3A_309[0] : i32 from vector<1xi32>
      %mul3A_311 = arith.constant 16 : i32
      %mul3A_312 = arith.muli %scan3A_94, %mul3A_311 : i32
      %add3A_313 = arith.constant 15 : i32
      %add3A_314 = arith.addi %mul3A_312, %add3A_313 : i32
      %dma_start3A_315 = arith.constant 0 : i32
      %dma_start3A_316 = tpu.memref_slice %arg7[%add3A_314, %dma_start3A_315] : memref<128x300xf32, #tpu.memory_space<vmem>> -> memref<1x300xf32, #tpu.memory_space<vmem>>
      %dma_start3A_317 = arith.constant 0 : i32
      %dma_start3A_318 = tpu.memref_slice %arg3[%squeeze3A_310, %dma_start3A_317] : memref<999994x300xf32, #tpu.memory_space<hbm>> -> memref<1x300xf32, #tpu.memory_space<hbm>>
      %dma_start3A_319 = arith.constant 0 : i32
      %dma_start3A_320 = tpu.memref_slice %arg7[%add3A_314, %dma_start3A_319] : memref<128x300xf32, #tpu.memory_space<vmem>> -> memref<1x300xf32, #tpu.memory_space<vmem>>
      %dma_start3A_321 = arith.constant 0 : i32
      %dma_start3A_322 = tpu.memref_slice %arg3[%squeeze3A_310, %dma_start3A_321] : memref<999994x300xf32, #tpu.memory_space<hbm>> -> memref<1x300xf32, #tpu.memory_space<hbm>>
      tpu.enqueue_dma source(%dma_start3A_322 : memref<1x300xf32, #tpu.memory_space<hbm>>) target(%dma_start3A_320 : memref<1x300xf32, #tpu.memory_space<vmem>>) target_semaphore(%arg9 : memref<!tpu.dma_semaphore, #tpu.memory_space<semaphore_mem>>)
    }
    %scan3A_45 = arith.constant 8 : i32
    %dma_wait3A = arith.constant 0 : i32
    %dma_wait3A_46 = arith.constant 0 : i32
    %dma_wait3A_47 = tpu.memref_slice %arg3[%dma_wait3A, %dma_wait3A_46] : memref<999994x300xf32, #tpu.memory_space<hbm>> -> memref<128x300xf32, #tpu.memory_space<hbm>>
    %dma_wait3A_48 = arith.constant 0 : i32
    %dma_wait3A_49 = arith.constant 0 : i32
    %dma_wait3A_50 = tpu.memref_slice %arg3[%dma_wait3A_48, %dma_wait3A_49] : memref<999994x300xf32, #tpu.memory_space<hbm>> -> memref<128x300xf32, #tpu.memory_space<hbm>>
    tpu.wait_dma2 semaphore(%arg8 : memref<!tpu.dma_semaphore, #tpu.memory_space<semaphore_mem>>) src(%dma_wait3A_50 : memref<128x300xf32, #tpu.memory_space<hbm>>) dst(%arg6 : memref<128x300xf32, #tpu.memory_space<vmem>>)
    %add3A_51 = arith.constant 0 : i32
    %add3A_52 = arith.addi %mul3A_2, %add3A_51 : i32
    %dma_start3A = arith.constant 0 : i32
    %dma_start3A_53 = tpu.memref_slice %arg4[%add3A_52, %dma_start3A] : memref<204800x300xf32, #tpu.memory_space<hbm>> -> memref<128x300xf32, #tpu.memory_space<hbm>>
    %dma_start3A_54 = arith.constant 0 : i32
    %dma_start3A_55 = tpu.memref_slice %arg4[%add3A_52, %dma_start3A_54] : memref<204800x300xf32, #tpu.memory_space<hbm>> -> memref<128x300xf32, #tpu.memory_space<hbm>>
    tpu.enqueue_dma source(%arg6 : memref<128x300xf32, #tpu.memory_space<vmem>>) target(%dma_start3A_55 : memref<128x300xf32, #tpu.memory_space<hbm>>) target_semaphore(%arg10 : memref<!tpu.dma_semaphore, #tpu.memory_space<semaphore_mem>>)
    %dma_wait3A_56 = arith.constant 0 : i32
    %dma_wait3A_57 = arith.constant 0 : i32
    %dma_wait3A_58 = tpu.memref_slice %arg3[%dma_wait3A_56, %dma_wait3A_57] : memref<999994x300xf32, #tpu.memory_space<hbm>> -> memref<128x300xf32, #tpu.memory_space<hbm>>
    %dma_wait3A_59 = arith.constant 0 : i32
    %dma_wait3A_60 = arith.constant 0 : i32
    %dma_wait3A_61 = tpu.memref_slice %arg3[%dma_wait3A_59, %dma_wait3A_60] : memref<999994x300xf32, #tpu.memory_space<hbm>> -> memref<128x300xf32, #tpu.memory_space<hbm>>
    tpu.wait_dma2 semaphore(%arg9 : memref<!tpu.dma_semaphore, #tpu.memory_space<semaphore_mem>>) src(%dma_wait3A_61 : memref<128x300xf32, #tpu.memory_space<hbm>>) dst(%arg7 : memref<128x300xf32, #tpu.memory_space<vmem>>)
    %add3A_62 = arith.constant 128 : i32
    %add3A_63 = arith.addi %mul3A_2, %add3A_62 : i32
    %dma_start3A_64 = arith.constant 0 : i32
    %dma_start3A_65 = tpu.memref_slice %arg4[%add3A_63, %dma_start3A_64] : memref<204800x300xf32, #tpu.memory_space<hbm>> -> memref<128x300xf32, #tpu.memory_space<hbm>>
    %dma_start3A_66 = arith.constant 0 : i32
    %dma_start3A_67 = tpu.memref_slice %arg4[%add3A_63, %dma_start3A_66] : memref<204800x300xf32, #tpu.memory_space<hbm>> -> memref<128x300xf32, #tpu.memory_space<hbm>>
    tpu.enqueue_dma source(%arg7 : memref<128x300xf32, #tpu.memory_space<vmem>>) target(%dma_start3A_67 : memref<128x300xf32, #tpu.memory_space<hbm>>) target_semaphore(%arg11 : memref<!tpu.dma_semaphore, #tpu.memory_space<semaphore_mem>>)
    %dma_wait3A_68 = arith.constant 0 : i32
    %dma_wait3A_69 = tpu.memref_slice %arg4[%mul3A_2, %dma_wait3A_68] : memref<204800x300xf32, #tpu.memory_space<hbm>> -> memref<128x300xf32, #tpu.memory_space<hbm>>
    %dma_wait3A_70 = arith.constant 0 : i32
    %dma_wait3A_71 = tpu.memref_slice %arg4[%mul3A_2, %dma_wait3A_70] : memref<204800x300xf32, #tpu.memory_space<hbm>> -> memref<128x300xf32, #tpu.memory_space<hbm>>
    tpu.wait_dma2 semaphore(%arg10 : memref<!tpu.dma_semaphore, #tpu.memory_space<semaphore_mem>>) src(%arg6 : memref<128x300xf32, #tpu.memory_space<vmem>>) dst(%dma_wait3A_71 : memref<128x300xf32, #tpu.memory_space<hbm>>)
    %scan3A_72 = arith.constant 0 : i32
    %scan3A_73 = arith.constant 0 : i32
    %scan3A_74 = arith.constant 8 : i32
    %scan3A_75 = arith.addi %scan3A_73, %scan3A_74 : i32
    %scan3A_76 = arith.constant 1 : i32
    scf.for %scan3A_94 = %scan3A_73 to %scan3A_75 step %scan3A_76  : i32 {
      %mul3A_95 = arith.constant 16 : i32
      %mul3A_96 = arith.muli %scan3A_94, %mul3A_95 : i32
      %add3A_97 = arith.constant 256 : i32
      %add3A_98 = arith.addi %add3A_97, %mul3A_96 : i32
      %get3A = arith.index_cast %add3A_98 : i32 to index
      %get3A_99 = tpu.vector_load %arg5[%get3A] {strides = array<i32>} : memref<6528xi32, #tpu.memory_space<vmem>>, vector<16xi32>,
      %get3A_100 = vector.shape_cast %get3A_99 : vector<16xi32> to vector<16xi32>
      %slice3A = vector.extract_strided_slice %get3A_100 {offsets = [0], sizes = [1], strides = [1]} : vector<16xi32> to vector<1xi32>
      %squeeze3A = vector.extract %slice3A[0] : i32 from vector<1xi32>
      %mul3A_101 = arith.constant 16 : i32
      %mul3A_102 = arith.muli %scan3A_94, %mul3A_101 : i32
      %add3A_103 = arith.constant 0 : i32
      %add3A_104 = arith.addi %mul3A_102, %add3A_103 : i32
      %dma_start3A_105 = arith.constant 0 : i32
      %dma_start3A_106 = tpu.memref_slice %arg6[%add3A_104, %dma_start3A_105] : memref<128x300xf32, #tpu.memory_space<vmem>> -> memref<1x300xf32, #tpu.memory_space<vmem>>
      %dma_start3A_107 = arith.constant 0 : i32
      %dma_start3A_108 = tpu.memref_slice %arg3[%squeeze3A, %dma_start3A_107] : memref<999994x300xf32, #tpu.memory_space<hbm>> -> memref<1x300xf32, #tpu.memory_space<hbm>>
      %dma_start3A_109 = arith.constant 0 : i32
      %dma_start3A_110 = tpu.memref_slice %arg6[%add3A_104, %dma_start3A_109] : memref<128x300xf32, #tpu.memory_space<vmem>> -> memref<1x300xf32, #tpu.memory_space<vmem>>
      %dma_start3A_111 = arith.constant 0 : i32
      %dma_start3A_112 = tpu.memref_slice %arg3[%squeeze3A, %dma_start3A_111] : memref<999994x300xf32, #tpu.memory_space<hbm>> -> memref<1x300xf32, #tpu.memory_space<hbm>>
      tpu.enqueue_dma source(%dma_start3A_112 : memref<1x300xf32, #tpu.memory_space<hbm>>) target(%dma_start3A_110 : memref<1x300xf32, #tpu.memory_space<vmem>>) target_semaphore(%arg8 : memref<!tpu.dma_semaphore, #tpu.memory_space<semaphore_mem>>)
      %slice3A_113 = vector.extract_strided_slice %get3A_100 {offsets = [1], sizes = [1], strides = [1]} : vector<16xi32> to vector<1xi32>
      %squeeze3A_114 = vector.extract %slice3A_113[0] : i32 from vector<1xi32>
      %mul3A_115 = arith.constant 16 : i32
      %mul3A_116 = arith.muli %scan3A_94, %mul3A_115 : i32
      %add3A_117 = arith.constant 1 : i32
      %add3A_118 = arith.addi %mul3A_116, %add3A_117 : i32
      %dma_start3A_119 = arith.constant 0 : i32
      %dma_start3A_120 = tpu.memref_slice %arg6[%add3A_118, %dma_start3A_119] : memref<128x300xf32, #tpu.memory_space<vmem>> -> memref<1x300xf32, #tpu.memory_space<vmem>>
      %dma_start3A_121 = arith.constant 0 : i32
      %dma_start3A_122 = tpu.memref_slice %arg3[%squeeze3A_114, %dma_start3A_121] : memref<999994x300xf32, #tpu.memory_space<hbm>> -> memref<1x300xf32, #tpu.memory_space<hbm>>
      %dma_start3A_123 = arith.constant 0 : i32
      %dma_start3A_124 = tpu.memref_slice %arg6[%add3A_118, %dma_start3A_123] : memref<128x300xf32, #tpu.memory_space<vmem>> -> memref<1x300xf32, #tpu.memory_space<vmem>>
      %dma_start3A_125 = arith.constant 0 : i32
      %dma_start3A_126 = tpu.memref_slice %arg3[%squeeze3A_114, %dma_start3A_125] : memref<999994x300xf32, #tpu.memory_space<hbm>> -> memref<1x300xf32, #tpu.memory_space<hbm>>
      tpu.enqueue_dma source(%dma_start3A_126 : memref<1x300xf32, #tpu.memory_space<hbm>>) target(%dma_start3A_124 : memref<1x300xf32, #tpu.memory_space<vmem>>) target_semaphore(%arg8 : memref<!tpu.dma_semaphore, #tpu.memory_space<semaphore_mem>>)
      %slice3A_127 = vector.extract_strided_slice %get3A_100 {offsets = [2], sizes = [1], strides = [1]} : vector<16xi32> to vector<1xi32>
      %squeeze3A_128 = vector.extract %slice3A_127[0] : i32 from vector<1xi32>
      %mul3A_129 = arith.constant 16 : i32
      %mul3A_130 = arith.muli %scan3A_94, %mul3A_129 : i32
      %add3A_131 = arith.constant 2 : i32
      %add3A_132 = arith.addi %mul3A_130, %add3A_131 : i32
      %dma_start3A_133 = arith.constant 0 : i32
      %dma_start3A_134 = tpu.memref_slice %arg6[%add3A_132, %dma_start3A_133] : memref<128x300xf32, #tpu.memory_space<vmem>> -> memref<1x300xf32, #tpu.memory_space<vmem>>
      %dma_start3A_135 = arith.constant 0 : i32
      %dma_start3A_136 = tpu.memref_slice %arg3[%squeeze3A_128, %dma_start3A_135] : memref<999994x300xf32, #tpu.memory_space<hbm>> -> memref<1x300xf32, #tpu.memory_space<hbm>>
      %dma_start3A_137 = arith.constant 0 : i32
      %dma_start3A_138 = tpu.memref_slice %arg6[%add3A_132, %dma_start3A_137] : memref<128x300xf32, #tpu.memory_space<vmem>> -> memref<1x300xf32, #tpu.memory_space<vmem>>
      %dma_start3A_139 = arith.constant 0 : i32
      %dma_start3A_140 = tpu.memref_slice %arg3[%squeeze3A_128, %dma_start3A_139] : memref<999994x300xf32, #tpu.memory_space<hbm>> -> memref<1x300xf32, #tpu.memory_space<hbm>>
      tpu.enqueue_dma source(%dma_start3A_140 : memref<1x300xf32, #tpu.memory_space<hbm>>) target(%dma_start3A_138 : memref<1x300xf32, #tpu.memory_space<vmem>>) target_semaphore(%arg8 : memref<!tpu.dma_semaphore, #tpu.memory_space<semaphore_mem>>)
      %slice3A_141 = vector.extract_strided_slice %get3A_100 {offsets = [3], sizes = [1], strides = [1]} : vector<16xi32> to vector<1xi32>
      %squeeze3A_142 = vector.extract %slice3A_141[0] : i32 from vector<1xi32>
      %mul3A_143 = arith.constant 16 : i32
      %mul3A_144 = arith.muli %scan3A_94, %mul3A_143 : i32
      %add3A_145 = arith.constant 3 : i32
      %add3A_146 = arith.addi %mul3A_144, %add3A_145 : i32
      %dma_start3A_147 = arith.constant 0 : i32
      %dma_start3A_148 = tpu.memref_slice %arg6[%add3A_146, %dma_start3A_147] : memref<128x300xf32, #tpu.memory_space<vmem>> -> memref<1x300xf32, #tpu.memory_space<vmem>>
      %dma_start3A_149 = arith.constant 0 : i32
      %dma_start3A_150 = tpu.memref_slice %arg3[%squeeze3A_142, %dma_start3A_149] : memref<999994x300xf32, #tpu.memory_space<hbm>> -> memref<1x300xf32, #tpu.memory_space<hbm>>
      %dma_start3A_151 = arith.constant 0 : i32
      %dma_start3A_152 = tpu.memref_slice %arg6[%add3A_146, %dma_start3A_151] : memref<128x300xf32, #tpu.memory_space<vmem>> -> memref<1x300xf32, #tpu.memory_space<vmem>>
      %dma_start3A_153 = arith.constant 0 : i32
      %dma_start3A_154 = tpu.memref_slice %arg3[%squeeze3A_142, %dma_start3A_153] : memref<999994x300xf32, #tpu.memory_space<hbm>> -> memref<1x300xf32, #tpu.memory_space<hbm>>
      tpu.enqueue_dma source(%dma_start3A_154 : memref<1x300xf32, #tpu.memory_space<hbm>>) target(%dma_start3A_152 : memref<1x300xf32, #tpu.memory_space<vmem>>) target_semaphore(%arg8 : memref<!tpu.dma_semaphore, #tpu.memory_space<semaphore_mem>>)
      %slice3A_155 = vector.extract_strided_slice %get3A_100 {offsets = [4], sizes = [1], strides = [1]} : vector<16xi32> to vector<1xi32>
      %squeeze3A_156 = vector.extract %slice3A_155[0] : i32 from vector<1xi32>
      %mul3A_157 = arith.constant 16 : i32
      %mul3A_158 = arith.muli %scan3A_94, %mul3A_157 : i32
      %add3A_159 = arith.constant 4 : i32
      %add3A_160 = arith.addi %mul3A_158, %add3A_159 : i32
      %dma_start3A_161 = arith.constant 0 : i32
      %dma_start3A_162 = tpu.memref_slice %arg6[%add3A_160, %dma_start3A_161] : memref<128x300xf32, #tpu.memory_space<vmem>> -> memref<1x300xf32, #tpu.memory_space<vmem>>
      %dma_start3A_163 = arith.constant 0 : i32
      %dma_start3A_164 = tpu.memref_slice %arg3[%squeeze3A_156, %dma_start3A_163] : memref<999994x300xf32, #tpu.memory_space<hbm>> -> memref<1x300xf32, #tpu.memory_space<hbm>>
      %dma_start3A_165 = arith.constant 0 : i32
      %dma_start3A_166 = tpu.memref_slice %arg6[%add3A_160, %dma_start3A_165] : memref<128x300xf32, #tpu.memory_space<vmem>> -> memref<1x300xf32, #tpu.memory_space<vmem>>
      %dma_start3A_167 = arith.constant 0 : i32
      %dma_start3A_168 = tpu.memref_slice %arg3[%squeeze3A_156, %dma_start3A_167] : memref<999994x300xf32, #tpu.memory_space<hbm>> -> memref<1x300xf32, #tpu.memory_space<hbm>>
      tpu.enqueue_dma source(%dma_start3A_168 : memref<1x300xf32, #tpu.memory_space<hbm>>) target(%dma_start3A_166 : memref<1x300xf32, #tpu.memory_space<vmem>>) target_semaphore(%arg8 : memref<!tpu.dma_semaphore, #tpu.memory_space<semaphore_mem>>)
      %slice3A_169 = vector.extract_strided_slice %get3A_100 {offsets = [5], sizes = [1], strides = [1]} : vector<16xi32> to vector<1xi32>
      %squeeze3A_170 = vector.extract %slice3A_169[0] : i32 from vector<1xi32>
      %mul3A_171 = arith.constant 16 : i32
      %mul3A_172 = arith.muli %scan3A_94, %mul3A_171 : i32
      %add3A_173 = arith.constant 5 : i32
      %add3A_174 = arith.addi %mul3A_172, %add3A_173 : i32
      %dma_start3A_175 = arith.constant 0 : i32
      %dma_start3A_176 = tpu.memref_slice %arg6[%add3A_174, %dma_start3A_175] : memref<128x300xf32, #tpu.memory_space<vmem>> -> memref<1x300xf32, #tpu.memory_space<vmem>>
      %dma_start3A_177 = arith.constant 0 : i32
      %dma_start3A_178 = tpu.memref_slice %arg3[%squeeze3A_170, %dma_start3A_177] : memref<999994x300xf32, #tpu.memory_space<hbm>> -> memref<1x300xf32, #tpu.memory_space<hbm>>
      %dma_start3A_179 = arith.constant 0 : i32
      %dma_start3A_180 = tpu.memref_slice %arg6[%add3A_174, %dma_start3A_179] : memref<128x300xf32, #tpu.memory_space<vmem>> -> memref<1x300xf32, #tpu.memory_space<vmem>>
      %dma_start3A_181 = arith.constant 0 : i32
      %dma_start3A_182 = tpu.memref_slice %arg3[%squeeze3A_170, %dma_start3A_181] : memref<999994x300xf32, #tpu.memory_space<hbm>> -> memref<1x300xf32, #tpu.memory_space<hbm>>
      tpu.enqueue_dma source(%dma_start3A_182 : memref<1x300xf32, #tpu.memory_space<hbm>>) target(%dma_start3A_180 : memref<1x300xf32, #tpu.memory_space<vmem>>) target_semaphore(%arg8 : memref<!tpu.dma_semaphore, #tpu.memory_space<semaphore_mem>>)
      %slice3A_183 = vector.extract_strided_slice %get3A_100 {offsets = [6], sizes = [1], strides = [1]} : vector<16xi32> to vector<1xi32>
      %squeeze3A_184 = vector.extract %slice3A_183[0] : i32 from vector<1xi32>
      %mul3A_185 = arith.constant 16 : i32
      %mul3A_186 = arith.muli %scan3A_94, %mul3A_185 : i32
      %add3A_187 = arith.constant 6 : i32
      %add3A_188 = arith.addi %mul3A_186, %add3A_187 : i32
      %dma_start3A_189 = arith.constant 0 : i32
      %dma_start3A_190 = tpu.memref_slice %arg6[%add3A_188, %dma_start3A_189] : memref<128x300xf32, #tpu.memory_space<vmem>> -> memref<1x300xf32, #tpu.memory_space<vmem>>
      %dma_start3A_191 = arith.constant 0 : i32
      %dma_start3A_192 = tpu.memref_slice %arg3[%squeeze3A_184, %dma_start3A_191] : memref<999994x300xf32, #tpu.memory_space<hbm>> -> memref<1x300xf32, #tpu.memory_space<hbm>>
      %dma_start3A_193 = arith.constant 0 : i32
      %dma_start3A_194 = tpu.memref_slice %arg6[%add3A_188, %dma_start3A_193] : memref<128x300xf32, #tpu.memory_space<vmem>> -> memref<1x300xf32, #tpu.memory_space<vmem>>
      %dma_start3A_195 = arith.constant 0 : i32
      %dma_start3A_196 = tpu.memref_slice %arg3[%squeeze3A_184, %dma_start3A_195] : memref<999994x300xf32, #tpu.memory_space<hbm>> -> memref<1x300xf32, #tpu.memory_space<hbm>>
      tpu.enqueue_dma source(%dma_start3A_196 : memref<1x300xf32, #tpu.memory_space<hbm>>) target(%dma_start3A_194 : memref<1x300xf32, #tpu.memory_space<vmem>>) target_semaphore(%arg8 : memref<!tpu.dma_semaphore, #tpu.memory_space<semaphore_mem>>)
      %slice3A_197 = vector.extract_strided_slice %get3A_100 {offsets = [7], sizes = [1], strides = [1]} : vector<16xi32> to vector<1xi32>
      %squeeze3A_198 = vector.extract %slice3A_197[0] : i32 from vector<1xi32>
      %mul3A_199 = arith.constant 16 : i32
      %mul3A_200 = arith.muli %scan3A_94, %mul3A_199 : i32
      %add3A_201 = arith.constant 7 : i32
      %add3A_202 = arith.addi %mul3A_200, %add3A_201 : i32
      %dma_start3A_203 = arith.constant 0 : i32
      %dma_start3A_204 = tpu.memref_slice %arg6[%add3A_202, %dma_start3A_203] : memref<128x300xf32, #tpu.memory_space<vmem>> -> memref<1x300xf32, #tpu.memory_space<vmem>>
      %dma_start3A_205 = arith.constant 0 : i32
      %dma_start3A_206 = tpu.memref_slice %arg3[%squeeze3A_198, %dma_start3A_205] : memref<999994x300xf32, #tpu.memory_space<hbm>> -> memref<1x300xf32, #tpu.memory_space<hbm>>
      %dma_start3A_207 = arith.constant 0 : i32
      %dma_start3A_208 = tpu.memref_slice %arg6[%add3A_202, %dma_start3A_207] : memref<128x300xf32, #tpu.memory_space<vmem>> -> memref<1x300xf32, #tpu.memory_space<vmem>>
      %dma_start3A_209 = arith.constant 0 : i32
      %dma_start3A_210 = tpu.memref_slice %arg3[%squeeze3A_198, %dma_start3A_209] : memref<999994x300xf32, #tpu.memory_space<hbm>> -> memref<1x300xf32, #tpu.memory_space<hbm>>
      tpu.enqueue_dma source(%dma_start3A_210 : memref<1x300xf32, #tpu.memory_space<hbm>>) target(%dma_start3A_208 : memref<1x300xf32, #tpu.memory_space<vmem>>) target_semaphore(%arg8 : memref<!tpu.dma_semaphore, #tpu.memory_space<semaphore_mem>>)
      %slice3A_211 = vector.extract_strided_slice %get3A_100 {offsets = [8], sizes = [1], strides = [1]} : vector<16xi32> to vector<1xi32>
      %squeeze3A_212 = vector.extract %slice3A_211[0] : i32 from vector<1xi32>
      %mul3A_213 = arith.constant 16 : i32
      %mul3A_214 = arith.muli %scan3A_94, %mul3A_213 : i32
      %add3A_215 = arith.constant 8 : i32
      %add3A_216 = arith.addi %mul3A_214, %add3A_215 : i32
      %dma_start3A_217 = arith.constant 0 : i32
      %dma_start3A_218 = tpu.memref_slice %arg6[%add3A_216, %dma_start3A_217] : memref<128x300xf32, #tpu.memory_space<vmem>> -> memref<1x300xf32, #tpu.memory_space<vmem>>
      %dma_start3A_219 = arith.constant 0 : i32
      %dma_start3A_220 = tpu.memref_slice %arg3[%squeeze3A_212, %dma_start3A_219] : memref<999994x300xf32, #tpu.memory_space<hbm>> -> memref<1x300xf32, #tpu.memory_space<hbm>>
      %dma_start3A_221 = arith.constant 0 : i32
      %dma_start3A_222 = tpu.memref_slice %arg6[%add3A_216, %dma_start3A_221] : memref<128x300xf32, #tpu.memory_space<vmem>> -> memref<1x300xf32, #tpu.memory_space<vmem>>
      %dma_start3A_223 = arith.constant 0 : i32
      %dma_start3A_224 = tpu.memref_slice %arg3[%squeeze3A_212, %dma_start3A_223] : memref<999994x300xf32, #tpu.memory_space<hbm>> -> memref<1x300xf32, #tpu.memory_space<hbm>>
      tpu.enqueue_dma source(%dma_start3A_224 : memref<1x300xf32, #tpu.memory_space<hbm>>) target(%dma_start3A_222 : memref<1x300xf32, #tpu.memory_space<vmem>>) target_semaphore(%arg8 : memref<!tpu.dma_semaphore, #tpu.memory_space<semaphore_mem>>)
      %slice3A_225 = vector.extract_strided_slice %get3A_100 {offsets = [9], sizes = [1], strides = [1]} : vector<16xi32> to vector<1xi32>
      %squeeze3A_226 = vector.extract %slice3A_225[0] : i32 from vector<1xi32>
      %mul3A_227 = arith.constant 16 : i32
      %mul3A_228 = arith.muli %scan3A_94, %mul3A_227 : i32
      %add3A_229 = arith.constant 9 : i32
      %add3A_230 = arith.addi %mul3A_228, %add3A_229 : i32
      %dma_start3A_231 = arith.constant 0 : i32
      %dma_start3A_232 = tpu.memref_slice %arg6[%add3A_230, %dma_start3A_231] : memref<128x300xf32, #tpu.memory_space<vmem>> -> memref<1x300xf32, #tpu.memory_space<vmem>>
      %dma_start3A_233 = arith.constant 0 : i32
      %dma_start3A_234 = tpu.memref_slice %arg3[%squeeze3A_226, %dma_start3A_233] : memref<999994x300xf32, #tpu.memory_space<hbm>> -> memref<1x300xf32, #tpu.memory_space<hbm>>
      %dma_start3A_235 = arith.constant 0 : i32
      %dma_start3A_236 = tpu.memref_slice %arg6[%add3A_230, %dma_start3A_235] : memref<128x300xf32, #tpu.memory_space<vmem>> -> memref<1x300xf32, #tpu.memory_space<vmem>>
      %dma_start3A_237 = arith.constant 0 : i32
      %dma_start3A_238 = tpu.memref_slice %arg3[%squeeze3A_226, %dma_start3A_237] : memref<999994x300xf32, #tpu.memory_space<hbm>> -> memref<1x300xf32, #tpu.memory_space<hbm>>
      tpu.enqueue_dma source(%dma_start3A_238 : memref<1x300xf32, #tpu.memory_space<hbm>>) target(%dma_start3A_236 : memref<1x300xf32, #tpu.memory_space<vmem>>) target_semaphore(%arg8 : memref<!tpu.dma_semaphore, #tpu.memory_space<semaphore_mem>>)
      %slice3A_239 = vector.extract_strided_slice %get3A_100 {offsets = [10], sizes = [1], strides = [1]} : vector<16xi32> to vector<1xi32>
      %squeeze3A_240 = vector.extract %slice3A_239[0] : i32 from vector<1xi32>
      %mul3A_241 = arith.constant 16 : i32
      %mul3A_242 = arith.muli %scan3A_94, %mul3A_241 : i32
      %add3A_243 = arith.constant 10 : i32
      %add3A_244 = arith.addi %mul3A_242, %add3A_243 : i32
      %dma_start3A_245 = arith.constant 0 : i32
      %dma_start3A_246 = tpu.memref_slice %arg6[%add3A_244, %dma_start3A_245] : memref<128x300xf32, #tpu.memory_space<vmem>> -> memref<1x300xf32, #tpu.memory_space<vmem>>
      %dma_start3A_247 = arith.constant 0 : i32
      %dma_start3A_248 = tpu.memref_slice %arg3[%squeeze3A_240, %dma_start3A_247] : memref<999994x300xf32, #tpu.memory_space<hbm>> -> memref<1x300xf32, #tpu.memory_space<hbm>>
      %dma_start3A_249 = arith.constant 0 : i32
      %dma_start3A_250 = tpu.memref_slice %arg6[%add3A_244, %dma_start3A_249] : memref<128x300xf32, #tpu.memory_space<vmem>> -> memref<1x300xf32, #tpu.memory_space<vmem>>
      %dma_start3A_251 = arith.constant 0 : i32
      %dma_start3A_252 = tpu.memref_slice %arg3[%squeeze3A_240, %dma_start3A_251] : memref<999994x300xf32, #tpu.memory_space<hbm>> -> memref<1x300xf32, #tpu.memory_space<hbm>>
      tpu.enqueue_dma source(%dma_start3A_252 : memref<1x300xf32, #tpu.memory_space<hbm>>) target(%dma_start3A_250 : memref<1x300xf32, #tpu.memory_space<vmem>>) target_semaphore(%arg8 : memref<!tpu.dma_semaphore, #tpu.memory_space<semaphore_mem>>)
      %slice3A_253 = vector.extract_strided_slice %get3A_100 {offsets = [11], sizes = [1], strides = [1]} : vector<16xi32> to vector<1xi32>
      %squeeze3A_254 = vector.extract %slice3A_253[0] : i32 from vector<1xi32>
      %mul3A_255 = arith.constant 16 : i32
      %mul3A_256 = arith.muli %scan3A_94, %mul3A_255 : i32
      %add3A_257 = arith.constant 11 : i32
      %add3A_258 = arith.addi %mul3A_256, %add3A_257 : i32
      %dma_start3A_259 = arith.constant 0 : i32
      %dma_start3A_260 = tpu.memref_slice %arg6[%add3A_258, %dma_start3A_259] : memref<128x300xf32, #tpu.memory_space<vmem>> -> memref<1x300xf32, #tpu.memory_space<vmem>>
      %dma_start3A_261 = arith.constant 0 : i32
      %dma_start3A_262 = tpu.memref_slice %arg3[%squeeze3A_254, %dma_start3A_261] : memref<999994x300xf32, #tpu.memory_space<hbm>> -> memref<1x300xf32, #tpu.memory_space<hbm>>
      %dma_start3A_263 = arith.constant 0 : i32
      %dma_start3A_264 = tpu.memref_slice %arg6[%add3A_258, %dma_start3A_263] : memref<128x300xf32, #tpu.memory_space<vmem>> -> memref<1x300xf32, #tpu.memory_space<vmem>>
      %dma_start3A_265 = arith.constant 0 : i32
      %dma_start3A_266 = tpu.memref_slice %arg3[%squeeze3A_254, %dma_start3A_265] : memref<999994x300xf32, #tpu.memory_space<hbm>> -> memref<1x300xf32, #tpu.memory_space<hbm>>
      tpu.enqueue_dma source(%dma_start3A_266 : memref<1x300xf32, #tpu.memory_space<hbm>>) target(%dma_start3A_264 : memref<1x300xf32, #tpu.memory_space<vmem>>) target_semaphore(%arg8 : memref<!tpu.dma_semaphore, #tpu.memory_space<semaphore_mem>>)
      %slice3A_267 = vector.extract_strided_slice %get3A_100 {offsets = [12], sizes = [1], strides = [1]} : vector<16xi32> to vector<1xi32>
      %squeeze3A_268 = vector.extract %slice3A_267[0] : i32 from vector<1xi32>
      %mul3A_269 = arith.constant 16 : i32
      %mul3A_270 = arith.muli %scan3A_94, %mul3A_269 : i32
      %add3A_271 = arith.constant 12 : i32
      %add3A_272 = arith.addi %mul3A_270, %add3A_271 : i32
      %dma_start3A_273 = arith.constant 0 : i32
      %dma_start3A_274 = tpu.memref_slice %arg6[%add3A_272, %dma_start3A_273] : memref<128x300xf32, #tpu.memory_space<vmem>> -> memref<1x300xf32, #tpu.memory_space<vmem>>
      %dma_start3A_275 = arith.constant 0 : i32
      %dma_start3A_276 = tpu.memref_slice %arg3[%squeeze3A_268, %dma_start3A_275] : memref<999994x300xf32, #tpu.memory_space<hbm>> -> memref<1x300xf32, #tpu.memory_space<hbm>>
      %dma_start3A_277 = arith.constant 0 : i32
      %dma_start3A_278 = tpu.memref_slice %arg6[%add3A_272, %dma_start3A_277] : memref<128x300xf32, #tpu.memory_space<vmem>> -> memref<1x300xf32, #tpu.memory_space<vmem>>
      %dma_start3A_279 = arith.constant 0 : i32
      %dma_start3A_280 = tpu.memref_slice %arg3[%squeeze3A_268, %dma_start3A_279] : memref<999994x300xf32, #tpu.memory_space<hbm>> -> memref<1x300xf32, #tpu.memory_space<hbm>>
      tpu.enqueue_dma source(%dma_start3A_280 : memref<1x300xf32, #tpu.memory_space<hbm>>) target(%dma_start3A_278 : memref<1x300xf32, #tpu.memory_space<vmem>>) target_semaphore(%arg8 : memref<!tpu.dma_semaphore, #tpu.memory_space<semaphore_mem>>)
      %slice3A_281 = vector.extract_strided_slice %get3A_100 {offsets = [13], sizes = [1], strides = [1]} : vector<16xi32> to vector<1xi32>
      %squeeze3A_282 = vector.extract %slice3A_281[0] : i32 from vector<1xi32>
      %mul3A_283 = arith.constant 16 : i32
      %mul3A_284 = arith.muli %scan3A_94, %mul3A_283 : i32
      %add3A_285 = arith.constant 13 : i32
      %add3A_286 = arith.addi %mul3A_284, %add3A_285 : i32
      %dma_start3A_287 = arith.constant 0 : i32
      %dma_start3A_288 = tpu.memref_slice %arg6[%add3A_286, %dma_start3A_287] : memref<128x300xf32, #tpu.memory_space<vmem>> -> memref<1x300xf32, #tpu.memory_space<vmem>>
      %dma_start3A_289 = arith.constant 0 : i32
      %dma_start3A_290 = tpu.memref_slice %arg3[%squeeze3A_282, %dma_start3A_289] : memref<999994x300xf32, #tpu.memory_space<hbm>> -> memref<1x300xf32, #tpu.memory_space<hbm>>
      %dma_start3A_291 = arith.constant 0 : i32
      %dma_start3A_292 = tpu.memref_slice %arg6[%add3A_286, %dma_start3A_291] : memref<128x300xf32, #tpu.memory_space<vmem>> -> memref<1x300xf32, #tpu.memory_space<vmem>>
      %dma_start3A_293 = arith.constant 0 : i32
      %dma_start3A_294 = tpu.memref_slice %arg3[%squeeze3A_282, %dma_start3A_293] : memref<999994x300xf32, #tpu.memory_space<hbm>> -> memref<1x300xf32, #tpu.memory_space<hbm>>
      tpu.enqueue_dma source(%dma_start3A_294 : memref<1x300xf32, #tpu.memory_space<hbm>>) target(%dma_start3A_292 : memref<1x300xf32, #tpu.memory_space<vmem>>) target_semaphore(%arg8 : memref<!tpu.dma_semaphore, #tpu.memory_space<semaphore_mem>>)
      %slice3A_295 = vector.extract_strided_slice %get3A_100 {offsets = [14], sizes = [1], strides = [1]} : vector<16xi32> to vector<1xi32>
      %squeeze3A_296 = vector.extract %slice3A_295[0] : i32 from vector<1xi32>
      %mul3A_297 = arith.constant 16 : i32
      %mul3A_298 = arith.muli %scan3A_94, %mul3A_297 : i32
      %add3A_299 = arith.constant 14 : i32
      %add3A_300 = arith.addi %mul3A_298, %add3A_299 : i32
      %dma_start3A_301 = arith.constant 0 : i32
      %dma_start3A_302 = tpu.memref_slice %arg6[%add3A_300, %dma_start3A_301] : memref<128x300xf32, #tpu.memory_space<vmem>> -> memref<1x300xf32, #tpu.memory_space<vmem>>
      %dma_start3A_303 = arith.constant 0 : i32
      %dma_start3A_304 = tpu.memref_slice %arg3[%squeeze3A_296, %dma_start3A_303] : memref<999994x300xf32, #tpu.memory_space<hbm>> -> memref<1x300xf32, #tpu.memory_space<hbm>>
      %dma_start3A_305 = arith.constant 0 : i32
      %dma_start3A_306 = tpu.memref_slice %arg6[%add3A_300, %dma_start3A_305] : memref<128x300xf32, #tpu.memory_space<vmem>> -> memref<1x300xf32, #tpu.memory_space<vmem>>
      %dma_start3A_307 = arith.constant 0 : i32
      %dma_start3A_308 = tpu.memref_slice %arg3[%squeeze3A_296, %dma_start3A_307] : memref<999994x300xf32, #tpu.memory_space<hbm>> -> memref<1x300xf32, #tpu.memory_space<hbm>>
      tpu.enqueue_dma source(%dma_start3A_308 : memref<1x300xf32, #tpu.memory_space<hbm>>) target(%dma_start3A_306 : memref<1x300xf32, #tpu.memory_space<vmem>>) target_semaphore(%arg8 : memref<!tpu.dma_semaphore, #tpu.memory_space<semaphore_mem>>)
      %slice3A_309 = vector.extract_strided_slice %get3A_100 {offsets = [15], sizes = [1], strides = [1]} : vector<16xi32> to vector<1xi32>
      %squeeze3A_310 = vector.extract %slice3A_309[0] : i32 from vector<1xi32>
      %mul3A_311 = arith.constant 16 : i32
      %mul3A_312 = arith.muli %scan3A_94, %mul3A_311 : i32
      %add3A_313 = arith.constant 15 : i32
      %add3A_314 = arith.addi %mul3A_312, %add3A_313 : i32
      %dma_start3A_315 = arith.constant 0 : i32
      %dma_start3A_316 = tpu.memref_slice %arg6[%add3A_314, %dma_start3A_315] : memref<128x300xf32, #tpu.memory_space<vmem>> -> memref<1x300xf32, #tpu.memory_space<vmem>>
      %dma_start3A_317 = arith.constant 0 : i32
      %dma_start3A_318 = tpu.memref_slice %arg3[%squeeze3A_310, %dma_start3A_317] : memref<999994x300xf32, #tpu.memory_space<hbm>> -> memref<1x300xf32, #tpu.memory_space<hbm>>
      %dma_start3A_319 = arith.constant 0 : i32
      %dma_start3A_320 = tpu.memref_slice %arg6[%add3A_314, %dma_start3A_319] : memref<128x300xf32, #tpu.memory_space<vmem>> -> memref<1x300xf32, #tpu.memory_space<vmem>>
      %dma_start3A_321 = arith.constant 0 : i32
      %dma_start3A_322 = tpu.memref_slice %arg3[%squeeze3A_310, %dma_start3A_321] : memref<999994x300xf32, #tpu.memory_space<hbm>> -> memref<1x300xf32, #tpu.memory_space<hbm>>
      tpu.enqueue_dma source(%dma_start3A_322 : memref<1x300xf32, #tpu.memory_space<hbm>>) target(%dma_start3A_320 : memref<1x300xf32, #tpu.memory_space<vmem>>) target_semaphore(%arg8 : memref<!tpu.dma_semaphore, #tpu.memory_space<semaphore_mem>>)
    }
    %scan3A_77 = arith.constant 8 : i32
    %scan3A_78 = arith.constant 0 : i32
    %scan3A_79 = arith.constant 0 : i32
    %scan3A_80 = arith.constant 24 : i32
    %scan3A_81 = arith.addi %scan3A_79, %scan3A_80 : i32
    %scan3A_82 = arith.constant 1 : i32
    scf.for %scan3A_94 = %scan3A_79 to %scan3A_81 step %scan3A_82  : i32 {
      %mul3A_95 = arith.constant 2 : i32
      %mul3A_96 = arith.muli %mul3A_95, %scan3A_94 : i32
      %add3A_97 = arith.constant 2 : i32
      %add3A_98 = arith.addi %mul3A_96, %add3A_97 : i32
      %add3A_99 = arith.constant 0 : i32
      %add3A_100 = arith.addi %add3A_98, %add3A_99 : i32
      %dma_wait3A_101 = arith.constant 0 : i32
      %dma_wait3A_102 = arith.constant 0 : i32
      %dma_wait3A_103 = tpu.memref_slice %arg3[%dma_wait3A_101, %dma_wait3A_102] : memref<999994x300xf32, #tpu.memory_space<hbm>> -> memref<128x300xf32, #tpu.memory_space<hbm>>
      %dma_wait3A_104 = arith.constant 0 : i32
      %dma_wait3A_105 = arith.constant 0 : i32
      %dma_wait3A_106 = tpu.memref_slice %arg3[%dma_wait3A_104, %dma_wait3A_105] : memref<999994x300xf32, #tpu.memory_space<hbm>> -> memref<128x300xf32, #tpu.memory_space<hbm>>
      tpu.wait_dma2 semaphore(%arg8 : memref<!tpu.dma_semaphore, #tpu.memory_space<semaphore_mem>>) src(%dma_wait3A_106 : memref<128x300xf32, #tpu.memory_space<hbm>>) dst(%arg6 : memref<128x300xf32, #tpu.memory_space<vmem>>)
      %mul3A_107 = arith.constant 128 : i32
      %mul3A_108 = arith.muli %add3A_100, %mul3A_107 : i32
      %add3A_109 = arith.addi %mul3A_2, %mul3A_108 : i32
      %dma_start3A_110 = arith.constant 0 : i32
      %dma_start3A_111 = tpu.memref_slice %arg4[%add3A_109, %dma_start3A_110] : memref<204800x300xf32, #tpu.memory_space<hbm>> -> memref<128x300xf32, #tpu.memory_space<hbm>>
      %dma_start3A_112 = arith.constant 0 : i32
      %dma_start3A_113 = tpu.memref_slice %arg4[%add3A_109, %dma_start3A_112] : memref<204800x300xf32, #tpu.memory_space<hbm>> -> memref<128x300xf32, #tpu.memory_space<hbm>>
      tpu.enqueue_dma source(%arg6 : memref<128x300xf32, #tpu.memory_space<vmem>>) target(%dma_start3A_113 : memref<128x300xf32, #tpu.memory_space<hbm>>) target_semaphore(%arg10 : memref<!tpu.dma_semaphore, #tpu.memory_space<semaphore_mem>>)
      %dma_wait3A_114 = arith.constant 0 : i32
      %dma_wait3A_115 = tpu.memref_slice %arg4[%mul3A_2, %dma_wait3A_114] : memref<204800x300xf32, #tpu.memory_space<hbm>> -> memref<128x300xf32, #tpu.memory_space<hbm>>
      %dma_wait3A_116 = arith.constant 0 : i32
      %dma_wait3A_117 = tpu.memref_slice %arg4[%mul3A_2, %dma_wait3A_116] : memref<204800x300xf32, #tpu.memory_space<hbm>> -> memref<128x300xf32, #tpu.memory_space<hbm>>
      tpu.wait_dma2 semaphore(%arg11 : memref<!tpu.dma_semaphore, #tpu.memory_space<semaphore_mem>>) src(%arg7 : memref<128x300xf32, #tpu.memory_space<vmem>>) dst(%dma_wait3A_117 : memref<128x300xf32, #tpu.memory_space<hbm>>)
      %add3A_118 = arith.constant 1 : i32
      %add3A_119 = arith.addi %add3A_100, %add3A_118 : i32
      %scan3A_120 = arith.constant 0 : i32
      %scan3A_121 = arith.constant 0 : i32
      %scan3A_122 = arith.constant 8 : i32
      %scan3A_123 = arith.addi %scan3A_121, %scan3A_122 : i32
      %scan3A_124 = arith.constant 1 : i32
      scf.for %scan3A_157 = %scan3A_121 to %scan3A_123 step %scan3A_124  : i32 {
        %mul3A_158 = arith.constant 128 : i32
        %mul3A_159 = arith.muli %add3A_119, %mul3A_158 : i32
        %mul3A_160 = arith.constant 16 : i32
        %mul3A_161 = arith.muli %scan3A_157, %mul3A_160 : i32
        %add3A_162 = arith.addi %mul3A_159, %mul3A_161 : i32
        %get3A = arith.index_cast %add3A_162 : i32 to index
        %get3A_163 = tpu.vector_load %arg5[%get3A] {strides = array<i32>} : memref<6528xi32, #tpu.memory_space<vmem>>, vector<16xi32>,
        %get3A_164 = vector.shape_cast %get3A_163 : vector<16xi32> to vector<16xi32>
        %slice3A = vector.extract_strided_slice %get3A_164 {offsets = [0], sizes = [1], strides = [1]} : vector<16xi32> to vector<1xi32>
        %squeeze3A = vector.extract %slice3A[0] : i32 from vector<1xi32>
        %mul3A_165 = arith.constant 16 : i32
        %mul3A_166 = arith.muli %scan3A_157, %mul3A_165 : i32
        %add3A_167 = arith.constant 0 : i32
        %add3A_168 = arith.addi %mul3A_166, %add3A_167 : i32
        %dma_start3A_169 = arith.constant 0 : i32
        %dma_start3A_170 = tpu.memref_slice %arg7[%add3A_168, %dma_start3A_169] : memref<128x300xf32, #tpu.memory_space<vmem>> -> memref<1x300xf32, #tpu.memory_space<vmem>>
        %dma_start3A_171 = arith.constant 0 : i32
        %dma_start3A_172 = tpu.memref_slice %arg3[%squeeze3A, %dma_start3A_171] : memref<999994x300xf32, #tpu.memory_space<hbm>> -> memref<1x300xf32, #tpu.memory_space<hbm>>
        %dma_start3A_173 = arith.constant 0 : i32
        %dma_start3A_174 = tpu.memref_slice %arg7[%add3A_168, %dma_start3A_173] : memref<128x300xf32, #tpu.memory_space<vmem>> -> memref<1x300xf32, #tpu.memory_space<vmem>>
        %dma_start3A_175 = arith.constant 0 : i32
        %dma_start3A_176 = tpu.memref_slice %arg3[%squeeze3A, %dma_start3A_175] : memref<999994x300xf32, #tpu.memory_space<hbm>> -> memref<1x300xf32, #tpu.memory_space<hbm>>
        tpu.enqueue_dma source(%dma_start3A_176 : memref<1x300xf32, #tpu.memory_space<hbm>>) target(%dma_start3A_174 : memref<1x300xf32, #tpu.memory_space<vmem>>) target_semaphore(%arg9 : memref<!tpu.dma_semaphore, #tpu.memory_space<semaphore_mem>>)
        %slice3A_177 = vector.extract_strided_slice %get3A_164 {offsets = [1], sizes = [1], strides = [1]} : vector<16xi32> to vector<1xi32>
        %squeeze3A_178 = vector.extract %slice3A_177[0] : i32 from vector<1xi32>
        %mul3A_179 = arith.constant 16 : i32
        %mul3A_180 = arith.muli %scan3A_157, %mul3A_179 : i32
        %add3A_181 = arith.constant 1 : i32
        %add3A_182 = arith.addi %mul3A_180, %add3A_181 : i32
        %dma_start3A_183 = arith.constant 0 : i32
        %dma_start3A_184 = tpu.memref_slice %arg7[%add3A_182, %dma_start3A_183] : memref<128x300xf32, #tpu.memory_space<vmem>> -> memref<1x300xf32, #tpu.memory_space<vmem>>
        %dma_start3A_185 = arith.constant 0 : i32
        %dma_start3A_186 = tpu.memref_slice %arg3[%squeeze3A_178, %dma_start3A_185] : memref<999994x300xf32, #tpu.memory_space<hbm>> -> memref<1x300xf32, #tpu.memory_space<hbm>>
        %dma_start3A_187 = arith.constant 0 : i32
        %dma_start3A_188 = tpu.memref_slice %arg7[%add3A_182, %dma_start3A_187] : memref<128x300xf32, #tpu.memory_space<vmem>> -> memref<1x300xf32, #tpu.memory_space<vmem>>
        %dma_start3A_189 = arith.constant 0 : i32
        %dma_start3A_190 = tpu.memref_slice %arg3[%squeeze3A_178, %dma_start3A_189] : memref<999994x300xf32, #tpu.memory_space<hbm>> -> memref<1x300xf32, #tpu.memory_space<hbm>>
        tpu.enqueue_dma source(%dma_start3A_190 : memref<1x300xf32, #tpu.memory_space<hbm>>) target(%dma_start3A_188 : memref<1x300xf32, #tpu.memory_space<vmem>>) target_semaphore(%arg9 : memref<!tpu.dma_semaphore, #tpu.memory_space<semaphore_mem>>)
        %slice3A_191 = vector.extract_strided_slice %get3A_164 {offsets = [2], sizes = [1], strides = [1]} : vector<16xi32> to vector<1xi32>
        %squeeze3A_192 = vector.extract %slice3A_191[0] : i32 from vector<1xi32>
        %mul3A_193 = arith.constant 16 : i32
        %mul3A_194 = arith.muli %scan3A_157, %mul3A_193 : i32
        %add3A_195 = arith.constant 2 : i32
        %add3A_196 = arith.addi %mul3A_194, %add3A_195 : i32
        %dma_start3A_197 = arith.constant 0 : i32
        %dma_start3A_198 = tpu.memref_slice %arg7[%add3A_196, %dma_start3A_197] : memref<128x300xf32, #tpu.memory_space<vmem>> -> memref<1x300xf32, #tpu.memory_space<vmem>>
        %dma_start3A_199 = arith.constant 0 : i32
        %dma_start3A_200 = tpu.memref_slice %arg3[%squeeze3A_192, %dma_start3A_199] : memref<999994x300xf32, #tpu.memory_space<hbm>> -> memref<1x300xf32, #tpu.memory_space<hbm>>
        %dma_start3A_201 = arith.constant 0 : i32
        %dma_start3A_202 = tpu.memref_slice %arg7[%add3A_196, %dma_start3A_201] : memref<128x300xf32, #tpu.memory_space<vmem>> -> memref<1x300xf32, #tpu.memory_space<vmem>>
        %dma_start3A_203 = arith.constant 0 : i32
        %dma_start3A_204 = tpu.memref_slice %arg3[%squeeze3A_192, %dma_start3A_203] : memref<999994x300xf32, #tpu.memory_space<hbm>> -> memref<1x300xf32, #tpu.memory_space<hbm>>
        tpu.enqueue_dma source(%dma_start3A_204 : memref<1x300xf32, #tpu.memory_space<hbm>>) target(%dma_start3A_202 : memref<1x300xf32, #tpu.memory_space<vmem>>) target_semaphore(%arg9 : memref<!tpu.dma_semaphore, #tpu.memory_space<semaphore_mem>>)
        %slice3A_205 = vector.extract_strided_slice %get3A_164 {offsets = [3], sizes = [1], strides = [1]} : vector<16xi32> to vector<1xi32>
        %squeeze3A_206 = vector.extract %slice3A_205[0] : i32 from vector<1xi32>
        %mul3A_207 = arith.constant 16 : i32
        %mul3A_208 = arith.muli %scan3A_157, %mul3A_207 : i32
        %add3A_209 = arith.constant 3 : i32
        %add3A_210 = arith.addi %mul3A_208, %add3A_209 : i32
        %dma_start3A_211 = arith.constant 0 : i32
        %dma_start3A_212 = tpu.memref_slice %arg7[%add3A_210, %dma_start3A_211] : memref<128x300xf32, #tpu.memory_space<vmem>> -> memref<1x300xf32, #tpu.memory_space<vmem>>
        %dma_start3A_213 = arith.constant 0 : i32
        %dma_start3A_214 = tpu.memref_slice %arg3[%squeeze3A_206, %dma_start3A_213] : memref<999994x300xf32, #tpu.memory_space<hbm>> -> memref<1x300xf32, #tpu.memory_space<hbm>>
        %dma_start3A_215 = arith.constant 0 : i32
        %dma_start3A_216 = tpu.memref_slice %arg7[%add3A_210, %dma_start3A_215] : memref<128x300xf32, #tpu.memory_space<vmem>> -> memref<1x300xf32, #tpu.memory_space<vmem>>
        %dma_start3A_217 = arith.constant 0 : i32
        %dma_start3A_218 = tpu.memref_slice %arg3[%squeeze3A_206, %dma_start3A_217] : memref<999994x300xf32, #tpu.memory_space<hbm>> -> memref<1x300xf32, #tpu.memory_space<hbm>>
        tpu.enqueue_dma source(%dma_start3A_218 : memref<1x300xf32, #tpu.memory_space<hbm>>) target(%dma_start3A_216 : memref<1x300xf32, #tpu.memory_space<vmem>>) target_semaphore(%arg9 : memref<!tpu.dma_semaphore, #tpu.memory_space<semaphore_mem>>)
        %slice3A_219 = vector.extract_strided_slice %get3A_164 {offsets = [4], sizes = [1], strides = [1]} : vector<16xi32> to vector<1xi32>
        %squeeze3A_220 = vector.extract %slice3A_219[0] : i32 from vector<1xi32>
        %mul3A_221 = arith.constant 16 : i32
        %mul3A_222 = arith.muli %scan3A_157, %mul3A_221 : i32
        %add3A_223 = arith.constant 4 : i32
        %add3A_224 = arith.addi %mul3A_222, %add3A_223 : i32
        %dma_start3A_225 = arith.constant 0 : i32
        %dma_start3A_226 = tpu.memref_slice %arg7[%add3A_224, %dma_start3A_225] : memref<128x300xf32, #tpu.memory_space<vmem>> -> memref<1x300xf32, #tpu.memory_space<vmem>>
        %dma_start3A_227 = arith.constant 0 : i32
        %dma_start3A_228 = tpu.memref_slice %arg3[%squeeze3A_220, %dma_start3A_227] : memref<999994x300xf32, #tpu.memory_space<hbm>> -> memref<1x300xf32, #tpu.memory_space<hbm>>
        %dma_start3A_229 = arith.constant 0 : i32
        %dma_start3A_230 = tpu.memref_slice %arg7[%add3A_224, %dma_start3A_229] : memref<128x300xf32, #tpu.memory_space<vmem>> -> memref<1x300xf32, #tpu.memory_space<vmem>>
        %dma_start3A_231 = arith.constant 0 : i32
        %dma_start3A_232 = tpu.memref_slice %arg3[%squeeze3A_220, %dma_start3A_231] : memref<999994x300xf32, #tpu.memory_space<hbm>> -> memref<1x300xf32, #tpu.memory_space<hbm>>
        tpu.enqueue_dma source(%dma_start3A_232 : memref<1x300xf32, #tpu.memory_space<hbm>>) target(%dma_start3A_230 : memref<1x300xf32, #tpu.memory_space<vmem>>) target_semaphore(%arg9 : memref<!tpu.dma_semaphore, #tpu.memory_space<semaphore_mem>>)
        %slice3A_233 = vector.extract_strided_slice %get3A_164 {offsets = [5], sizes = [1], strides = [1]} : vector<16xi32> to vector<1xi32>
        %squeeze3A_234 = vector.extract %slice3A_233[0] : i32 from vector<1xi32>
        %mul3A_235 = arith.constant 16 : i32
        %mul3A_236 = arith.muli %scan3A_157, %mul3A_235 : i32
        %add3A_237 = arith.constant 5 : i32
        %add3A_238 = arith.addi %mul3A_236, %add3A_237 : i32
        %dma_start3A_239 = arith.constant 0 : i32
        %dma_start3A_240 = tpu.memref_slice %arg7[%add3A_238, %dma_start3A_239] : memref<128x300xf32, #tpu.memory_space<vmem>> -> memref<1x300xf32, #tpu.memory_space<vmem>>
        %dma_start3A_241 = arith.constant 0 : i32
        %dma_start3A_242 = tpu.memref_slice %arg3[%squeeze3A_234, %dma_start3A_241] : memref<999994x300xf32, #tpu.memory_space<hbm>> -> memref<1x300xf32, #tpu.memory_space<hbm>>
        %dma_start3A_243 = arith.constant 0 : i32
        %dma_start3A_244 = tpu.memref_slice %arg7[%add3A_238, %dma_start3A_243] : memref<128x300xf32, #tpu.memory_space<vmem>> -> memref<1x300xf32, #tpu.memory_space<vmem>>
        %dma_start3A_245 = arith.constant 0 : i32
        %dma_start3A_246 = tpu.memref_slice %arg3[%squeeze3A_234, %dma_start3A_245] : memref<999994x300xf32, #tpu.memory_space<hbm>> -> memref<1x300xf32, #tpu.memory_space<hbm>>
        tpu.enqueue_dma source(%dma_start3A_246 : memref<1x300xf32, #tpu.memory_space<hbm>>) target(%dma_start3A_244 : memref<1x300xf32, #tpu.memory_space<vmem>>) target_semaphore(%arg9 : memref<!tpu.dma_semaphore, #tpu.memory_space<semaphore_mem>>)
        %slice3A_247 = vector.extract_strided_slice %get3A_164 {offsets = [6], sizes = [1], strides = [1]} : vector<16xi32> to vector<1xi32>
        %squeeze3A_248 = vector.extract %slice3A_247[0] : i32 from vector<1xi32>
        %mul3A_249 = arith.constant 16 : i32
        %mul3A_250 = arith.muli %scan3A_157, %mul3A_249 : i32
        %add3A_251 = arith.constant 6 : i32
        %add3A_252 = arith.addi %mul3A_250, %add3A_251 : i32
        %dma_start3A_253 = arith.constant 0 : i32
        %dma_start3A_254 = tpu.memref_slice %arg7[%add3A_252, %dma_start3A_253] : memref<128x300xf32, #tpu.memory_space<vmem>> -> memref<1x300xf32, #tpu.memory_space<vmem>>
        %dma_start3A_255 = arith.constant 0 : i32
        %dma_start3A_256 = tpu.memref_slice %arg3[%squeeze3A_248, %dma_start3A_255] : memref<999994x300xf32, #tpu.memory_space<hbm>> -> memref<1x300xf32, #tpu.memory_space<hbm>>
        %dma_start3A_257 = arith.constant 0 : i32
        %dma_start3A_258 = tpu.memref_slice %arg7[%add3A_252, %dma_start3A_257] : memref<128x300xf32, #tpu.memory_space<vmem>> -> memref<1x300xf32, #tpu.memory_space<vmem>>
        %dma_start3A_259 = arith.constant 0 : i32
        %dma_start3A_260 = tpu.memref_slice %arg3[%squeeze3A_248, %dma_start3A_259] : memref<999994x300xf32, #tpu.memory_space<hbm>> -> memref<1x300xf32, #tpu.memory_space<hbm>>
        tpu.enqueue_dma source(%dma_start3A_260 : memref<1x300xf32, #tpu.memory_space<hbm>>) target(%dma_start3A_258 : memref<1x300xf32, #tpu.memory_space<vmem>>) target_semaphore(%arg9 : memref<!tpu.dma_semaphore, #tpu.memory_space<semaphore_mem>>)
        %slice3A_261 = vector.extract_strided_slice %get3A_164 {offsets = [7], sizes = [1], strides = [1]} : vector<16xi32> to vector<1xi32>
        %squeeze3A_262 = vector.extract %slice3A_261[0] : i32 from vector<1xi32>
        %mul3A_263 = arith.constant 16 : i32
        %mul3A_264 = arith.muli %scan3A_157, %mul3A_263 : i32
        %add3A_265 = arith.constant 7 : i32
        %add3A_266 = arith.addi %mul3A_264, %add3A_265 : i32
        %dma_start3A_267 = arith.constant 0 : i32
        %dma_start3A_268 = tpu.memref_slice %arg7[%add3A_266, %dma_start3A_267] : memref<128x300xf32, #tpu.memory_space<vmem>> -> memref<1x300xf32, #tpu.memory_space<vmem>>
        %dma_start3A_269 = arith.constant 0 : i32
        %dma_start3A_270 = tpu.memref_slice %arg3[%squeeze3A_262, %dma_start3A_269] : memref<999994x300xf32, #tpu.memory_space<hbm>> -> memref<1x300xf32, #tpu.memory_space<hbm>>
        %dma_start3A_271 = arith.constant 0 : i32
        %dma_start3A_272 = tpu.memref_slice %arg7[%add3A_266, %dma_start3A_271] : memref<128x300xf32, #tpu.memory_space<vmem>> -> memref<1x300xf32, #tpu.memory_space<vmem>>
        %dma_start3A_273 = arith.constant 0 : i32
        %dma_start3A_274 = tpu.memref_slice %arg3[%squeeze3A_262, %dma_start3A_273] : memref<999994x300xf32, #tpu.memory_space<hbm>> -> memref<1x300xf32, #tpu.memory_space<hbm>>
        tpu.enqueue_dma source(%dma_start3A_274 : memref<1x300xf32, #tpu.memory_space<hbm>>) target(%dma_start3A_272 : memref<1x300xf32, #tpu.memory_space<vmem>>) target_semaphore(%arg9 : memref<!tpu.dma_semaphore, #tpu.memory_space<semaphore_mem>>)
        %slice3A_275 = vector.extract_strided_slice %get3A_164 {offsets = [8], sizes = [1], strides = [1]} : vector<16xi32> to vector<1xi32>
        %squeeze3A_276 = vector.extract %slice3A_275[0] : i32 from vector<1xi32>
        %mul3A_277 = arith.constant 16 : i32
        %mul3A_278 = arith.muli %scan3A_157, %mul3A_277 : i32
        %add3A_279 = arith.constant 8 : i32
        %add3A_280 = arith.addi %mul3A_278, %add3A_279 : i32
        %dma_start3A_281 = arith.constant 0 : i32
        %dma_start3A_282 = tpu.memref_slice %arg7[%add3A_280, %dma_start3A_281] : memref<128x300xf32, #tpu.memory_space<vmem>> -> memref<1x300xf32, #tpu.memory_space<vmem>>
        %dma_start3A_283 = arith.constant 0 : i32
        %dma_start3A_284 = tpu.memref_slice %arg3[%squeeze3A_276, %dma_start3A_283] : memref<999994x300xf32, #tpu.memory_space<hbm>> -> memref<1x300xf32, #tpu.memory_space<hbm>>
        %dma_start3A_285 = arith.constant 0 : i32
        %dma_start3A_286 = tpu.memref_slice %arg7[%add3A_280, %dma_start3A_285] : memref<128x300xf32, #tpu.memory_space<vmem>> -> memref<1x300xf32, #tpu.memory_space<vmem>>
        %dma_start3A_287 = arith.constant 0 : i32
        %dma_start3A_288 = tpu.memref_slice %arg3[%squeeze3A_276, %dma_start3A_287] : memref<999994x300xf32, #tpu.memory_space<hbm>> -> memref<1x300xf32, #tpu.memory_space<hbm>>
        tpu.enqueue_dma source(%dma_start3A_288 : memref<1x300xf32, #tpu.memory_space<hbm>>) target(%dma_start3A_286 : memref<1x300xf32, #tpu.memory_space<vmem>>) target_semaphore(%arg9 : memref<!tpu.dma_semaphore, #tpu.memory_space<semaphore_mem>>)
        %slice3A_289 = vector.extract_strided_slice %get3A_164 {offsets = [9], sizes = [1], strides = [1]} : vector<16xi32> to vector<1xi32>
        %squeeze3A_290 = vector.extract %slice3A_289[0] : i32 from vector<1xi32>
        %mul3A_291 = arith.constant 16 : i32
        %mul3A_292 = arith.muli %scan3A_157, %mul3A_291 : i32
        %add3A_293 = arith.constant 9 : i32
        %add3A_294 = arith.addi %mul3A_292, %add3A_293 : i32
        %dma_start3A_295 = arith.constant 0 : i32
        %dma_start3A_296 = tpu.memref_slice %arg7[%add3A_294, %dma_start3A_295] : memref<128x300xf32, #tpu.memory_space<vmem>> -> memref<1x300xf32, #tpu.memory_space<vmem>>
        %dma_start3A_297 = arith.constant 0 : i32
        %dma_start3A_298 = tpu.memref_slice %arg3[%squeeze3A_290, %dma_start3A_297] : memref<999994x300xf32, #tpu.memory_space<hbm>> -> memref<1x300xf32, #tpu.memory_space<hbm>>
        %dma_start3A_299 = arith.constant 0 : i32
        %dma_start3A_300 = tpu.memref_slice %arg7[%add3A_294, %dma_start3A_299] : memref<128x300xf32, #tpu.memory_space<vmem>> -> memref<1x300xf32, #tpu.memory_space<vmem>>
        %dma_start3A_301 = arith.constant 0 : i32
        %dma_start3A_302 = tpu.memref_slice %arg3[%squeeze3A_290, %dma_start3A_301] : memref<999994x300xf32, #tpu.memory_space<hbm>> -> memref<1x300xf32, #tpu.memory_space<hbm>>
        tpu.enqueue_dma source(%dma_start3A_302 : memref<1x300xf32, #tpu.memory_space<hbm>>) target(%dma_start3A_300 : memref<1x300xf32, #tpu.memory_space<vmem>>) target_semaphore(%arg9 : memref<!tpu.dma_semaphore, #tpu.memory_space<semaphore_mem>>)
        %slice3A_303 = vector.extract_strided_slice %get3A_164 {offsets = [10], sizes = [1], strides = [1]} : vector<16xi32> to vector<1xi32>
        %squeeze3A_304 = vector.extract %slice3A_303[0] : i32 from vector<1xi32>
        %mul3A_305 = arith.constant 16 : i32
        %mul3A_306 = arith.muli %scan3A_157, %mul3A_305 : i32
        %add3A_307 = arith.constant 10 : i32
        %add3A_308 = arith.addi %mul3A_306, %add3A_307 : i32
        %dma_start3A_309 = arith.constant 0 : i32
        %dma_start3A_310 = tpu.memref_slice %arg7[%add3A_308, %dma_start3A_309] : memref<128x300xf32, #tpu.memory_space<vmem>> -> memref<1x300xf32, #tpu.memory_space<vmem>>
        %dma_start3A_311 = arith.constant 0 : i32
        %dma_start3A_312 = tpu.memref_slice %arg3[%squeeze3A_304, %dma_start3A_311] : memref<999994x300xf32, #tpu.memory_space<hbm>> -> memref<1x300xf32, #tpu.memory_space<hbm>>
        %dma_start3A_313 = arith.constant 0 : i32
        %dma_start3A_314 = tpu.memref_slice %arg7[%add3A_308, %dma_start3A_313] : memref<128x300xf32, #tpu.memory_space<vmem>> -> memref<1x300xf32, #tpu.memory_space<vmem>>
        %dma_start3A_315 = arith.constant 0 : i32
        %dma_start3A_316 = tpu.memref_slice %arg3[%squeeze3A_304, %dma_start3A_315] : memref<999994x300xf32, #tpu.memory_space<hbm>> -> memref<1x300xf32, #tpu.memory_space<hbm>>
        tpu.enqueue_dma source(%dma_start3A_316 : memref<1x300xf32, #tpu.memory_space<hbm>>) target(%dma_start3A_314 : memref<1x300xf32, #tpu.memory_space<vmem>>) target_semaphore(%arg9 : memref<!tpu.dma_semaphore, #tpu.memory_space<semaphore_mem>>)
        %slice3A_317 = vector.extract_strided_slice %get3A_164 {offsets = [11], sizes = [1], strides = [1]} : vector<16xi32> to vector<1xi32>
        %squeeze3A_318 = vector.extract %slice3A_317[0] : i32 from vector<1xi32>
        %mul3A_319 = arith.constant 16 : i32
        %mul3A_320 = arith.muli %scan3A_157, %mul3A_319 : i32
        %add3A_321 = arith.constant 11 : i32
        %add3A_322 = arith.addi %mul3A_320, %add3A_321 : i32
        %dma_start3A_323 = arith.constant 0 : i32
        %dma_start3A_324 = tpu.memref_slice %arg7[%add3A_322, %dma_start3A_323] : memref<128x300xf32, #tpu.memory_space<vmem>> -> memref<1x300xf32, #tpu.memory_space<vmem>>
        %dma_start3A_325 = arith.constant 0 : i32
        %dma_start3A_326 = tpu.memref_slice %arg3[%squeeze3A_318, %dma_start3A_325] : memref<999994x300xf32, #tpu.memory_space<hbm>> -> memref<1x300xf32, #tpu.memory_space<hbm>>
        %dma_start3A_327 = arith.constant 0 : i32
        %dma_start3A_328 = tpu.memref_slice %arg7[%add3A_322, %dma_start3A_327] : memref<128x300xf32, #tpu.memory_space<vmem>> -> memref<1x300xf32, #tpu.memory_space<vmem>>
        %dma_start3A_329 = arith.constant 0 : i32
        %dma_start3A_330 = tpu.memref_slice %arg3[%squeeze3A_318, %dma_start3A_329] : memref<999994x300xf32, #tpu.memory_space<hbm>> -> memref<1x300xf32, #tpu.memory_space<hbm>>
        tpu.enqueue_dma source(%dma_start3A_330 : memref<1x300xf32, #tpu.memory_space<hbm>>) target(%dma_start3A_328 : memref<1x300xf32, #tpu.memory_space<vmem>>) target_semaphore(%arg9 : memref<!tpu.dma_semaphore, #tpu.memory_space<semaphore_mem>>)
        %slice3A_331 = vector.extract_strided_slice %get3A_164 {offsets = [12], sizes = [1], strides = [1]} : vector<16xi32> to vector<1xi32>
        %squeeze3A_332 = vector.extract %slice3A_331[0] : i32 from vector<1xi32>
        %mul3A_333 = arith.constant 16 : i32
        %mul3A_334 = arith.muli %scan3A_157, %mul3A_333 : i32
        %add3A_335 = arith.constant 12 : i32
        %add3A_336 = arith.addi %mul3A_334, %add3A_335 : i32
        %dma_start3A_337 = arith.constant 0 : i32
        %dma_start3A_338 = tpu.memref_slice %arg7[%add3A_336, %dma_start3A_337] : memref<128x300xf32, #tpu.memory_space<vmem>> -> memref<1x300xf32, #tpu.memory_space<vmem>>
        %dma_start3A_339 = arith.constant 0 : i32
        %dma_start3A_340 = tpu.memref_slice %arg3[%squeeze3A_332, %dma_start3A_339] : memref<999994x300xf32, #tpu.memory_space<hbm>> -> memref<1x300xf32, #tpu.memory_space<hbm>>
        %dma_start3A_341 = arith.constant 0 : i32
        %dma_start3A_342 = tpu.memref_slice %arg7[%add3A_336, %dma_start3A_341] : memref<128x300xf32, #tpu.memory_space<vmem>> -> memref<1x300xf32, #tpu.memory_space<vmem>>
        %dma_start3A_343 = arith.constant 0 : i32
        %dma_start3A_344 = tpu.memref_slice %arg3[%squeeze3A_332, %dma_start3A_343] : memref<999994x300xf32, #tpu.memory_space<hbm>> -> memref<1x300xf32, #tpu.memory_space<hbm>>
        tpu.enqueue_dma source(%dma_start3A_344 : memref<1x300xf32, #tpu.memory_space<hbm>>) target(%dma_start3A_342 : memref<1x300xf32, #tpu.memory_space<vmem>>) target_semaphore(%arg9 : memref<!tpu.dma_semaphore, #tpu.memory_space<semaphore_mem>>)
        %slice3A_345 = vector.extract_strided_slice %get3A_164 {offsets = [13], sizes = [1], strides = [1]} : vector<16xi32> to vector<1xi32>
        %squeeze3A_346 = vector.extract %slice3A_345[0] : i32 from vector<1xi32>
        %mul3A_347 = arith.constant 16 : i32
        %mul3A_348 = arith.muli %scan3A_157, %mul3A_347 : i32
        %add3A_349 = arith.constant 13 : i32
        %add3A_350 = arith.addi %mul3A_348, %add3A_349 : i32
        %dma_start3A_351 = arith.constant 0 : i32
        %dma_start3A_352 = tpu.memref_slice %arg7[%add3A_350, %dma_start3A_351] : memref<128x300xf32, #tpu.memory_space<vmem>> -> memref<1x300xf32, #tpu.memory_space<vmem>>
        %dma_start3A_353 = arith.constant 0 : i32
        %dma_start3A_354 = tpu.memref_slice %arg3[%squeeze3A_346, %dma_start3A_353] : memref<999994x300xf32, #tpu.memory_space<hbm>> -> memref<1x300xf32, #tpu.memory_space<hbm>>
        %dma_start3A_355 = arith.constant 0 : i32
        %dma_start3A_356 = tpu.memref_slice %arg7[%add3A_350, %dma_start3A_355] : memref<128x300xf32, #tpu.memory_space<vmem>> -> memref<1x300xf32, #tpu.memory_space<vmem>>
        %dma_start3A_357 = arith.constant 0 : i32
        %dma_start3A_358 = tpu.memref_slice %arg3[%squeeze3A_346, %dma_start3A_357] : memref<999994x300xf32, #tpu.memory_space<hbm>> -> memref<1x300xf32, #tpu.memory_space<hbm>>
        tpu.enqueue_dma source(%dma_start3A_358 : memref<1x300xf32, #tpu.memory_space<hbm>>) target(%dma_start3A_356 : memref<1x300xf32, #tpu.memory_space<vmem>>) target_semaphore(%arg9 : memref<!tpu.dma_semaphore, #tpu.memory_space<semaphore_mem>>)
        %slice3A_359 = vector.extract_strided_slice %get3A_164 {offsets = [14], sizes = [1], strides = [1]} : vector<16xi32> to vector<1xi32>
        %squeeze3A_360 = vector.extract %slice3A_359[0] : i32 from vector<1xi32>
        %mul3A_361 = arith.constant 16 : i32
        %mul3A_362 = arith.muli %scan3A_157, %mul3A_361 : i32
        %add3A_363 = arith.constant 14 : i32
        %add3A_364 = arith.addi %mul3A_362, %add3A_363 : i32
        %dma_start3A_365 = arith.constant 0 : i32
        %dma_start3A_366 = tpu.memref_slice %arg7[%add3A_364, %dma_start3A_365] : memref<128x300xf32, #tpu.memory_space<vmem>> -> memref<1x300xf32, #tpu.memory_space<vmem>>
        %dma_start3A_367 = arith.constant 0 : i32
        %dma_start3A_368 = tpu.memref_slice %arg3[%squeeze3A_360, %dma_start3A_367] : memref<999994x300xf32, #tpu.memory_space<hbm>> -> memref<1x300xf32, #tpu.memory_space<hbm>>
        %dma_start3A_369 = arith.constant 0 : i32
        %dma_start3A_370 = tpu.memref_slice %arg7[%add3A_364, %dma_start3A_369] : memref<128x300xf32, #tpu.memory_space<vmem>> -> memref<1x300xf32, #tpu.memory_space<vmem>>
        %dma_start3A_371 = arith.constant 0 : i32
        %dma_start3A_372 = tpu.memref_slice %arg3[%squeeze3A_360, %dma_start3A_371] : memref<999994x300xf32, #tpu.memory_space<hbm>> -> memref<1x300xf32, #tpu.memory_space<hbm>>
        tpu.enqueue_dma source(%dma_start3A_372 : memref<1x300xf32, #tpu.memory_space<hbm>>) target(%dma_start3A_370 : memref<1x300xf32, #tpu.memory_space<vmem>>) target_semaphore(%arg9 : memref<!tpu.dma_semaphore, #tpu.memory_space<semaphore_mem>>)
        %slice3A_373 = vector.extract_strided_slice %get3A_164 {offsets = [15], sizes = [1], strides = [1]} : vector<16xi32> to vector<1xi32>
        %squeeze3A_374 = vector.extract %slice3A_373[0] : i32 from vector<1xi32>
        %mul3A_375 = arith.constant 16 : i32
        %mul3A_376 = arith.muli %scan3A_157, %mul3A_375 : i32
        %add3A_377 = arith.constant 15 : i32
        %add3A_378 = arith.addi %mul3A_376, %add3A_377 : i32
        %dma_start3A_379 = arith.constant 0 : i32
        %dma_start3A_380 = tpu.memref_slice %arg7[%add3A_378, %dma_start3A_379] : memref<128x300xf32, #tpu.memory_space<vmem>> -> memref<1x300xf32, #tpu.memory_space<vmem>>
        %dma_start3A_381 = arith.constant 0 : i32
        %dma_start3A_382 = tpu.memref_slice %arg3[%squeeze3A_374, %dma_start3A_381] : memref<999994x300xf32, #tpu.memory_space<hbm>> -> memref<1x300xf32, #tpu.memory_space<hbm>>
        %dma_start3A_383 = arith.constant 0 : i32
        %dma_start3A_384 = tpu.memref_slice %arg7[%add3A_378, %dma_start3A_383] : memref<128x300xf32, #tpu.memory_space<vmem>> -> memref<1x300xf32, #tpu.memory_space<vmem>>
        %dma_start3A_385 = arith.constant 0 : i32
        %dma_start3A_386 = tpu.memref_slice %arg3[%squeeze3A_374, %dma_start3A_385] : memref<999994x300xf32, #tpu.memory_space<hbm>> -> memref<1x300xf32, #tpu.memory_space<hbm>>
        tpu.enqueue_dma source(%dma_start3A_386 : memref<1x300xf32, #tpu.memory_space<hbm>>) target(%dma_start3A_384 : memref<1x300xf32, #tpu.memory_space<vmem>>) target_semaphore(%arg9 : memref<!tpu.dma_semaphore, #tpu.memory_space<semaphore_mem>>)
      }
      %scan3A_125 = arith.constant 8 : i32
      %mul3A_126 = arith.constant 2 : i32
      %mul3A_127 = arith.muli %mul3A_126, %scan3A_94 : i32
      %add3A_128 = arith.constant 2 : i32
      %add3A_129 = arith.addi %mul3A_127, %add3A_128 : i32
      %add3A_130 = arith.constant 1 : i32
      %add3A_131 = arith.addi %add3A_129, %add3A_130 : i32
      %dma_wait3A_132 = arith.constant 0 : i32
      %dma_wait3A_133 = arith.constant 0 : i32
      %dma_wait3A_134 = tpu.memref_slice %arg3[%dma_wait3A_132, %dma_wait3A_133] : memref<999994x300xf32, #tpu.memory_space<hbm>> -> memref<128x300xf32, #tpu.memory_space<hbm>>
      %dma_wait3A_135 = arith.constant 0 : i32
      %dma_wait3A_136 = arith.constant 0 : i32
      %dma_wait3A_137 = tpu.memref_slice %arg3[%dma_wait3A_135, %dma_wait3A_136] : memref<999994x300xf32, #tpu.memory_space<hbm>> -> memref<128x300xf32, #tpu.memory_space<hbm>>
      tpu.wait_dma2 semaphore(%arg9 : memref<!tpu.dma_semaphore, #tpu.memory_space<semaphore_mem>>) src(%dma_wait3A_137 : memref<128x300xf32, #tpu.memory_space<hbm>>) dst(%arg7 : memref<128x300xf32, #tpu.memory_space<vmem>>)
      %mul3A_138 = arith.constant 128 : i32
      %mul3A_139 = arith.muli %add3A_131, %mul3A_138 : i32
      %add3A_140 = arith.addi %mul3A_2, %mul3A_139 : i32
      %dma_start3A_141 = arith.constant 0 : i32
      %dma_start3A_142 = tpu.memref_slice %arg4[%add3A_140, %dma_start3A_141] : memref<204800x300xf32, #tpu.memory_space<hbm>> -> memref<128x300xf32, #tpu.memory_space<hbm>>
      %dma_start3A_143 = arith.constant 0 : i32
      %dma_start3A_144 = tpu.memref_slice %arg4[%add3A_140, %dma_start3A_143] : memref<204800x300xf32, #tpu.memory_space<hbm>> -> memref<128x300xf32, #tpu.memory_space<hbm>>
      tpu.enqueue_dma source(%arg7 : memref<128x300xf32, #tpu.memory_space<vmem>>) target(%dma_start3A_144 : memref<128x300xf32, #tpu.memory_space<hbm>>) target_semaphore(%arg11 : memref<!tpu.dma_semaphore, #tpu.memory_space<semaphore_mem>>)
      %dma_wait3A_145 = arith.constant 0 : i32
      %dma_wait3A_146 = tpu.memref_slice %arg4[%mul3A_2, %dma_wait3A_145] : memref<204800x300xf32, #tpu.memory_space<hbm>> -> memref<128x300xf32, #tpu.memory_space<hbm>>
      %dma_wait3A_147 = arith.constant 0 : i32
      %dma_wait3A_148 = tpu.memref_slice %arg4[%mul3A_2, %dma_wait3A_147] : memref<204800x300xf32, #tpu.memory_space<hbm>> -> memref<128x300xf32, #tpu.memory_space<hbm>>
      tpu.wait_dma2 semaphore(%arg10 : memref<!tpu.dma_semaphore, #tpu.memory_space<semaphore_mem>>) src(%arg6 : memref<128x300xf32, #tpu.memory_space<vmem>>) dst(%dma_wait3A_148 : memref<128x300xf32, #tpu.memory_space<hbm>>)
      %add3A_149 = arith.constant 1 : i32
      %add3A_150 = arith.addi %add3A_131, %add3A_149 : i32
      %scan3A_151 = arith.constant 0 : i32
      %scan3A_152 = arith.constant 0 : i32
      %scan3A_153 = arith.constant 8 : i32
      %scan3A_154 = arith.addi %scan3A_152, %scan3A_153 : i32
      %scan3A_155 = arith.constant 1 : i32
      scf.for %scan3A_157 = %scan3A_152 to %scan3A_154 step %scan3A_155  : i32 {
        %mul3A_158 = arith.constant 128 : i32
        %mul3A_159 = arith.muli %add3A_150, %mul3A_158 : i32
        %mul3A_160 = arith.constant 16 : i32
        %mul3A_161 = arith.muli %scan3A_157, %mul3A_160 : i32
        %add3A_162 = arith.addi %mul3A_159, %mul3A_161 : i32
        %get3A = arith.index_cast %add3A_162 : i32 to index
        %get3A_163 = tpu.vector_load %arg5[%get3A] {strides = array<i32>} : memref<6528xi32, #tpu.memory_space<vmem>>, vector<16xi32>,
        %get3A_164 = vector.shape_cast %get3A_163 : vector<16xi32> to vector<16xi32>
        %slice3A = vector.extract_strided_slice %get3A_164 {offsets = [0], sizes = [1], strides = [1]} : vector<16xi32> to vector<1xi32>
        %squeeze3A = vector.extract %slice3A[0] : i32 from vector<1xi32>
        %mul3A_165 = arith.constant 16 : i32
        %mul3A_166 = arith.muli %scan3A_157, %mul3A_165 : i32
        %add3A_167 = arith.constant 0 : i32
        %add3A_168 = arith.addi %mul3A_166, %add3A_167 : i32
        %dma_start3A_169 = arith.constant 0 : i32
        %dma_start3A_170 = tpu.memref_slice %arg6[%add3A_168, %dma_start3A_169] : memref<128x300xf32, #tpu.memory_space<vmem>> -> memref<1x300xf32, #tpu.memory_space<vmem>>
        %dma_start3A_171 = arith.constant 0 : i32
        %dma_start3A_172 = tpu.memref_slice %arg3[%squeeze3A, %dma_start3A_171] : memref<999994x300xf32, #tpu.memory_space<hbm>> -> memref<1x300xf32, #tpu.memory_space<hbm>>
        %dma_start3A_173 = arith.constant 0 : i32
        %dma_start3A_174 = tpu.memref_slice %arg6[%add3A_168, %dma_start3A_173] : memref<128x300xf32, #tpu.memory_space<vmem>> -> memref<1x300xf32, #tpu.memory_space<vmem>>
        %dma_start3A_175 = arith.constant 0 : i32
        %dma_start3A_176 = tpu.memref_slice %arg3[%squeeze3A, %dma_start3A_175] : memref<999994x300xf32, #tpu.memory_space<hbm>> -> memref<1x300xf32, #tpu.memory_space<hbm>>
        tpu.enqueue_dma source(%dma_start3A_176 : memref<1x300xf32, #tpu.memory_space<hbm>>) target(%dma_start3A_174 : memref<1x300xf32, #tpu.memory_space<vmem>>) target_semaphore(%arg8 : memref<!tpu.dma_semaphore, #tpu.memory_space<semaphore_mem>>)
        %slice3A_177 = vector.extract_strided_slice %get3A_164 {offsets = [1], sizes = [1], strides = [1]} : vector<16xi32> to vector<1xi32>
        %squeeze3A_178 = vector.extract %slice3A_177[0] : i32 from vector<1xi32>
        %mul3A_179 = arith.constant 16 : i32
        %mul3A_180 = arith.muli %scan3A_157, %mul3A_179 : i32
        %add3A_181 = arith.constant 1 : i32
        %add3A_182 = arith.addi %mul3A_180, %add3A_181 : i32
        %dma_start3A_183 = arith.constant 0 : i32
        %dma_start3A_184 = tpu.memref_slice %arg6[%add3A_182, %dma_start3A_183] : memref<128x300xf32, #tpu.memory_space<vmem>> -> memref<1x300xf32, #tpu.memory_space<vmem>>
        %dma_start3A_185 = arith.constant 0 : i32
        %dma_start3A_186 = tpu.memref_slice %arg3[%squeeze3A_178, %dma_start3A_185] : memref<999994x300xf32, #tpu.memory_space<hbm>> -> memref<1x300xf32, #tpu.memory_space<hbm>>
        %dma_start3A_187 = arith.constant 0 : i32
        %dma_start3A_188 = tpu.memref_slice %arg6[%add3A_182, %dma_start3A_187] : memref<128x300xf32, #tpu.memory_space<vmem>> -> memref<1x300xf32, #tpu.memory_space<vmem>>
        %dma_start3A_189 = arith.constant 0 : i32
        %dma_start3A_190 = tpu.memref_slice %arg3[%squeeze3A_178, %dma_start3A_189] : memref<999994x300xf32, #tpu.memory_space<hbm>> -> memref<1x300xf32, #tpu.memory_space<hbm>>
        tpu.enqueue_dma source(%dma_start3A_190 : memref<1x300xf32, #tpu.memory_space<hbm>>) target(%dma_start3A_188 : memref<1x300xf32, #tpu.memory_space<vmem>>) target_semaphore(%arg8 : memref<!tpu.dma_semaphore, #tpu.memory_space<semaphore_mem>>)
        %slice3A_191 = vector.extract_strided_slice %get3A_164 {offsets = [2], sizes = [1], strides = [1]} : vector<16xi32> to vector<1xi32>
        %squeeze3A_192 = vector.extract %slice3A_191[0] : i32 from vector<1xi32>
        %mul3A_193 = arith.constant 16 : i32
        %mul3A_194 = arith.muli %scan3A_157, %mul3A_193 : i32
        %add3A_195 = arith.constant 2 : i32
        %add3A_196 = arith.addi %mul3A_194, %add3A_195 : i32
        %dma_start3A_197 = arith.constant 0 : i32
        %dma_start3A_198 = tpu.memref_slice %arg6[%add3A_196, %dma_start3A_197] : memref<128x300xf32, #tpu.memory_space<vmem>> -> memref<1x300xf32, #tpu.memory_space<vmem>>
        %dma_start3A_199 = arith.constant 0 : i32
        %dma_start3A_200 = tpu.memref_slice %arg3[%squeeze3A_192, %dma_start3A_199] : memref<999994x300xf32, #tpu.memory_space<hbm>> -> memref<1x300xf32, #tpu.memory_space<hbm>>
        %dma_start3A_201 = arith.constant 0 : i32
        %dma_start3A_202 = tpu.memref_slice %arg6[%add3A_196, %dma_start3A_201] : memref<128x300xf32, #tpu.memory_space<vmem>> -> memref<1x300xf32, #tpu.memory_space<vmem>>
        %dma_start3A_203 = arith.constant 0 : i32
        %dma_start3A_204 = tpu.memref_slice %arg3[%squeeze3A_192, %dma_start3A_203] : memref<999994x300xf32, #tpu.memory_space<hbm>> -> memref<1x300xf32, #tpu.memory_space<hbm>>
        tpu.enqueue_dma source(%dma_start3A_204 : memref<1x300xf32, #tpu.memory_space<hbm>>) target(%dma_start3A_202 : memref<1x300xf32, #tpu.memory_space<vmem>>) target_semaphore(%arg8 : memref<!tpu.dma_semaphore, #tpu.memory_space<semaphore_mem>>)
        %slice3A_205 = vector.extract_strided_slice %get3A_164 {offsets = [3], sizes = [1], strides = [1]} : vector<16xi32> to vector<1xi32>
        %squeeze3A_206 = vector.extract %slice3A_205[0] : i32 from vector<1xi32>
        %mul3A_207 = arith.constant 16 : i32
        %mul3A_208 = arith.muli %scan3A_157, %mul3A_207 : i32
        %add3A_209 = arith.constant 3 : i32
        %add3A_210 = arith.addi %mul3A_208, %add3A_209 : i32
        %dma_start3A_211 = arith.constant 0 : i32
        %dma_start3A_212 = tpu.memref_slice %arg6[%add3A_210, %dma_start3A_211] : memref<128x300xf32, #tpu.memory_space<vmem>> -> memref<1x300xf32, #tpu.memory_space<vmem>>
        %dma_start3A_213 = arith.constant 0 : i32
        %dma_start3A_214 = tpu.memref_slice %arg3[%squeeze3A_206, %dma_start3A_213] : memref<999994x300xf32, #tpu.memory_space<hbm>> -> memref<1x300xf32, #tpu.memory_space<hbm>>
        %dma_start3A_215 = arith.constant 0 : i32
        %dma_start3A_216 = tpu.memref_slice %arg6[%add3A_210, %dma_start3A_215] : memref<128x300xf32, #tpu.memory_space<vmem>> -> memref<1x300xf32, #tpu.memory_space<vmem>>
        %dma_start3A_217 = arith.constant 0 : i32
        %dma_start3A_218 = tpu.memref_slice %arg3[%squeeze3A_206, %dma_start3A_217] : memref<999994x300xf32, #tpu.memory_space<hbm>> -> memref<1x300xf32, #tpu.memory_space<hbm>>
        tpu.enqueue_dma source(%dma_start3A_218 : memref<1x300xf32, #tpu.memory_space<hbm>>) target(%dma_start3A_216 : memref<1x300xf32, #tpu.memory_space<vmem>>) target_semaphore(%arg8 : memref<!tpu.dma_semaphore, #tpu.memory_space<semaphore_mem>>)
        %slice3A_219 = vector.extract_strided_slice %get3A_164 {offsets = [4], sizes = [1], strides = [1]} : vector<16xi32> to vector<1xi32>
        %squeeze3A_220 = vector.extract %slice3A_219[0] : i32 from vector<1xi32>
        %mul3A_221 = arith.constant 16 : i32
        %mul3A_222 = arith.muli %scan3A_157, %mul3A_221 : i32
        %add3A_223 = arith.constant 4 : i32
        %add3A_224 = arith.addi %mul3A_222, %add3A_223 : i32
        %dma_start3A_225 = arith.constant 0 : i32
        %dma_start3A_226 = tpu.memref_slice %arg6[%add3A_224, %dma_start3A_225] : memref<128x300xf32, #tpu.memory_space<vmem>> -> memref<1x300xf32, #tpu.memory_space<vmem>>
        %dma_start3A_227 = arith.constant 0 : i32
        %dma_start3A_228 = tpu.memref_slice %arg3[%squeeze3A_220, %dma_start3A_227] : memref<999994x300xf32, #tpu.memory_space<hbm>> -> memref<1x300xf32, #tpu.memory_space<hbm>>
        %dma_start3A_229 = arith.constant 0 : i32
        %dma_start3A_230 = tpu.memref_slice %arg6[%add3A_224, %dma_start3A_229] : memref<128x300xf32, #tpu.memory_space<vmem>> -> memref<1x300xf32, #tpu.memory_space<vmem>>
        %dma_start3A_231 = arith.constant 0 : i32
        %dma_start3A_232 = tpu.memref_slice %arg3[%squeeze3A_220, %dma_start3A_231] : memref<999994x300xf32, #tpu.memory_space<hbm>> -> memref<1x300xf32, #tpu.memory_space<hbm>>
        tpu.enqueue_dma source(%dma_start3A_232 : memref<1x300xf32, #tpu.memory_space<hbm>>) target(%dma_start3A_230 : memref<1x300xf32, #tpu.memory_space<vmem>>) target_semaphore(%arg8 : memref<!tpu.dma_semaphore, #tpu.memory_space<semaphore_mem>>)
        %slice3A_233 = vector.extract_strided_slice %get3A_164 {offsets = [5], sizes = [1], strides = [1]} : vector<16xi32> to vector<1xi32>
        %squeeze3A_234 = vector.extract %slice3A_233[0] : i32 from vector<1xi32>
        %mul3A_235 = arith.constant 16 : i32
        %mul3A_236 = arith.muli %scan3A_157, %mul3A_235 : i32
        %add3A_237 = arith.constant 5 : i32
        %add3A_238 = arith.addi %mul3A_236, %add3A_237 : i32
        %dma_start3A_239 = arith.constant 0 : i32
        %dma_start3A_240 = tpu.memref_slice %arg6[%add3A_238, %dma_start3A_239] : memref<128x300xf32, #tpu.memory_space<vmem>> -> memref<1x300xf32, #tpu.memory_space<vmem>>
        %dma_start3A_241 = arith.constant 0 : i32
        %dma_start3A_242 = tpu.memref_slice %arg3[%squeeze3A_234, %dma_start3A_241] : memref<999994x300xf32, #tpu.memory_space<hbm>> -> memref<1x300xf32, #tpu.memory_space<hbm>>
        %dma_start3A_243 = arith.constant 0 : i32
        %dma_start3A_244 = tpu.memref_slice %arg6[%add3A_238, %dma_start3A_243] : memref<128x300xf32, #tpu.memory_space<vmem>> -> memref<1x300xf32, #tpu.memory_space<vmem>>
        %dma_start3A_245 = arith.constant 0 : i32
        %dma_start3A_246 = tpu.memref_slice %arg3[%squeeze3A_234, %dma_start3A_245] : memref<999994x300xf32, #tpu.memory_space<hbm>> -> memref<1x300xf32, #tpu.memory_space<hbm>>
        tpu.enqueue_dma source(%dma_start3A_246 : memref<1x300xf32, #tpu.memory_space<hbm>>) target(%dma_start3A_244 : memref<1x300xf32, #tpu.memory_space<vmem>>) target_semaphore(%arg8 : memref<!tpu.dma_semaphore, #tpu.memory_space<semaphore_mem>>)
        %slice3A_247 = vector.extract_strided_slice %get3A_164 {offsets = [6], sizes = [1], strides = [1]} : vector<16xi32> to vector<1xi32>
        %squeeze3A_248 = vector.extract %slice3A_247[0] : i32 from vector<1xi32>
        %mul3A_249 = arith.constant 16 : i32
        %mul3A_250 = arith.muli %scan3A_157, %mul3A_249 : i32
        %add3A_251 = arith.constant 6 : i32
        %add3A_252 = arith.addi %mul3A_250, %add3A_251 : i32
        %dma_start3A_253 = arith.constant 0 : i32
        %dma_start3A_254 = tpu.memref_slice %arg6[%add3A_252, %dma_start3A_253] : memref<128x300xf32, #tpu.memory_space<vmem>> -> memref<1x300xf32, #tpu.memory_space<vmem>>
        %dma_start3A_255 = arith.constant 0 : i32
        %dma_start3A_256 = tpu.memref_slice %arg3[%squeeze3A_248, %dma_start3A_255] : memref<999994x300xf32, #tpu.memory_space<hbm>> -> memref<1x300xf32, #tpu.memory_space<hbm>>
        %dma_start3A_257 = arith.constant 0 : i32
        %dma_start3A_258 = tpu.memref_slice %arg6[%add3A_252, %dma_start3A_257] : memref<128x300xf32, #tpu.memory_space<vmem>> -> memref<1x300xf32, #tpu.memory_space<vmem>>
        %dma_start3A_259 = arith.constant 0 : i32
        %dma_start3A_260 = tpu.memref_slice %arg3[%squeeze3A_248, %dma_start3A_259] : memref<999994x300xf32, #tpu.memory_space<hbm>> -> memref<1x300xf32, #tpu.memory_space<hbm>>
        tpu.enqueue_dma source(%dma_start3A_260 : memref<1x300xf32, #tpu.memory_space<hbm>>) target(%dma_start3A_258 : memref<1x300xf32, #tpu.memory_space<vmem>>) target_semaphore(%arg8 : memref<!tpu.dma_semaphore, #tpu.memory_space<semaphore_mem>>)
        %slice3A_261 = vector.extract_strided_slice %get3A_164 {offsets = [7], sizes = [1], strides = [1]} : vector<16xi32> to vector<1xi32>
        %squeeze3A_262 = vector.extract %slice3A_261[0] : i32 from vector<1xi32>
        %mul3A_263 = arith.constant 16 : i32
        %mul3A_264 = arith.muli %scan3A_157, %mul3A_263 : i32
        %add3A_265 = arith.constant 7 : i32
        %add3A_266 = arith.addi %mul3A_264, %add3A_265 : i32
        %dma_start3A_267 = arith.constant 0 : i32
        %dma_start3A_268 = tpu.memref_slice %arg6[%add3A_266, %dma_start3A_267] : memref<128x300xf32, #tpu.memory_space<vmem>> -> memref<1x300xf32, #tpu.memory_space<vmem>>
        %dma_start3A_269 = arith.constant 0 : i32
        %dma_start3A_270 = tpu.memref_slice %arg3[%squeeze3A_262, %dma_start3A_269] : memref<999994x300xf32, #tpu.memory_space<hbm>> -> memref<1x300xf32, #tpu.memory_space<hbm>>
        %dma_start3A_271 = arith.constant 0 : i32
        %dma_start3A_272 = tpu.memref_slice %arg6[%add3A_266, %dma_start3A_271] : memref<128x300xf32, #tpu.memory_space<vmem>> -> memref<1x300xf32, #tpu.memory_space<vmem>>
        %dma_start3A_273 = arith.constant 0 : i32
        %dma_start3A_274 = tpu.memref_slice %arg3[%squeeze3A_262, %dma_start3A_273] : memref<999994x300xf32, #tpu.memory_space<hbm>> -> memref<1x300xf32, #tpu.memory_space<hbm>>
        tpu.enqueue_dma source(%dma_start3A_274 : memref<1x300xf32, #tpu.memory_space<hbm>>) target(%dma_start3A_272 : memref<1x300xf32, #tpu.memory_space<vmem>>) target_semaphore(%arg8 : memref<!tpu.dma_semaphore, #tpu.memory_space<semaphore_mem>>)
        %slice3A_275 = vector.extract_strided_slice %get3A_164 {offsets = [8], sizes = [1], strides = [1]} : vector<16xi32> to vector<1xi32>
        %squeeze3A_276 = vector.extract %slice3A_275[0] : i32 from vector<1xi32>
        %mul3A_277 = arith.constant 16 : i32
        %mul3A_278 = arith.muli %scan3A_157, %mul3A_277 : i32
        %add3A_279 = arith.constant 8 : i32
        %add3A_280 = arith.addi %mul3A_278, %add3A_279 : i32
        %dma_start3A_281 = arith.constant 0 : i32
        %dma_start3A_282 = tpu.memref_slice %arg6[%add3A_280, %dma_start3A_281] : memref<128x300xf32, #tpu.memory_space<vmem>> -> memref<1x300xf32, #tpu.memory_space<vmem>>
        %dma_start3A_283 = arith.constant 0 : i32
        %dma_start3A_284 = tpu.memref_slice %arg3[%squeeze3A_276, %dma_start3A_283] : memref<999994x300xf32, #tpu.memory_space<hbm>> -> memref<1x300xf32, #tpu.memory_space<hbm>>
        %dma_start3A_285 = arith.constant 0 : i32
        %dma_start3A_286 = tpu.memref_slice %arg6[%add3A_280, %dma_start3A_285] : memref<128x300xf32, #tpu.memory_space<vmem>> -> memref<1x300xf32, #tpu.memory_space<vmem>>
        %dma_start3A_287 = arith.constant 0 : i32
        %dma_start3A_288 = tpu.memref_slice %arg3[%squeeze3A_276, %dma_start3A_287] : memref<999994x300xf32, #tpu.memory_space<hbm>> -> memref<1x300xf32, #tpu.memory_space<hbm>>
        tpu.enqueue_dma source(%dma_start3A_288 : memref<1x300xf32, #tpu.memory_space<hbm>>) target(%dma_start3A_286 : memref<1x300xf32, #tpu.memory_space<vmem>>) target_semaphore(%arg8 : memref<!tpu.dma_semaphore, #tpu.memory_space<semaphore_mem>>)
        %slice3A_289 = vector.extract_strided_slice %get3A_164 {offsets = [9], sizes = [1], strides = [1]} : vector<16xi32> to vector<1xi32>
        %squeeze3A_290 = vector.extract %slice3A_289[0] : i32 from vector<1xi32>
        %mul3A_291 = arith.constant 16 : i32
        %mul3A_292 = arith.muli %scan3A_157, %mul3A_291 : i32
        %add3A_293 = arith.constant 9 : i32
        %add3A_294 = arith.addi %mul3A_292, %add3A_293 : i32
        %dma_start3A_295 = arith.constant 0 : i32
        %dma_start3A_296 = tpu.memref_slice %arg6[%add3A_294, %dma_start3A_295] : memref<128x300xf32, #tpu.memory_space<vmem>> -> memref<1x300xf32, #tpu.memory_space<vmem>>
        %dma_start3A_297 = arith.constant 0 : i32
        %dma_start3A_298 = tpu.memref_slice %arg3[%squeeze3A_290, %dma_start3A_297] : memref<999994x300xf32, #tpu.memory_space<hbm>> -> memref<1x300xf32, #tpu.memory_space<hbm>>
        %dma_start3A_299 = arith.constant 0 : i32
        %dma_start3A_300 = tpu.memref_slice %arg6[%add3A_294, %dma_start3A_299] : memref<128x300xf32, #tpu.memory_space<vmem>> -> memref<1x300xf32, #tpu.memory_space<vmem>>
        %dma_start3A_301 = arith.constant 0 : i32
        %dma_start3A_302 = tpu.memref_slice %arg3[%squeeze3A_290, %dma_start3A_301] : memref<999994x300xf32, #tpu.memory_space<hbm>> -> memref<1x300xf32, #tpu.memory_space<hbm>>
        tpu.enqueue_dma source(%dma_start3A_302 : memref<1x300xf32, #tpu.memory_space<hbm>>) target(%dma_start3A_300 : memref<1x300xf32, #tpu.memory_space<vmem>>) target_semaphore(%arg8 : memref<!tpu.dma_semaphore, #tpu.memory_space<semaphore_mem>>)
        %slice3A_303 = vector.extract_strided_slice %get3A_164 {offsets = [10], sizes = [1], strides = [1]} : vector<16xi32> to vector<1xi32>
        %squeeze3A_304 = vector.extract %slice3A_303[0] : i32 from vector<1xi32>
        %mul3A_305 = arith.constant 16 : i32
        %mul3A_306 = arith.muli %scan3A_157, %mul3A_305 : i32
        %add3A_307 = arith.constant 10 : i32
        %add3A_308 = arith.addi %mul3A_306, %add3A_307 : i32
        %dma_start3A_309 = arith.constant 0 : i32
        %dma_start3A_310 = tpu.memref_slice %arg6[%add3A_308, %dma_start3A_309] : memref<128x300xf32, #tpu.memory_space<vmem>> -> memref<1x300xf32, #tpu.memory_space<vmem>>
        %dma_start3A_311 = arith.constant 0 : i32
        %dma_start3A_312 = tpu.memref_slice %arg3[%squeeze3A_304, %dma_start3A_311] : memref<999994x300xf32, #tpu.memory_space<hbm>> -> memref<1x300xf32, #tpu.memory_space<hbm>>
        %dma_start3A_313 = arith.constant 0 : i32
        %dma_start3A_314 = tpu.memref_slice %arg6[%add3A_308, %dma_start3A_313] : memref<128x300xf32, #tpu.memory_space<vmem>> -> memref<1x300xf32, #tpu.memory_space<vmem>>
        %dma_start3A_315 = arith.constant 0 : i32
        %dma_start3A_316 = tpu.memref_slice %arg3[%squeeze3A_304, %dma_start3A_315] : memref<999994x300xf32, #tpu.memory_space<hbm>> -> memref<1x300xf32, #tpu.memory_space<hbm>>
        tpu.enqueue_dma source(%dma_start3A_316 : memref<1x300xf32, #tpu.memory_space<hbm>>) target(%dma_start3A_314 : memref<1x300xf32, #tpu.memory_space<vmem>>) target_semaphore(%arg8 : memref<!tpu.dma_semaphore, #tpu.memory_space<semaphore_mem>>)
        %slice3A_317 = vector.extract_strided_slice %get3A_164 {offsets = [11], sizes = [1], strides = [1]} : vector<16xi32> to vector<1xi32>
        %squeeze3A_318 = vector.extract %slice3A_317[0] : i32 from vector<1xi32>
        %mul3A_319 = arith.constant 16 : i32
        %mul3A_320 = arith.muli %scan3A_157, %mul3A_319 : i32
        %add3A_321 = arith.constant 11 : i32
        %add3A_322 = arith.addi %mul3A_320, %add3A_321 : i32
        %dma_start3A_323 = arith.constant 0 : i32
        %dma_start3A_324 = tpu.memref_slice %arg6[%add3A_322, %dma_start3A_323] : memref<128x300xf32, #tpu.memory_space<vmem>> -> memref<1x300xf32, #tpu.memory_space<vmem>>
        %dma_start3A_325 = arith.constant 0 : i32
        %dma_start3A_326 = tpu.memref_slice %arg3[%squeeze3A_318, %dma_start3A_325] : memref<999994x300xf32, #tpu.memory_space<hbm>> -> memref<1x300xf32, #tpu.memory_space<hbm>>
        %dma_start3A_327 = arith.constant 0 : i32
        %dma_start3A_328 = tpu.memref_slice %arg6[%add3A_322, %dma_start3A_327] : memref<128x300xf32, #tpu.memory_space<vmem>> -> memref<1x300xf32, #tpu.memory_space<vmem>>
        %dma_start3A_329 = arith.constant 0 : i32
        %dma_start3A_330 = tpu.memref_slice %arg3[%squeeze3A_318, %dma_start3A_329] : memref<999994x300xf32, #tpu.memory_space<hbm>> -> memref<1x300xf32, #tpu.memory_space<hbm>>
        tpu.enqueue_dma source(%dma_start3A_330 : memref<1x300xf32, #tpu.memory_space<hbm>>) target(%dma_start3A_328 : memref<1x300xf32, #tpu.memory_space<vmem>>) target_semaphore(%arg8 : memref<!tpu.dma_semaphore, #tpu.memory_space<semaphore_mem>>)
        %slice3A_331 = vector.extract_strided_slice %get3A_164 {offsets = [12], sizes = [1], strides = [1]} : vector<16xi32> to vector<1xi32>
        %squeeze3A_332 = vector.extract %slice3A_331[0] : i32 from vector<1xi32>
        %mul3A_333 = arith.constant 16 : i32
        %mul3A_334 = arith.muli %scan3A_157, %mul3A_333 : i32
        %add3A_335 = arith.constant 12 : i32
        %add3A_336 = arith.addi %mul3A_334, %add3A_335 : i32
        %dma_start3A_337 = arith.constant 0 : i32
        %dma_start3A_338 = tpu.memref_slice %arg6[%add3A_336, %dma_start3A_337] : memref<128x300xf32, #tpu.memory_space<vmem>> -> memref<1x300xf32, #tpu.memory_space<vmem>>
        %dma_start3A_339 = arith.constant 0 : i32
        %dma_start3A_340 = tpu.memref_slice %arg3[%squeeze3A_332, %dma_start3A_339] : memref<999994x300xf32, #tpu.memory_space<hbm>> -> memref<1x300xf32, #tpu.memory_space<hbm>>
        %dma_start3A_341 = arith.constant 0 : i32
        %dma_start3A_342 = tpu.memref_slice %arg6[%add3A_336, %dma_start3A_341] : memref<128x300xf32, #tpu.memory_space<vmem>> -> memref<1x300xf32, #tpu.memory_space<vmem>>
        %dma_start3A_343 = arith.constant 0 : i32
        %dma_start3A_344 = tpu.memref_slice %arg3[%squeeze3A_332, %dma_start3A_343] : memref<999994x300xf32, #tpu.memory_space<hbm>> -> memref<1x300xf32, #tpu.memory_space<hbm>>
        tpu.enqueue_dma source(%dma_start3A_344 : memref<1x300xf32, #tpu.memory_space<hbm>>) target(%dma_start3A_342 : memref<1x300xf32, #tpu.memory_space<vmem>>) target_semaphore(%arg8 : memref<!tpu.dma_semaphore, #tpu.memory_space<semaphore_mem>>)
        %slice3A_345 = vector.extract_strided_slice %get3A_164 {offsets = [13], sizes = [1], strides = [1]} : vector<16xi32> to vector<1xi32>
        %squeeze3A_346 = vector.extract %slice3A_345[0] : i32 from vector<1xi32>
        %mul3A_347 = arith.constant 16 : i32
        %mul3A_348 = arith.muli %scan3A_157, %mul3A_347 : i32
        %add3A_349 = arith.constant 13 : i32
        %add3A_350 = arith.addi %mul3A_348, %add3A_349 : i32
        %dma_start3A_351 = arith.constant 0 : i32
        %dma_start3A_352 = tpu.memref_slice %arg6[%add3A_350, %dma_start3A_351] : memref<128x300xf32, #tpu.memory_space<vmem>> -> memref<1x300xf32, #tpu.memory_space<vmem>>
        %dma_start3A_353 = arith.constant 0 : i32
        %dma_start3A_354 = tpu.memref_slice %arg3[%squeeze3A_346, %dma_start3A_353] : memref<999994x300xf32, #tpu.memory_space<hbm>> -> memref<1x300xf32, #tpu.memory_space<hbm>>
        %dma_start3A_355 = arith.constant 0 : i32
        %dma_start3A_356 = tpu.memref_slice %arg6[%add3A_350, %dma_start3A_355] : memref<128x300xf32, #tpu.memory_space<vmem>> -> memref<1x300xf32, #tpu.memory_space<vmem>>
        %dma_start3A_357 = arith.constant 0 : i32
        %dma_start3A_358 = tpu.memref_slice %arg3[%squeeze3A_346, %dma_start3A_357] : memref<999994x300xf32, #tpu.memory_space<hbm>> -> memref<1x300xf32, #tpu.memory_space<hbm>>
        tpu.enqueue_dma source(%dma_start3A_358 : memref<1x300xf32, #tpu.memory_space<hbm>>) target(%dma_start3A_356 : memref<1x300xf32, #tpu.memory_space<vmem>>) target_semaphore(%arg8 : memref<!tpu.dma_semaphore, #tpu.memory_space<semaphore_mem>>)
        %slice3A_359 = vector.extract_strided_slice %get3A_164 {offsets = [14], sizes = [1], strides = [1]} : vector<16xi32> to vector<1xi32>
        %squeeze3A_360 = vector.extract %slice3A_359[0] : i32 from vector<1xi32>
        %mul3A_361 = arith.constant 16 : i32
        %mul3A_362 = arith.muli %scan3A_157, %mul3A_361 : i32
        %add3A_363 = arith.constant 14 : i32
        %add3A_364 = arith.addi %mul3A_362, %add3A_363 : i32
        %dma_start3A_365 = arith.constant 0 : i32
        %dma_start3A_366 = tpu.memref_slice %arg6[%add3A_364, %dma_start3A_365] : memref<128x300xf32, #tpu.memory_space<vmem>> -> memref<1x300xf32, #tpu.memory_space<vmem>>
        %dma_start3A_367 = arith.constant 0 : i32
        %dma_start3A_368 = tpu.memref_slice %arg3[%squeeze3A_360, %dma_start3A_367] : memref<999994x300xf32, #tpu.memory_space<hbm>> -> memref<1x300xf32, #tpu.memory_space<hbm>>
        %dma_start3A_369 = arith.constant 0 : i32
        %dma_start3A_370 = tpu.memref_slice %arg6[%add3A_364, %dma_start3A_369] : memref<128x300xf32, #tpu.memory_space<vmem>> -> memref<1x300xf32, #tpu.memory_space<vmem>>
        %dma_start3A_371 = arith.constant 0 : i32
        %dma_start3A_372 = tpu.memref_slice %arg3[%squeeze3A_360, %dma_start3A_371] : memref<999994x300xf32, #tpu.memory_space<hbm>> -> memref<1x300xf32, #tpu.memory_space<hbm>>
        tpu.enqueue_dma source(%dma_start3A_372 : memref<1x300xf32, #tpu.memory_space<hbm>>) target(%dma_start3A_370 : memref<1x300xf32, #tpu.memory_space<vmem>>) target_semaphore(%arg8 : memref<!tpu.dma_semaphore, #tpu.memory_space<semaphore_mem>>)
        %slice3A_373 = vector.extract_strided_slice %get3A_164 {offsets = [15], sizes = [1], strides = [1]} : vector<16xi32> to vector<1xi32>
        %squeeze3A_374 = vector.extract %slice3A_373[0] : i32 from vector<1xi32>
        %mul3A_375 = arith.constant 16 : i32
        %mul3A_376 = arith.muli %scan3A_157, %mul3A_375 : i32
        %add3A_377 = arith.constant 15 : i32
        %add3A_378 = arith.addi %mul3A_376, %add3A_377 : i32
        %dma_start3A_379 = arith.constant 0 : i32
        %dma_start3A_380 = tpu.memref_slice %arg6[%add3A_378, %dma_start3A_379] : memref<128x300xf32, #tpu.memory_space<vmem>> -> memref<1x300xf32, #tpu.memory_space<vmem>>
        %dma_start3A_381 = arith.constant 0 : i32
        %dma_start3A_382 = tpu.memref_slice %arg3[%squeeze3A_374, %dma_start3A_381] : memref<999994x300xf32, #tpu.memory_space<hbm>> -> memref<1x300xf32, #tpu.memory_space<hbm>>
        %dma_start3A_383 = arith.constant 0 : i32
        %dma_start3A_384 = tpu.memref_slice %arg6[%add3A_378, %dma_start3A_383] : memref<128x300xf32, #tpu.memory_space<vmem>> -> memref<1x300xf32, #tpu.memory_space<vmem>>
        %dma_start3A_385 = arith.constant 0 : i32
        %dma_start3A_386 = tpu.memref_slice %arg3[%squeeze3A_374, %dma_start3A_385] : memref<999994x300xf32, #tpu.memory_space<hbm>> -> memref<1x300xf32, #tpu.memory_space<hbm>>
        tpu.enqueue_dma source(%dma_start3A_386 : memref<1x300xf32, #tpu.memory_space<hbm>>) target(%dma_start3A_384 : memref<1x300xf32, #tpu.memory_space<vmem>>) target_semaphore(%arg8 : memref<!tpu.dma_semaphore, #tpu.memory_space<semaphore_mem>>)
      }
      %scan3A_156 = arith.constant 8 : i32
    }
    %scan3A_83 = arith.constant 24 : i32
    %dma_wait3A_84 = arith.constant 0 : i32
    %dma_wait3A_85 = arith.constant 0 : i32
    %dma_wait3A_86 = tpu.memref_slice %arg3[%dma_wait3A_84, %dma_wait3A_85] : memref<999994x300xf32, #tpu.memory_space<hbm>> -> memref<128x300xf32, #tpu.memory_space<hbm>>
    %dma_wait3A_87 = arith.constant 0 : i32
    %dma_wait3A_88 = arith.constant 0 : i32
    %dma_wait3A_89 = tpu.memref_slice %arg3[%dma_wait3A_87, %dma_wait3A_88] : memref<999994x300xf32, #tpu.memory_space<hbm>> -> memref<128x300xf32, #tpu.memory_space<hbm>>
    tpu.wait_dma2 semaphore(%arg8 : memref<!tpu.dma_semaphore, #tpu.memory_space<semaphore_mem>>) src(%dma_wait3A_89 : memref<128x300xf32, #tpu.memory_space<hbm>>) dst(%arg6 : memref<128x300xf32, #tpu.memory_space<vmem>>)
    %dma_wait3A_90 = arith.constant 0 : i32
    %dma_wait3A_91 = tpu.memref_slice %arg4[%mul3A_2, %dma_wait3A_90] : memref<204800x300xf32, #tpu.memory_space<hbm>> -> memref<128x300xf32, #tpu.memory_space<hbm>>
    %dma_wait3A_92 = arith.constant 0 : i32
    %dma_wait3A_93 = tpu.memref_slice %arg4[%mul3A_2, %dma_wait3A_92] : memref<204800x300xf32, #tpu.memory_space<hbm>> -> memref<128x300xf32, #tpu.memory_space<hbm>>
    tpu.wait_dma2 semaphore(%arg11 : memref<!tpu.dma_semaphore, #tpu.memory_space<semaphore_mem>>) src(%arg7 : memref<128x300xf32, #tpu.memory_space<vmem>>) dst(%dma_wait3A_93 : memref<128x300xf32, #tpu.memory_space<hbm>>)
    return
  }
}

</mosaic_0001>

<sc_bundles>
// kernel: kernel.3.cloned.1.call-start
scs
__scs_entry_jumppad:
0x0: {  	(pc) =	sbr.rel $0x88, $3  }
0x1: {  	(tag) =	ssettag $0x0;
	lr =	simm.s32 $0x1  }
0x2: {  	[smem:$0x3F9F] =	sst lr;
	_ =	strace $0xD0000000  }
0x3: {  	_ = 	snop  }
0x4: {  	_ = 	snop  }
0x5: {  	_ = 	snop  }
0x6: {  	_ = 	snop  }
0x7: {  	_ = 	snop  }
__scs_overlays_trampoline_lowered:
0x8: {  	[smem:$0x3FAE] =	sst s0  }
0x9: {  	[smem:$0x3FAF] =	sst s1  }
0xa: {  	[smem:$0x3FB0] =	sst s2  }
0xb: {  	[smem:$0x3FB1] =	sst s3  }
0xc: {  	[smem:$0x3FB2] =	sst s4  }
0xd: {  	[smem:$0x3FB3] =	sst s5  }
0xe: {  	[smem:$0x3FB4] =	sst s6  }
0xf: {  	[smem:$0x3FB5] =	sst s7  }
0x10: {  	[smem:$0x3FB6] =	sst s8  }
0x11: {  	[smem:$0x3FB7] =	sst s9;
	s0 =	simm.s32 @!p0 $0x0  }
0x12: {  	s1 =	sld [smem:$0x3F9D];
	s0 =	simm.s32 @p0 $0x1  }
0x13: {  	[smem:$0x3FB8] =	sst s0;
	s0 =	simm.s32 @!p1 $0x0  }
0x14: {  	s2 =	sld [smem:$0x3F9C];
	s0 =	simm.s32 @p1 $0x1  }
0x15: {  	[smem:$0x3FB9] =	sst s0;
	s0 =	simm.s32 @!p2 $0x0  }
0x16: {  	s3 =	sld [smem:$0x3FDB];
	s0 =	simm.s32 @p2 $0x1  }
0x17: {  	s4 =	simm.s32 $0x1BF5;
	[smem:$0x3FBB] =	sst s0  }
0x18: {  	s0 =	sld [smem:$0x3F9E];
	_ =	swait.ge [sflag:s4], $0x0  }
0x19: {  	s7 =	sld [smem:$0x3F9F]  }
0x1a: {  	s8 =	sadd.s32 $0xFFFFE003, lr  }
0x1b: {  	s9 =	sadd.s32 $0xFFFFFEF7, lr;
	s5 =	simm.s32 $0xFFFFFFFF;
	p2 =	slt.u32 s8, $0xFFFFF086  }
0x1c: {  	p1 =	slt.u32 s9, $0xF7A;
	s5 =	simm.s32 @!p2 $0x0  }
0x1d: {  	s5 =	simm.s32 @p1 $0x1;
	p0 =	seq.s32 s7, s2  }
0x1e: {  	s7 =	smul.u32 @!p0 $0xF7A, s2;
	p2 =	seq.s32 @!p0 s5, $0x0  }
0x1f: {  	s9 =	smul.u32 $0xF7A, s1;
	s8 =	simm.s32 @!p0 $0x1BF5;
	p2 =	por !p2, p0  }
0x20: {  	[sflag:s8] =	ssyncset.s32 @!p0 $0xFFFFF086;
	s6 =	sadd.s32 @!p0 s3, s7;
	s7 =	simm.s32 @!p0 $0x108  }
0x21: {  	s3 =	sadd.s32 s3, s9;
	s6 =	sadd.s32 @!p0 $0x88, s6;
	s7 =	simm.s32 @p2 $0x1082  }
0x22: {  	[simem:s7], [sflag:s8] =	dma.local @!p0 [hbm:s6], $0xF7A  }
0x23: {  	s9 =	sor.u32 $0xD0000000, s2;
	s6 =	simm.s32 $0x108;
	_ =	swait.ge @!p0 [sflag:s8], $0x0  }
0x24: {  	s3 =	sadd.s32 $0x88, s3;
	s6 =	simm.s32 @!p1 $0x1082;
	[sflag:s4] =	ssyncset.s32 $0xFFFFF086  }
0x25: {  	[simem:s6], [sflag:s4] =	dma.local [hbm:s3], $0xF7A  }
0x26: {  	[smem:$0x3F9F] =	sst s1;
	(tag) =	ssettag s2;
	_ =	strace s9  }
0x27: {  	s1 =	sld [smem:$0x3FAF]  }
0x28: {  	s2 =	sld [smem:$0x3FB0]  }
0x29: {  	s4 =	sld [smem:$0x3FB2]  }
0x2a: {  	p0 =	seq.s32 s5, $0x0;
	s5 =	sld [smem:$0x3FB3]  }
0x2b: {  	s6 =	sld [smem:$0x3FB4]  }
0x2c: {  	s7 =	sld [smem:$0x3FB5]  }
0x2d: {  	s3 =	simm.s32 $0x108;
	s8 =	sld [smem:$0x3FB6]  }
0x2e: {  	s3 =	simm.s32 @!p0 $0x1082;
	s9 =	sld [smem:$0x3FB7]  }
0x2f: {  	lr =	sadd.s32 s0, s3;
	s0 =	sld [smem:$0x3FAE]  }
0x30: {  	s3 =	sld [smem:$0x3FB1]  }
0x31: {  	[smem:$0x3FBA] =	sst s10  }
0x32: {  	s10 =	sld [smem:$0x3FB8];
	_ =	sdelay $0x3  }
0x33: {  	p0 =	seq.s32 s10, $0x1;
	s10 =	sld [smem:$0x3FBA];
	_ =	sdelay $0x3  }
0x34: {  	[smem:$0x3FBA] =	sst s10  }
0x35: {  	s10 =	sld [smem:$0x3FB9];
	_ =	sdelay $0x3  }
0x36: {  	p1 =	seq.s32 s10, $0x1;
	s10 =	sld [smem:$0x3FBA];
	_ =	sdelay $0x3  }
0x37: {  	[smem:$0x3FBA] =	sst s10  }
0x38: {  	s10 =	sld [smem:$0x3FBB]  }
0x39: {  	_ = 	snop;
	(pc) =	sbr.ind lr, $3  }
0x3a: {  	_ = 	snop  }
0x3b: {  	_ = 	snop  }
0x3c: {  	p2 =	seq.s32 s10, $0x1;
	s10 =	sld [smem:$0x3FBA]  }
0x3d: {  	_ =	shalt  }
0x3e: {  	_ =	shalt  }
0x3f: {  	_ =	shalt  }
0x40: {  	_ =	shalt  }
0x41: {  	_ =	shalt  }
0x42: {  	_ =	shalt  }
0x43: {  	_ =	shalt  }
0x44: {  	_ =	shalt  }
0x45: {  	_ =	shalt  }
0x46: {  	_ =	shalt  }
0x47: {  	_ =	shalt  }
0x48: {  	_ =	shalt  }
0x49: {  	_ =	shalt  }
0x4a: {  	_ =	shalt  }
0x4b: {  	_ =	shalt  }
0x4c: {  	_ =	shalt  }
0x4d: {  	_ =	shalt  }
0x4e: {  	_ =	shalt  }
0x4f: {  	_ =	shalt  }
0x50: {  	_ =	shalt  }
0x51: {  	_ =	shalt  }
0x52: {  	_ =	shalt  }
0x53: {  	_ =	shalt  }
0x54: {  	_ =	shalt  }
0x55: {  	_ =	shalt  }
0x56: {  	_ =	shalt  }
0x57: {  	_ =	shalt  }
0x58: {  	_ =	shalt  }
0x59: {  	_ =	shalt  }
0x5a: {  	_ =	shalt  }
0x5b: {  	_ =	shalt  }
0x5c: {  	_ =	shalt  }
0x5d: {  	_ =	shalt  }
0x5e: {  	_ =	shalt  }
0x5f: {  	_ =	shalt  }
0x60: {  	_ =	shalt  }
0x61: {  	_ =	shalt  }
0x62: {  	_ =	shalt  }
0x63: {  	_ =	shalt  }
0x64: {  	_ =	shalt  }
0x65: {  	_ =	shalt  }
0x66: {  	_ =	shalt  }
0x67: {  	_ =	shalt  }
0x68: {  	_ =	shalt  }
0x69: {  	_ =	shalt  }
0x6a: {  	_ =	shalt  }
0x6b: {  	_ =	shalt  }
0x6c: {  	_ =	shalt  }
0x6d: {  	_ =	shalt  }
0x6e: {  	_ =	shalt  }
0x6f: {  	_ =	shalt  }
0x70: {  	_ =	shalt  }
0x71: {  	_ =	shalt  }
0x72: {  	_ =	shalt  }
0x73: {  	_ =	shalt  }
0x74: {  	_ =	shalt  }
0x75: {  	_ =	shalt  }
0x76: {  	_ =	shalt  }
0x77: {  	_ =	shalt  }
0x78: {  	_ =	shalt  }
0x79: {  	_ =	shalt  }
0x7a: {  	_ =	shalt  }
0x7b: {  	_ =	shalt  }
0x7c: {  	_ =	shalt  }
0x7d: {  	_ =	shalt  }
0x7e: {  	_ =	shalt  }
0x7f: {  	_ =	shalt  }
0x80: {  	_ =	shalt  }
0x81: {  	_ =	shalt  }
0x82: {  	_ =	shalt  }
0x83: {  	_ =	shalt  }
0x84: {  	_ =	shalt  }
0x85: {  	_ =	shalt  }
0x86: {  	_ =	shalt  }
0x87: {  	_ =	shalt  }
.Lfunc_end0:
.L_simem_size_0:
called_computation.1_lowered:
.L_overlay_start_0:
0x88: {  	s2 =	sld [smem:$0x3FD9]  }
0x89: {  	s3 =	sld [smem:$0x3FFE];
	_ =	sdelay $0x1  }
0x8a: {  	s1 =	srdreg.scid  }
0x8b: {  	s0 =	sand.u32 $0x1, s1  }
0x8c: {  	s17 =	sshll.u32 s0, $0xA;
	s2 =	sadd.s32 s3, s2  }
0x8d: {  	s2 =	sadd.s32 s2, s17  }
0x8e: {  	[smem:$0x3FC6] =	sst s2  }
0x8f: {  	_ = 	snop  }
0x90: {  	s2 =	sld [smem:$0x3FD0];
	(tm) =	ssettm $0x1  }
0x91: {  	s18 =	sld [smem:$0x3FFB];
	_ =	sdelay $0x3  }
0x92: {  	_ =	strace s18  }
0x93: {  	s3 =	sld [smem:$0x3FFC];
	_ =	sdelay $0x3  }
0x94: {  	_ =	strace s3  }
0x95: {  	s3 =	sld [smem:$0x3FFD];
	_ =	sdelay $0x3  }
0x96: {  	_ =	strace s3  }
0x97: {  	_ =	strace $0x8FFFFFFF  }
0x98: {  	s19 =	sld [smem:$0x3FDB];
	_ =	sdelay $0x1  }
0x99: {  	s4 =	simm.s32 $_scs_section_size  }
0x9a: {  	s5 =	simm.s32 $_size__tile_overlayer_lowered;
	s6 =	simm.s32 $_tile_overlayer_lowered  }
0x9b: {  	s22 =	simm.s32 $0x1BFF;
	s21 =	sshll.u32 s6, $0x1;
	s3 =	sadd.s32 s4, s19  }
0x9c: {  	s7 =	simm.s32 $0x0;
	s20 =	sshll.u32 s5, $0x1;
	s5 =	sadd.s32 s21, s3  }
0x9d: {  	[timem:s7], [sflag:s22] =	dma.local [hbm:s5], s20  }
0x9e: {  	_ =	swait.ge [sflag:s22], s20  }
0x9f: {  	s4 =	ssub.s32 $0x0, s20;
	[sflag:s22] =	ssyncset.done $0x0  }
0xa0: {  	[sflag:s22] =	ssyncadd.s32 s4;
	_ =	sdelay $0x1  }
0xa1: {  	s23 =	simm.s32 $0x1B8B  }
0xa2: {  	_ =	swait.ge [sflag:s23], $0x1  }
0xa3: {  	[sflag:s23] =	ssyncset.done $0x0  }
0xa4: {  	s25 =	simm.s32 $0x1B8E;
	s24 =	sld [smem:$0x3FFE];
	[sflag:s23] =	ssyncadd.s32 $0xFFFFFFFF  }
0xa5: {  	s26 =	simm.s32 $execute0_lowered;
	[smem:$0x3FD2] =	sst s25  }
0xa6: {  	s5 =	sshll.u32 s26, $0x1;
	_ =	strace $0x80000046;
	[dreg:$0x1] =	wrdreg $0xFFFFFFFF  }
0xa7: {  	s28 =	simm.s32 $_size_execute0_lowered;
	s3 =	sadd.s32 s3, s5;
	[dreg:$0x0] =	wrdreg $0x0  }
0xa8: {  	s5 =	sshll.u32 s28, $0x1;
	[dreg:$0x2] =	wrdreg s3  }
0xa9: {  	[dreg:$0x3] =	wrdreg s5  }
0xaa: {  	[dreg:$0x4] =	wrdreg $0xC0  }
0xab: {  	_ =	task [dreg:s7], $0x5FFFF  }
0xac: {  	[dreg:$0x1] =	wrdreg $0xFFFFFFFF  }
0xad: {  	[dreg:$0x0] =	wrdreg $0x60  }
0xae: {  	[dreg:$0x2] =	wrdreg s2  }
0xaf: {  	[dreg:$0x3] =	wrdreg s24  }
0xb0: {  	[dreg:$0x4] =	wrdreg $0x9  }
0xb1: {  	_ =	task.clear_ibuf [dreg:s7], $0x5FFFF;
	_ =	strace $0x90000046  }
0xb2: {  	s29 =	simm.s32 $0x9;
	_ =	strace $0x80000048  }
0xb3: {  	_ =	swait.ge [sflag:s29], $0x1  }
0xb4: {  	[sflag:s29] =	ssyncadd.s32 $0xFFFFFFFF  }
0xb5: {  	_ =	strace $0x90000048  }
0xb6: {  	_ =	sfence  }
0xb7: {  	s30 =	sld [smem:$0x0];
	_ =	sdelay $0x2  }
0xb8: {  	s31 =	sshll.u32 s1, $0xD;
	s1 =	sshrl.u32 s1, $0x2  }
0xb9: {  	s3 =	sand.u32 $0x4000, s31;
	s1 =	sadd.s32 s1, s30  }
0xba: {  	s0 =	sor.u32 s3, s0;
	s1 =	sshll.u32 s1, $0x11  }
0xbb: {  	s0 =	sor.u32 s1, s0  }
0xbc: {  	s0 =	sadd.s32 $0x8F2B, s0  }
0xbd: {  	[sflag:s0] =	ssyncadd.remote.s32 $0x1  }
0xbe: {  	_ =	sfence.sel $0xFFFF  }
0xbf: {  	[dreg:$0x0] =	wrdreg $0xFFFFFFFF;
	(pc) =	sbr.abs _section_cstart, $3  }
0xc0: {  	[dreg:$0x1] =	wrdreg $0xFFFFFFFF  }
0xc1: {  	_ =	task.clear_ibuf [dreg:s7], $0x2FFFF;
	_ =	strace $0x9FFFFFFF  }
0xc2: {  	(tm) =	ssettm $0x7FFFFFFF  }
0xc3: {  	_ =	shalt  }
tec
execute0_lowered:
.L_overlay_start_1:
0x0: {  	(tag) =	ssettag $0x1  }
0x1: {  	s1 =	srdreg.scid;
	s7 =	rddreg [dreg:$0x0]  }
0x2: {  	s0 =	stileid.u32;
	s5 =	rddreg [dreg:$0x1];
	s3 =	simm.s32 $0x0  }
0x3: {  	s12 =	simm.s32 $0x1;
	s6 =	sand.u32 $0x1, s1;
	s30 =	sshll.u32 s0, $0x1  }
0x4: {  	s13 =	simm.s32 $0x1980;
	s14 =	simm.s32 $0x2;
	s1 =	sor.u32 s6, s30  }
0x5: {  	s15 =	simm.s32 $0xD980;
	s16 =	simm.s32 $0x3;
	s2 =	smul.u32 $0x1900, s1  }
0x6: {  	s17 =	simm.s32 $0x4;
	s18 =	simm.s32 $0x0;
	[smem:$0x7FF] =	sst s3  }
0x7: {  	s4 =	sadd.s32 $0x800, s5;
	s6 =	ssub.s32 $0x2, s6;
	s8 =	sshrl.u32 s2, $0x3  }
0x8: {  	s5 =	sadd.s32 $0x2DC7400, s5;
	s10 =	sshrl.u32 s6, $0x1;
	s9 =	smul.u32 $0xC00, s8  }
0x9: {  	s1 =	rddreg [dreg:$0x2];
	s10 =	ssub.s32 s6, s10;
	s11 =	smul.u32 $0x180, s8  }
0xa: {  	_ =	strace $0x80000047;
	s10 =	smax.u32 s10, $0x1;
	s9 =	sshrl.u32 s9, $0x3  }
0xb: {  	s6 =	sadd.s32 s7, s8;
	s7 =	sadd.s32 s5, s11;
	s31 =	sadd.s32 s5, s9  }
0xc: {  	v0 =	vimm.s32 $0x0;
	s11 =	simm.s32 $0x5;
	s9 =	sadd.s32 $0x100, s2;
	s8 =	sadd.s32 $0x1800, s31  }
.LBB2_1:
0xd: {  	[tilespmem:s3], [sflag:$0x5] =	stream.linear.gather [hbm4b:s6+s3], $0x1900, $0x38;
	[tilespmem:$0x19980] =	vst v63  }
0xe: {  	_ =	swait.ge [sflag:s11], $0x1900  }
0xf: {  	[sflag:s11] =	ssyncset.done $0x0  }
0x10: {  	[sflag:s11] =	ssyncadd.s32 $0xFFFFE700  }
0x11: {  	[tilespmem:$0x1900] =	vst v0  }
0x12: {  	[tilespmem:$0x1910] =	vst v0  }
0x13: {  	[tilespmem:$0x1920] =	vst v0  }
0x14: {  	[tilespmem:$0x1930] =	vst v0  }
0x15: {  	[tilespmem:$0x1940] =	vst v0  }
0x16: {  	[tilespmem:$0x1950] =	vst v0  }
0x17: {  	[tilespmem:$0x1960] =	vst v0  }
0x18: {  	s20 =	simm.s32 $0x0;
	s21 =	simm.s32 $0x0;
	[tilespmem:$0x1970] =	vst v0  }
.LBB2_2:
0x19: {  	v1 =	vld [tilespmem:s20+$0x0];
	_ =	sdelay $0x4  }
0x1a: {  	(v2sf) =	vpush v1, $0x0;
	_ =	sdelay $0x9  }
0x1b: {  	(v2sf) =	vpush v1, $0x1;
	_ =	sdelay $0x4  }
0x1c: {  	s19 =	spop (v2sf)  }
0x1d: {  	s22 =	sshrl.u32 s19, $0x3  }
0x1e: {  	s19 =	sshll.u32 s19, $0x7;
	s22 =	smul.u32 $0xC00, s22  }
0x1f: {  	s19 =	sand.u32 $0x380, s19  }
0x20: {  	(v2sf) =	vpush v1, $0x2;
	s19 =	sor.u32 s19, s22  }
0x21: {  	s22 =	sshra.s32 s21, $0x2;
	s19 =	sshrl.u32 s19, $0x3  }
0x22: {  	s24 =	sadd.s32 $0x1980, s22;
	s23 =	sadd.s32 s4, s19;
	s19 =	simm.s32 $0x0  }
0x23: {  	[tilespmem:s24], [sflag:$0x1] =	stream.linear.gather [hbm4b:s23+s19], $0x80, $0x38;
	[tilespmem:$0x19980] =	vst v63  }
0x24: {  	s25 =	sadd.s32 $0x1D80, s22;
	s30 =	sadd.s32 $0x80, s23  }
0x25: {  	[tilespmem:s25], [sflag:$0x1] =	stream.linear.gather [hbm4b:s30+s19], $0x80, $0x38;
	[tilespmem:$0x19980] =	vst v63  }
0x26: {  	s25 =	spop (v2sf)  }
0x27: {  	s31 =	sadd.s32 $0x2180, s22;
	s23 =	sadd.s32 $0x100, s23;
	s26 =	sshrl.u32 s25, $0x3  }
0x28: {  	[tilespmem:s31], [sflag:$0x1] =	stream.linear.gather [hbm4b:s23+s19], $0x80, $0x38;
	[tilespmem:$0x19980] =	vst v63  }
0x29: {  	s24 =	smul.u32 $0xC00, s26;
	s23 =	sshll.u32 s25, $0x7  }
0x2a: {  	(v2sf) =	vpush v1, $0x3;
	s23 =	sand.u32 $0x380, s23  }
0x2b: {  	s23 =	sor.u32 s23, s24  }
0x2c: {  	s23 =	sshrl.u32 s23, $0x3  }
0x2d: {  	s28 =	sadd.s32 $0x1A00, s22;
	s23 =	sadd.s32 s4, s23  }
0x2e: {  	[tilespmem:s28], [sflag:$0x1] =	stream.linear.gather [hbm4b:s23+s19], $0x80, $0x38;
	[tilespmem:$0x19980] =	vst v63  }
0x2f: {  	s30 =	sadd.s32 $0x1E00, s22;
	s25 =	spop (v2sf);
	s29 =	sadd.s32 $0x80, s23  }
0x30: {  	[tilespmem:s30], [sflag:$0x1] =	stream.linear.gather [hbm4b:s29+s19], $0x80, $0x38;
	[tilespmem:$0x19980] =	vst v63  }
0x31: {  	s31 =	sadd.s32 $0x2200, s22;
	s23 =	sadd.s32 $0x100, s23;
	s26 =	sshrl.u32 s25, $0x3  }
0x32: {  	[tilespmem:s31], [sflag:$0x1] =	stream.linear.gather [hbm4b:s23+s19], $0x80, $0x38;
	[tilespmem:$0x19980] =	vst v63  }
0x33: {  	s24 =	smul.u32 $0xC00, s26;
	s23 =	sshll.u32 s25, $0x7  }
0x34: {  	(v2sf) =	vpush v1, $0x4;
	s23 =	sand.u32 $0x380, s23  }
0x35: {  	s23 =	sor.u32 s23, s24  }
0x36: {  	s23 =	sshrl.u32 s23, $0x3  }
0x37: {  	s28 =	sadd.s32 $0x1A80, s22;
	s23 =	sadd.s32 s4, s23  }
0x38: {  	[tilespmem:s28], [sflag:$0x1] =	stream.linear.gather [hbm4b:s23+s19], $0x80, $0x38;
	[tilespmem:$0x19980] =	vst v63  }
0x39: {  	s30 =	sadd.s32 $0x1E80, s22;
	s25 =	spop (v2sf);
	s29 =	sadd.s32 $0x80, s23  }
0x3a: {  	[tilespmem:s30], [sflag:$0x1] =	stream.linear.gather [hbm4b:s29+s19], $0x80, $0x38;
	[tilespmem:$0x19980] =	vst v63  }
0x3b: {  	s31 =	sadd.s32 $0x2280, s22;
	s23 =	sadd.s32 $0x100, s23;
	s26 =	sshrl.u32 s25, $0x3  }
0x3c: {  	[tilespmem:s31], [sflag:$0x1] =	stream.linear.gather [hbm4b:s23+s19], $0x80, $0x38;
	[tilespmem:$0x19980] =	vst v63  }
0x3d: {  	s24 =	smul.u32 $0xC00, s26;
	s23 =	sshll.u32 s25, $0x7  }
0x3e: {  	(v2sf) =	vpush v1, $0x5;
	s23 =	sand.u32 $0x380, s23  }
0x3f: {  	s23 =	sor.u32 s23, s24  }
0x40: {  	s23 =	sshrl.u32 s23, $0x3  }
0x41: {  	s28 =	sadd.s32 $0x1B00, s22;
	s23 =	sadd.s32 s4, s23  }
0x42: {  	[tilespmem:s28], [sflag:$0x1] =	stream.linear.gather [hbm4b:s23+s19], $0x80, $0x38;
	[tilespmem:$0x19980] =	vst v63  }
0x43: {  	s30 =	sadd.s32 $0x1F00, s22;
	s25 =	spop (v2sf);
	s29 =	sadd.s32 $0x80, s23  }
0x44: {  	[tilespmem:s30], [sflag:$0x1] =	stream.linear.gather [hbm4b:s29+s19], $0x80, $0x38;
	[tilespmem:$0x19980] =	vst v63  }
0x45: {  	s31 =	sadd.s32 $0x2300, s22;
	s26 =	sshrl.u32 s25, $0x3;
	s23 =	sadd.s32 $0x100, s23  }
0x46: {  	[tilespmem:s31], [sflag:$0x1] =	stream.linear.gather [hbm4b:s23+s19], $0x80, $0x38;
	[tilespmem:$0x19980] =	vst v63  }
0x47: {  	s24 =	smul.u32 $0xC00, s26;
	s23 =	sshll.u32 s25, $0x7  }
0x48: {  	(v2sf) =	vpush v1, $0x6;
	s23 =	sand.u32 $0x380, s23  }
0x49: {  	s23 =	sor.u32 s23, s24  }
0x4a: {  	s23 =	sshrl.u32 s23, $0x3  }
0x4b: {  	s28 =	sadd.s32 $0x1B80, s22;
	s23 =	sadd.s32 s4, s23  }
0x4c: {  	[tilespmem:s28], [sflag:$0x1] =	stream.linear.gather [hbm4b:s23+s19], $0x80, $0x38;
	[tilespmem:$0x19980] =	vst v63  }
0x4d: {  	s30 =	sadd.s32 $0x1F80, s22;
	s25 =	spop (v2sf);
	s29 =	sadd.s32 $0x80, s23  }
0x4e: {  	[tilespmem:s30], [sflag:$0x1] =	stream.linear.gather [hbm4b:s29+s19], $0x80, $0x38;
	[tilespmem:$0x19980] =	vst v63  }
0x4f: {  	s31 =	sadd.s32 $0x2380, s22;
	s26 =	sshrl.u32 s25, $0x3;
	s23 =	sadd.s32 $0x100, s23  }
0x50: {  	[tilespmem:s31], [sflag:$0x1] =	stream.linear.gather [hbm4b:s23+s19], $0x80, $0x38;
	[tilespmem:$0x19980] =	vst v63  }
0x51: {  	s24 =	smul.u32 $0xC00, s26;
	s23 =	sshll.u32 s25, $0x7  }
0x52: {  	(v2sf) =	vpush v1, $0x7;
	s23 =	sand.u32 $0x380, s23  }
0x53: {  	s23 =	sor.u32 s23, s24  }
0x54: {  	s23 =	sshrl.u32 s23, $0x3  }
0x55: {  	s28 =	sadd.s32 $0x1C00, s22;
	s23 =	sadd.s32 s4, s23  }
0x56: {  	[tilespmem:s28], [sflag:$0x1] =	stream.linear.gather [hbm4b:s23+s19], $0x80, $0x38;
	[tilespmem:$0x19980] =	vst v63  }
0x57: {  	s30 =	sadd.s32 $0x2000, s22;
	s25 =	spop (v2sf);
	s29 =	sadd.s32 $0x80, s23  }
0x58: {  	[tilespmem:s30], [sflag:$0x1] =	stream.linear.gather [hbm4b:s29+s19], $0x80, $0x38;
	[tilespmem:$0x19980] =	vst v63  }
0x59: {  	s31 =	sadd.s32 $0x2400, s22;
	s26 =	sshrl.u32 s25, $0x3;
	s23 =	sadd.s32 $0x100, s23  }
0x5a: {  	[tilespmem:s31], [sflag:$0x1] =	stream.linear.gather [hbm4b:s23+s19], $0x80, $0x38;
	[tilespmem:$0x19980] =	vst v63  }
0x5b: {  	s24 =	smul.u32 $0xC00, s26;
	s23 =	sshll.u32 s25, $0x7  }
0x5c: {  	(v2sf) =	vpush v1, $0x8;
	s23 =	sand.u32 $0x380, s23  }
0x5d: {  	s23 =	sor.u32 s23, s24  }
0x5e: {  	s23 =	sshrl.u32 s23, $0x3  }
0x5f: {  	s28 =	sadd.s32 $0x1C80, s22;
	s23 =	sadd.s32 s4, s23  }
0x60: {  	[tilespmem:s28], [sflag:$0x1] =	stream.linear.gather [hbm4b:s23+s19], $0x80, $0x38;
	[tilespmem:$0x19980] =	vst v63  }
0x61: {  	s30 =	sadd.s32 $0x2080, s22;
	s25 =	spop (v2sf);
	s29 =	sadd.s32 $0x80, s23  }
0x62: {  	[tilespmem:s30], [sflag:$0x1] =	stream.linear.gather [hbm4b:s29+s19], $0x80, $0x38;
	[tilespmem:$0x19980] =	vst v63  }
0x63: {  	s31 =	sadd.s32 $0x2480, s22;
	s26 =	sshrl.u32 s25, $0x3;
	s23 =	sadd.s32 $0x100, s23  }
0x64: {  	[tilespmem:s31], [sflag:$0x1] =	stream.linear.gather [hbm4b:s23+s19], $0x80, $0x38;
	[tilespmem:$0x19980] =	vst v63  }
0x65: {  	s24 =	smul.u32 $0xC00, s26;
	s23 =	sshll.u32 s25, $0x7  }
0x66: {  	(v2sf) =	vpush v1, $0x9;
	s23 =	sand.u32 $0x380, s23  }
0x67: {  	s23 =	sor.u32 s23, s24  }
0x68: {  	s23 =	sshrl.u32 s23, $0x3  }
0x69: {  	s28 =	sadd.s32 $0x1D00, s22;
	s23 =	sadd.s32 s4, s23  }
0x6a: {  	[tilespmem:s28], [sflag:$0x1] =	stream.linear.gather [hbm4b:s23+s19], $0x80, $0x38;
	[tilespmem:$0x19980] =	vst v63  }
0x6b: {  	s30 =	sadd.s32 $0x2100, s22;
	s25 =	spop (v2sf);
	s29 =	sadd.s32 $0x80, s23  }
0x6c: {  	[tilespmem:s30], [sflag:$0x1] =	stream.linear.gather [hbm4b:s29+s19], $0x80, $0x38;
	[tilespmem:$0x19980] =	vst v63  }
0x6d: {  	s31 =	sadd.s32 $0x2500, s22;
	s26 =	sshrl.u32 s25, $0x3;
	s23 =	sadd.s32 $0x100, s23  }
0x6e: {  	[tilespmem:s31], [sflag:$0x1] =	stream.linear.gather [hbm4b:s23+s19], $0x80, $0x38;
	[tilespmem:$0x19980] =	vst v63  }
0x6f: {  	s24 =	smul.u32 $0xC00, s26;
	s23 =	sshll.u32 s25, $0x7  }
0x70: {  	(v2sf) =	vpush v1, $0xA;
	s23 =	sand.u32 $0x380, s23  }
0x71: {  	s23 =	sor.u32 s23, s24  }
0x72: {  	s23 =	sshrl.u32 s23, $0x3  }
0x73: {  	s28 =	sadd.s32 $0x2580, s22;
	s23 =	sadd.s32 s4, s23  }
0x74: {  	[tilespmem:s28], [sflag:$0x1] =	stream.linear.gather [hbm4b:s23+s19], $0x80, $0x38;
	[tilespmem:$0x19980] =	vst v63  }
0x75: {  	s30 =	sadd.s32 $0x2980, s22;
	s25 =	spop (v2sf);
	s29 =	sadd.s32 $0x80, s23  }
0x76: {  	[tilespmem:s30], [sflag:$0x1] =	stream.linear.gather [hbm4b:s29+s19], $0x80, $0x38;
	[tilespmem:$0x19980] =	vst v63  }
0x77: {  	s31 =	sadd.s32 $0x2D80, s22;
	s26 =	sshrl.u32 s25, $0x3;
	s23 =	sadd.s32 $0x100, s23  }
0x78: {  	[tilespmem:s31], [sflag:$0x1] =	stream.linear.gather [hbm4b:s23+s19], $0x80, $0x38;
	[tilespmem:$0x19980] =	vst v63  }
0x79: {  	s24 =	smul.u32 $0xC00, s26;
	s23 =	sshll.u32 s25, $0x7  }
0x7a: {  	(v2sf) =	vpush v1, $0xB;
	s23 =	sand.u32 $0x380, s23  }
0x7b: {  	s23 =	sor.u32 s23, s24  }
0x7c: {  	s23 =	sshrl.u32 s23, $0x3  }
0x7d: {  	s28 =	sadd.s32 $0x2600, s22;
	s23 =	sadd.s32 s4, s23  }
0x7e: {  	[tilespmem:s28], [sflag:$0x1] =	stream.linear.gather [hbm4b:s23+s19], $0x80, $0x38;
	[tilespmem:$0x19980] =	vst v63  }
0x7f: {  	s30 =	sadd.s32 $0x2A00, s22;
	s25 =	spop (v2sf);
	s29 =	sadd.s32 $0x80, s23  }
0x80: {  	[tilespmem:s30], [sflag:$0x1] =	stream.linear.gather [hbm4b:s29+s19], $0x80, $0x38;
	[tilespmem:$0x19980] =	vst v63  }
0x81: {  	s31 =	sadd.s32 $0x2E00, s22;
	s26 =	sshrl.u32 s25, $0x3;
	s23 =	sadd.s32 $0x100, s23  }
0x82: {  	[tilespmem:s31], [sflag:$0x1] =	stream.linear.gather [hbm4b:s23+s19], $0x80, $0x38;
	[tilespmem:$0x19980] =	vst v63  }
0x83: {  	s24 =	smul.u32 $0xC00, s26;
	s23 =	sshll.u32 s25, $0x7  }
0x84: {  	(v2sf) =	vpush v1, $0xC;
	s23 =	sand.u32 $0x380, s23  }
0x85: {  	s23 =	sor.u32 s23, s24  }
0x86: {  	s23 =	sshrl.u32 s23, $0x3  }
0x87: {  	s28 =	sadd.s32 $0x2680, s22;
	s23 =	sadd.s32 s4, s23  }
0x88: {  	[tilespmem:s28], [sflag:$0x1] =	stream.linear.gather [hbm4b:s23+s19], $0x80, $0x38;
	[tilespmem:$0x19980] =	vst v63  }
0x89: {  	s30 =	sadd.s32 $0x2A80, s22;
	s25 =	spop (v2sf);
	s29 =	sadd.s32 $0x80, s23  }
0x8a: {  	[tilespmem:s30], [sflag:$0x1] =	stream.linear.gather [hbm4b:s29+s19], $0x80, $0x38;
	[tilespmem:$0x19980] =	vst v63  }
0x8b: {  	s31 =	sadd.s32 $0x2E80, s22;
	s26 =	sshrl.u32 s25, $0x3;
	s23 =	sadd.s32 $0x100, s23  }
0x8c: {  	[tilespmem:s31], [sflag:$0x1] =	stream.linear.gather [hbm4b:s23+s19], $0x80, $0x38;
	[tilespmem:$0x19980] =	vst v63  }
0x8d: {  	s24 =	smul.u32 $0xC00, s26;
	s23 =	sshll.u32 s25, $0x7  }
0x8e: {  	(v2sf) =	vpush v1, $0xD;
	s23 =	sand.u32 $0x380, s23  }
0x8f: {  	s23 =	sor.u32 s23, s24  }
0x90: {  	s23 =	sshrl.u32 s23, $0x3  }
0x91: {  	s28 =	sadd.s32 $0x2700, s22;
	s23 =	sadd.s32 s4, s23  }
0x92: {  	[tilespmem:s28], [sflag:$0x1] =	stream.linear.gather [hbm4b:s23+s19], $0x80, $0x38;
	[tilespmem:$0x19980] =	vst v63  }
0x93: {  	s30 =	sadd.s32 $0x2B00, s22;
	s25 =	spop (v2sf);
	s29 =	sadd.s32 $0x80, s23  }
0x94: {  	[tilespmem:s30], [sflag:$0x1] =	stream.linear.gather [hbm4b:s29+s19], $0x80, $0x38;
	[tilespmem:$0x19980] =	vst v63  }
0x95: {  	s31 =	sadd.s32 $0x2F00, s22;
	s26 =	sshrl.u32 s25, $0x3;
	s23 =	sadd.s32 $0x100, s23  }
0x96: {  	[tilespmem:s31], [sflag:$0x1] =	stream.linear.gather [hbm4b:s23+s19], $0x80, $0x38;
	[tilespmem:$0x19980] =	vst v63  }
0x97: {  	s24 =	smul.u32 $0xC00, s26;
	s23 =	sshll.u32 s25, $0x7  }
0x98: {  	(v2sf) =	vpush v1, $0xE;
	s23 =	sand.u32 $0x380, s23  }
0x99: {  	s23 =	sor.u32 s23, s24  }
0x9a: {  	s23 =	sshrl.u32 s23, $0x3  }
0x9b: {  	s28 =	sadd.s32 $0x2780, s22;
	s23 =	sadd.s32 s4, s23  }
0x9c: {  	[tilespmem:s28], [sflag:$0x1] =	stream.linear.gather [hbm4b:s23+s19], $0x80, $0x38;
	[tilespmem:$0x19980] =	vst v63  }
0x9d: {  	s30 =	sadd.s32 $0x2B80, s22;
	s25 =	spop (v2sf);
	s29 =	sadd.s32 $0x80, s23  }
0x9e: {  	[tilespmem:s30], [sflag:$0x1] =	stream.linear.gather [hbm4b:s29+s19], $0x80, $0x38;
	[tilespmem:$0x19980] =	vst v63  }
0x9f: {  	s31 =	sadd.s32 $0x2F80, s22;
	s26 =	sshrl.u32 s25, $0x3;
	s23 =	sadd.s32 $0x100, s23  }
0xa0: {  	[tilespmem:s31], [sflag:$0x1] =	stream.linear.gather [hbm4b:s23+s19], $0x80, $0x38;
	[tilespmem:$0x19980] =	vst v63  }
0xa1: {  	s24 =	smul.u32 $0xC00, s26;
	s23 =	sshll.u32 s25, $0x7  }
0xa2: {  	(v2sf) =	vpush v1, $0xF;
	s23 =	sand.u32 $0x380, s23  }
0xa3: {  	s23 =	sor.u32 s23, s24  }
0xa4: {  	s23 =	sshrl.u32 s23, $0x3  }
0xa5: {  	s28 =	sadd.s32 $0x2800, s22;
	s23 =	sadd.s32 s4, s23  }
0xa6: {  	[tilespmem:s28], [sflag:$0x1] =	stream.linear.gather [hbm4b:s23+s19], $0x80, $0x38;
	[tilespmem:$0x19980] =	vst v63  }
0xa7: {  	s30 =	sadd.s32 $0x2C00, s22;
	s31 =	spop (v2sf);
	s29 =	sadd.s32 $0x80, s23  }
0xa8: {  	[tilespmem:s30], [sflag:$0x1] =	stream.linear.gather [hbm4b:s29+s19], $0x80, $0x38;
	[tilespmem:$0x19980] =	vst v63  }
0xa9: {  	s26 =	sadd.s32 $0x3000, s22;
	s23 =	sadd.s32 $0x100, s23;
	s28 =	sshrl.u32 s31, $0x3  }
0xaa: {  	[tilespmem:s26], [sflag:$0x1] =	stream.linear.gather [hbm4b:s23+s19], $0x80, $0x38;
	[tilespmem:$0x19980] =	vst v63  }
0xab: {  	s24 =	sshll.u32 s31, $0x7;
	s23 =	smul.u32 $0xC00, s28  }
0xac: {  	s24 =	sand.u32 $0x380, s24  }
0xad: {  	s23 =	sor.u32 s24, s23  }
0xae: {  	s23 =	sshrl.u32 s23, $0x3  }
0xaf: {  	s29 =	sadd.s32 $0x2880, s22;
	s23 =	sadd.s32 s4, s23  }
0xb0: {  	[tilespmem:s29], [sflag:$0x1] =	stream.linear.gather [hbm4b:s23+s19], $0x80, $0x38;
	[tilespmem:$0x19980] =	vst v63  }
0xb1: {  	s31 =	sadd.s32 $0x2C80, s22;
	s26 =	spop (v2sf);
	s30 =	sadd.s32 $0x80, s23  }
0xb2: {  	[tilespmem:s31], [sflag:$0x1] =	stream.linear.gather [hbm4b:s30+s19], $0x80, $0x38;
	[tilespmem:$0x19980] =	vst v63  }
0xb3: {  	s25 =	sadd.s32 $0x3080, s22;
	s28 =	sshrl.u32 s26, $0x3;
	s23 =	sadd.s32 $0x100, s23  }
0xb4: {  	[tilespmem:s25], [sflag:$0x1] =	stream.linear.gather [hbm4b:s23+s19], $0x80, $0x38;
	[tilespmem:$0x19980] =	vst v63  }
0xb5: {  	s24 =	smul.u32 $0xC00, s28;
	s23 =	sshll.u32 s26, $0x7  }
0xb6: {  	s23 =	sand.u32 $0x380, s23  }
0xb7: {  	s23 =	sor.u32 s23, s24  }
0xb8: {  	s23 =	sshrl.u32 s23, $0x3  }
0xb9: {  	p0 =	sne.s32 s21, $0x2A000;
	s29 =	sadd.s32 $0x2900, s22;
	s23 =	sadd.s32 s4, s23  }
0xba: {  	[tilespmem:s29], [sflag:$0x1] =	stream.linear.gather [hbm4b:s23+s19], $0x80, $0x38;
	[tilespmem:$0x19980] =	vst v63  }
.Ltmp0:
0xbb: {  	_ = 	snop;
	(pc) =	sbr.rel @p0 .LBB2_2-.Ltmp0, $4  }
0xbc: {  	s20 =	sadd.s32 $0x10, s20;
	s31 =	sadd.s32 $0x2D00, s22;
	s30 =	sadd.s32 $0x80, s23  }
0xbd: {  	[tilespmem:s31], [sflag:$0x1] =	stream.linear.gather [hbm4b:s30+s19], $0x80, $0x38;
	[tilespmem:$0x19980] =	vst v63  }
0xbe: {  	s21 =	sadd.s32 $0x6000, s21;
	s22 =	sadd.s32 $0x3100, s22;
	s23 =	sadd.s32 $0x100, s23  }
0xbf: {  	[tilespmem:s22], [sflag:$0x1] =	stream.linear.gather [hbm4b:s23+s19], $0x80, $0x38;
	[tilespmem:$0x19980] =	vst v63  }
0xc0: {  	s20 =	simm.s32 $0x80  }
.LBB2_4:
0xc1: {  	v1 =	vld [tilespmem:s20+$0x0];
	_ =	sdelay $0x4  }
0xc2: {  	(v2sf) =	vpush v1, $0x0;
	_ =	sdelay $0x7  }
0xc3: {  	(v2sf) =	vpush v1, $0x1;
	_ =	sdelay $0x6  }
0xc4: {  	s21 =	spop (v2sf)  }
0xc5: {  	s22 =	sshrl.u32 s21, $0x3  }
0xc6: {  	s21 =	sshll.u32 s21, $0x7;
	s22 =	smul.u32 $0xC00, s22  }
0xc7: {  	(v2sf) =	vpush v1, $0x2;
	s21 =	sand.u32 $0x380, s21  }
0xc8: {  	s21 =	sor.u32 s21, s22  }
0xc9: {  	s22 =	sshrl.u32 s21, $0x3;
	s21 =	sshra.s32 s19, $0x2  }
0xca: {  	s22 =	sadd.s32 s4, s22;
	s23 =	sadd.s32 $0xD980, s21  }
0xcb: {  	[tilespmem:s23], [sflag:$0x2] =	stream.linear.gather [hbm4b:s22+s3], $0x80, $0x38;
	[tilespmem:$0x19980] =	vst v63  }
0xcc: {  	s26 =	spop (v2sf);
	s24 =	sadd.s32 $0xDD80, s21;
	s31 =	sadd.s32 $0x80, s22  }
0xcd: {  	[tilespmem:s24], [sflag:$0x2] =	stream.linear.gather [hbm4b:s31+s3], $0x80, $0x38;
	[tilespmem:$0x19980] =	vst v63  }
0xce: {  	s28 =	sshrl.u32 s26, $0x3;
	s25 =	sadd.s32 $0xE180, s21;
	s22 =	sadd.s32 $0x100, s22  }
0xcf: {  	[tilespmem:s25], [sflag:$0x2] =	stream.linear.gather [hbm4b:s22+s3], $0x80, $0x38;
	[tilespmem:$0x19980] =	vst v63  }
0xd0: {  	s23 =	smul.u32 $0xC00, s28;
	s22 =	sshll.u32 s26, $0x7  }
0xd1: {  	(v2sf) =	vpush v1, $0x3;
	s22 =	sand.u32 $0x380, s22  }
0xd2: {  	s22 =	sor.u32 s22, s23  }
0xd3: {  	s22 =	sshrl.u32 s22, $0x3  }
0xd4: {  	s29 =	sadd.s32 $0xDA00, s21;
	s22 =	sadd.s32 s4, s22  }
0xd5: {  	[tilespmem:s29], [sflag:$0x2] =	stream.linear.gather [hbm4b:s22+s3], $0x80, $0x38;
	[tilespmem:$0x19980] =	vst v63  }
0xd6: {  	s31 =	sadd.s32 $0xDE00, s21;
	s26 =	spop (v2sf);
	s30 =	sadd.s32 $0x80, s22  }
0xd7: {  	[tilespmem:s31], [sflag:$0x2] =	stream.linear.gather [hbm4b:s30+s3], $0x80, $0x38;
	[tilespmem:$0x19980] =	vst v63  }
0xd8: {  	s25 =	sadd.s32 $0xE200, s21;
	s22 =	sadd.s32 $0x100, s22;
	s28 =	sshrl.u32 s26, $0x3  }
0xd9: {  	[tilespmem:s25], [sflag:$0x2] =	stream.linear.gather [hbm4b:s22+s3], $0x80, $0x38;
	[tilespmem:$0x19980] =	vst v63  }
0xda: {  	s23 =	smul.u32 $0xC00, s28;
	s22 =	sshll.u32 s26, $0x7  }
0xdb: {  	(v2sf) =	vpush v1, $0x4;
	s22 =	sand.u32 $0x380, s22  }
0xdc: {  	s22 =	sor.u32 s22, s23  }
0xdd: {  	s22 =	sshrl.u32 s22, $0x3  }
0xde: {  	s29 =	sadd.s32 $0xDA80, s21;
	s22 =	sadd.s32 s4, s22  }
0xdf: {  	[tilespmem:s29], [sflag:$0x2] =	stream.linear.gather [hbm4b:s22+s3], $0x80, $0x38;
	[tilespmem:$0x19980] =	vst v63  }
0xe0: {  	s31 =	sadd.s32 $0xDE80, s21;
	s26 =	spop (v2sf);
	s30 =	sadd.s32 $0x80, s22  }
0xe1: {  	[tilespmem:s31], [sflag:$0x2] =	stream.linear.gather [hbm4b:s30+s3], $0x80, $0x38;
	[tilespmem:$0x19980] =	vst v63  }
0xe2: {  	s25 =	sadd.s32 $0xE280, s21;
	s28 =	sshrl.u32 s26, $0x3;
	s22 =	sadd.s32 $0x100, s22  }
0xe3: {  	[tilespmem:s25], [sflag:$0x2] =	stream.linear.gather [hbm4b:s22+s3], $0x80, $0x38;
	[tilespmem:$0x19980] =	vst v63  }
0xe4: {  	s23 =	smul.u32 $0xC00, s28;
	s22 =	sshll.u32 s26, $0x7  }
0xe5: {  	(v2sf) =	vpush v1, $0x5;
	s22 =	sand.u32 $0x380, s22  }
0xe6: {  	s22 =	sor.u32 s22, s23  }
0xe7: {  	s22 =	sshrl.u32 s22, $0x3  }
0xe8: {  	s29 =	sadd.s32 $0xDB00, s21;
	s22 =	sadd.s32 s4, s22  }
0xe9: {  	[tilespmem:s29], [sflag:$0x2] =	stream.linear.gather [hbm4b:s22+s3], $0x80, $0x38;
	[tilespmem:$0x19980] =	vst v63  }
0xea: {  	s31 =	sadd.s32 $0xDF00, s21;
	s26 =	spop (v2sf);
	s30 =	sadd.s32 $0x80, s22  }
0xeb: {  	[tilespmem:s31], [sflag:$0x2] =	stream.linear.gather [hbm4b:s30+s3], $0x80, $0x38;
	[tilespmem:$0x19980] =	vst v63  }
0xec: {  	s25 =	sadd.s32 $0xE300, s21;
	s28 =	sshrl.u32 s26, $0x3;
	s22 =	sadd.s32 $0x100, s22  }
0xed: {  	[tilespmem:s25], [sflag:$0x2] =	stream.linear.gather [hbm4b:s22+s3], $0x80, $0x38;
	[tilespmem:$0x19980] =	vst v63  }
0xee: {  	s23 =	smul.u32 $0xC00, s28;
	s22 =	sshll.u32 s26, $0x7  }
0xef: {  	(v2sf) =	vpush v1, $0x6;
	s22 =	sand.u32 $0x380, s22  }
0xf0: {  	s22 =	sor.u32 s22, s23  }
0xf1: {  	s22 =	sshrl.u32 s22, $0x3  }
0xf2: {  	s29 =	sadd.s32 $0xDB80, s21;
	s22 =	sadd.s32 s4, s22  }
0xf3: {  	[tilespmem:s29], [sflag:$0x2] =	stream.linear.gather [hbm4b:s22+s3], $0x80, $0x38;
	[tilespmem:$0x19980] =	vst v63  }
0xf4: {  	s31 =	sadd.s32 $0xDF80, s21;
	s26 =	spop (v2sf);
	s30 =	sadd.s32 $0x80, s22  }
0xf5: {  	[tilespmem:s31], [sflag:$0x2] =	stream.linear.gather [hbm4b:s30+s3], $0x80, $0x38;
	[tilespmem:$0x19980] =	vst v63  }
0xf6: {  	s25 =	sadd.s32 $0xE380, s21;
	s28 =	sshrl.u32 s26, $0x3;
	s22 =	sadd.s32 $0x100, s22  }
0xf7: {  	[tilespmem:s25], [sflag:$0x2] =	stream.linear.gather [hbm4b:s22+s3], $0x80, $0x38;
	[tilespmem:$0x19980] =	vst v63  }
0xf8: {  	s23 =	smul.u32 $0xC00, s28;
	s22 =	sshll.u32 s26, $0x7  }
0xf9: {  	(v2sf) =	vpush v1, $0x7;
	s22 =	sand.u32 $0x380, s22  }
0xfa: {  	s22 =	sor.u32 s22, s23  }
0xfb: {  	s22 =	sshrl.u32 s22, $0x3  }
0xfc: {  	s29 =	sadd.s32 $0xDC00, s21;
	s22 =	sadd.s32 s4, s22  }
0xfd: {  	[tilespmem:s29], [sflag:$0x2] =	stream.linear.gather [hbm4b:s22+s3], $0x80, $0x38;
	[tilespmem:$0x19980] =	vst v63  }
0xfe: {  	s31 =	sadd.s32 $0xE000, s21;
	s26 =	spop (v2sf);
	s30 =	sadd.s32 $0x80, s22  }
0xff: {  	[tilespmem:s31], [sflag:$0x2] =	stream.linear.gather [hbm4b:s30+s3], $0x80, $0x38;
	[tilespmem:$0x19980] =	vst v63  }
0x100: {  	s25 =	sadd.s32 $0xE400, s21;
	s28 =	sshrl.u32 s26, $0x3;
	s22 =	sadd.s32 $0x100, s22  }
0x101: {  	[tilespmem:s25], [sflag:$0x2] =	stream.linear.gather [hbm4b:s22+s3], $0x80, $0x38;
	[tilespmem:$0x19980] =	vst v63  }
0x102: {  	s23 =	smul.u32 $0xC00, s28;
	s22 =	sshll.u32 s26, $0x7  }
0x103: {  	(v2sf) =	vpush v1, $0x8;
	s22 =	sand.u32 $0x380, s22  }
0x104: {  	s22 =	sor.u32 s22, s23  }
0x105: {  	s22 =	sshrl.u32 s22, $0x3  }
0x106: {  	s29 =	sadd.s32 $0xDC80, s21;
	s22 =	sadd.s32 s4, s22  }
0x107: {  	[tilespmem:s29], [sflag:$0x2] =	stream.linear.gather [hbm4b:s22+s3], $0x80, $0x38;
	[tilespmem:$0x19980] =	vst v63  }
0x108: {  	s31 =	sadd.s32 $0xE080, s21;
	s26 =	spop (v2sf);
	s30 =	sadd.s32 $0x80, s22  }
0x109: {  	[tilespmem:s31], [sflag:$0x2] =	stream.linear.gather [hbm4b:s30+s3], $0x80, $0x38;
	[tilespmem:$0x19980] =	vst v63  }
0x10a: {  	s25 =	sadd.s32 $0xE480, s21;
	s28 =	sshrl.u32 s26, $0x3;
	s22 =	sadd.s32 $0x100, s22  }
0x10b: {  	[tilespmem:s25], [sflag:$0x2] =	stream.linear.gather [hbm4b:s22+s3], $0x80, $0x38;
	[tilespmem:$0x19980] =	vst v63  }
0x10c: {  	s23 =	smul.u32 $0xC00, s28;
	s22 =	sshll.u32 s26, $0x7  }
0x10d: {  	(v2sf) =	vpush v1, $0x9;
	s22 =	sand.u32 $0x380, s22  }
0x10e: {  	s22 =	sor.u32 s22, s23  }
0x10f: {  	s22 =	sshrl.u32 s22, $0x3  }
0x110: {  	s29 =	sadd.s32 $0xDD00, s21;
	s22 =	sadd.s32 s4, s22  }
0x111: {  	[tilespmem:s29], [sflag:$0x2] =	stream.linear.gather [hbm4b:s22+s3], $0x80, $0x38;
	[tilespmem:$0x19980] =	vst v63  }
0x112: {  	s31 =	sadd.s32 $0xE100, s21;
	s26 =	spop (v2sf);
	s30 =	sadd.s32 $0x80, s22  }
0x113: {  	[tilespmem:s31], [sflag:$0x2] =	stream.linear.gather [hbm4b:s30+s3], $0x80, $0x38;
	[tilespmem:$0x19980] =	vst v63  }
0x114: {  	s25 =	sadd.s32 $0xE500, s21;
	s28 =	sshrl.u32 s26, $0x3;
	s22 =	sadd.s32 $0x100, s22  }
0x115: {  	[tilespmem:s25], [sflag:$0x2] =	stream.linear.gather [hbm4b:s22+s3], $0x80, $0x38;
	[tilespmem:$0x19980] =	vst v63  }
0x116: {  	s23 =	smul.u32 $0xC00, s28;
	s22 =	sshll.u32 s26, $0x7  }
0x117: {  	(v2sf) =	vpush v1, $0xA;
	s22 =	sand.u32 $0x380, s22  }
0x118: {  	s22 =	sor.u32 s22, s23  }
0x119: {  	s22 =	sshrl.u32 s22, $0x3  }
0x11a: {  	s29 =	sadd.s32 $0xE580, s21;
	s22 =	sadd.s32 s4, s22  }
0x11b: {  	[tilespmem:s29], [sflag:$0x2] =	stream.linear.gather [hbm4b:s22+s3], $0x80, $0x38;
	[tilespmem:$0x19980] =	vst v63  }
0x11c: {  	s31 =	sadd.s32 $0xE980, s21;
	s26 =	spop (v2sf);
	s30 =	sadd.s32 $0x80, s22  }
0x11d: {  	[tilespmem:s31], [sflag:$0x2] =	stream.linear.gather [hbm4b:s30+s3], $0x80, $0x38;
	[tilespmem:$0x19980] =	vst v63  }
0x11e: {  	s25 =	sadd.s32 $0xED80, s21;
	s28 =	sshrl.u32 s26, $0x3;
	s22 =	sadd.s32 $0x100, s22  }
0x11f: {  	[tilespmem:s25], [sflag:$0x2] =	stream.linear.gather [hbm4b:s22+s3], $0x80, $0x38;
	[tilespmem:$0x19980] =	vst v63  }
0x120: {  	s23 =	smul.u32 $0xC00, s28;
	s22 =	sshll.u32 s26, $0x7  }
0x121: {  	(v2sf) =	vpush v1, $0xB;
	s22 =	sand.u32 $0x380, s22  }
0x122: {  	s22 =	sor.u32 s22, s23  }
0x123: {  	s22 =	sshrl.u32 s22, $0x3  }
0x124: {  	s29 =	sadd.s32 $0xE600, s21;
	s22 =	sadd.s32 s4, s22  }
0x125: {  	[tilespmem:s29], [sflag:$0x2] =	stream.linear.gather [hbm4b:s22+s3], $0x80, $0x38;
	[tilespmem:$0x19980] =	vst v63  }
0x126: {  	s31 =	sadd.s32 $0xEA00, s21;
	s26 =	spop (v2sf);
	s30 =	sadd.s32 $0x80, s22  }
0x127: {  	[tilespmem:s31], [sflag:$0x2] =	stream.linear.gather [hbm4b:s30+s3], $0x80, $0x38;
	[tilespmem:$0x19980] =	vst v63  }
0x128: {  	s25 =	sadd.s32 $0xEE00, s21;
	s28 =	sshrl.u32 s26, $0x3;
	s22 =	sadd.s32 $0x100, s22  }
0x129: {  	[tilespmem:s25], [sflag:$0x2] =	stream.linear.gather [hbm4b:s22+s3], $0x80, $0x38;
	[tilespmem:$0x19980] =	vst v63  }
0x12a: {  	s23 =	smul.u32 $0xC00, s28;
	s22 =	sshll.u32 s26, $0x7  }
0x12b: {  	(v2sf) =	vpush v1, $0xC;
	s22 =	sand.u32 $0x380, s22  }
0x12c: {  	s22 =	sor.u32 s22, s23  }
0x12d: {  	s22 =	sshrl.u32 s22, $0x3  }
0x12e: {  	s29 =	sadd.s32 $0xE680, s21;
	s22 =	sadd.s32 s4, s22  }
0x12f: {  	[tilespmem:s29], [sflag:$0x2] =	stream.linear.gather [hbm4b:s22+s3], $0x80, $0x38;
	[tilespmem:$0x19980] =	vst v63  }
0x130: {  	s31 =	sadd.s32 $0xEA80, s21;
	s26 =	spop (v2sf);
	s30 =	sadd.s32 $0x80, s22  }
0x131: {  	[tilespmem:s31], [sflag:$0x2] =	stream.linear.gather [hbm4b:s30+s3], $0x80, $0x38;
	[tilespmem:$0x19980] =	vst v63  }
0x132: {  	s25 =	sadd.s32 $0xEE80, s21;
	s28 =	sshrl.u32 s26, $0x3;
	s22 =	sadd.s32 $0x100, s22  }
0x133: {  	[tilespmem:s25], [sflag:$0x2] =	stream.linear.gather [hbm4b:s22+s3], $0x80, $0x38;
	[tilespmem:$0x19980] =	vst v63  }
0x134: {  	s23 =	smul.u32 $0xC00, s28;
	s22 =	sshll.u32 s26, $0x7  }
0x135: {  	(v2sf) =	vpush v1, $0xD;
	s22 =	sand.u32 $0x380, s22  }
0x136: {  	s22 =	sor.u32 s22, s23  }
0x137: {  	s22 =	sshrl.u32 s22, $0x3  }
0x138: {  	s29 =	sadd.s32 $0xE700, s21;
	s22 =	sadd.s32 s4, s22  }
0x139: {  	[tilespmem:s29], [sflag:$0x2] =	stream.linear.gather [hbm4b:s22+s3], $0x80, $0x38;
	[tilespmem:$0x19980] =	vst v63  }
0x13a: {  	s31 =	sadd.s32 $0xEB00, s21;
	s26 =	spop (v2sf);
	s30 =	sadd.s32 $0x80, s22  }
0x13b: {  	[tilespmem:s31], [sflag:$0x2] =	stream.linear.gather [hbm4b:s30+s3], $0x80, $0x38;
	[tilespmem:$0x19980] =	vst v63  }
0x13c: {  	s25 =	sadd.s32 $0xEF00, s21;
	s28 =	sshrl.u32 s26, $0x3;
	s22 =	sadd.s32 $0x100, s22  }
0x13d: {  	[tilespmem:s25], [sflag:$0x2] =	stream.linear.gather [hbm4b:s22+s3], $0x80, $0x38;
	[tilespmem:$0x19980] =	vst v63  }
0x13e: {  	s23 =	smul.u32 $0xC00, s28;
	s22 =	sshll.u32 s26, $0x7  }
0x13f: {  	(v2sf) =	vpush v1, $0xE;
	s22 =	sand.u32 $0x380, s22  }
0x140: {  	s22 =	sor.u32 s22, s23  }
0x141: {  	s22 =	sshrl.u32 s22, $0x3  }
0x142: {  	s29 =	sadd.s32 $0xE780, s21;
	s22 =	sadd.s32 s4, s22  }
0x143: {  	[tilespmem:s29], [sflag:$0x2] =	stream.linear.gather [hbm4b:s22+s3], $0x80, $0x38;
	[tilespmem:$0x19980] =	vst v63  }
0x144: {  	s31 =	sadd.s32 $0xEB80, s21;
	s26 =	spop (v2sf);
	s30 =	sadd.s32 $0x80, s22  }
0x145: {  	[tilespmem:s31], [sflag:$0x2] =	stream.linear.gather [hbm4b:s30+s3], $0x80, $0x38;
	[tilespmem:$0x19980] =	vst v63  }
0x146: {  	s25 =	sadd.s32 $0xEF80, s21;
	s28 =	sshrl.u32 s26, $0x3;
	s22 =	sadd.s32 $0x100, s22  }
0x147: {  	[tilespmem:s25], [sflag:$0x2] =	stream.linear.gather [hbm4b:s22+s3], $0x80, $0x38;
	[tilespmem:$0x19980] =	vst v63  }
0x148: {  	s23 =	smul.u32 $0xC00, s28;
	s22 =	sshll.u32 s26, $0x7  }
0x149: {  	(v2sf) =	vpush v1, $0xF;
	s22 =	sand.u32 $0x380, s22  }
0x14a: {  	s22 =	sor.u32 s22, s23  }
0x14b: {  	s22 =	sshrl.u32 s22, $0x3  }
0x14c: {  	s29 =	sadd.s32 $0xE800, s21;
	s22 =	sadd.s32 s4, s22  }
0x14d: {  	[tilespmem:s29], [sflag:$0x2] =	stream.linear.gather [hbm4b:s22+s3], $0x80, $0x38;
	[tilespmem:$0x19980] =	vst v63  }
0x14e: {  	s31 =	sadd.s32 $0xEC00, s21;
	s25 =	spop (v2sf);
	s30 =	sadd.s32 $0x80, s22  }
0x14f: {  	[tilespmem:s31], [sflag:$0x2] =	stream.linear.gather [hbm4b:s30+s3], $0x80, $0x38;
	[tilespmem:$0x19980] =	vst v63  }
0x150: {  	s26 =	sadd.s32 $0xF000, s21;
	s28 =	sshrl.u32 s25, $0x3;
	s22 =	sadd.s32 $0x100, s22  }
0x151: {  	[tilespmem:s26], [sflag:$0x2] =	stream.linear.gather [hbm4b:s22+s3], $0x80, $0x38;
	[tilespmem:$0x19980] =	vst v63  }
0x152: {  	s23 =	sshll.u32 s25, $0x7;
	s22 =	smul.u32 $0xC00, s28  }
0x153: {  	s23 =	sand.u32 $0x380, s23  }
0x154: {  	s22 =	sor.u32 s23, s22  }
0x155: {  	s22 =	sshrl.u32 s22, $0x3  }
0x156: {  	s29 =	sadd.s32 $0xE880, s21;
	s22 =	sadd.s32 s4, s22  }
0x157: {  	[tilespmem:s29], [sflag:$0x2] =	stream.linear.gather [hbm4b:s22+s3], $0x80, $0x38;
	[tilespmem:$0x19980] =	vst v63  }
0x158: {  	s31 =	sadd.s32 $0xEC80, s21;
	s26 =	spop (v2sf);
	s30 =	sadd.s32 $0x80, s22  }
0x159: {  	[tilespmem:s31], [sflag:$0x2] =	stream.linear.gather [hbm4b:s30+s3], $0x80, $0x38;
	[tilespmem:$0x19980] =	vst v63  }
0x15a: {  	s25 =	sadd.s32 $0xF080, s21;
	s28 =	sshrl.u32 s26, $0x3;
	s22 =	sadd.s32 $0x100, s22  }
0x15b: {  	[tilespmem:s25], [sflag:$0x2] =	stream.linear.gather [hbm4b:s22+s3], $0x80, $0x38;
	[tilespmem:$0x19980] =	vst v63  }
0x15c: {  	s23 =	smul.u32 $0xC00, s28;
	s22 =	sshll.u32 s26, $0x7  }
0x15d: {  	s22 =	sand.u32 $0x380, s22  }
0x15e: {  	s22 =	sor.u32 s22, s23  }
0x15f: {  	s22 =	sshrl.u32 s22, $0x3  }
0x160: {  	p0 =	sne.s32 s19, $0x2A000;
	s29 =	sadd.s32 $0xE900, s21;
	s22 =	sadd.s32 s4, s22  }
0x161: {  	[tilespmem:s29], [sflag:$0x2] =	stream.linear.gather [hbm4b:s22+s3], $0x80, $0x38;
	[tilespmem:$0x19980] =	vst v63  }
.Ltmp1:
0x162: {  	_ = 	snop;
	(pc) =	sbr.rel @p0 .LBB2_4-.Ltmp1, $4  }
0x163: {  	s20 =	sadd.s32 $0x10, s20;
	s31 =	sadd.s32 $0xED00, s21;
	s30 =	sadd.s32 $0x80, s22  }
0x164: {  	[tilespmem:s31], [sflag:$0x2] =	stream.linear.gather [hbm4b:s30+s3], $0x80, $0x38;
	[tilespmem:$0x19980] =	vst v63  }
0x165: {  	s19 =	sadd.s32 $0x6000, s19;
	s21 =	sadd.s32 $0xF100, s21;
	s22 =	sadd.s32 $0x100, s22  }
0x166: {  	[tilespmem:s21], [sflag:$0x2] =	stream.linear.gather [hbm4b:s22+s3], $0x80, $0x38;
	[tilespmem:$0x19980] =	vst v63  }
0x167: {  	_ =	swait.ge [sflag:s12], $0xC000  }
0x168: {  	[sflag:s12] =	ssyncset.done $0x0  }
0x169: {  	s19 =	simm.s32 $0x0;
	[sflag:s12] =	ssyncadd.s32 $0xFFFF4000  }
0x16a: {  	[hbm4b:s7+s19] =	stream.linear.scatter [tilespmem:s13], [sflag:$0x3], $0xC000, $0x38;
	[tilespmem:$0x19980] =	vst v63  }
0x16b: {  	_ =	swait.ge [sflag:s14], $0xC000  }
0x16c: {  	[sflag:s14] =	ssyncset.done $0x0  }
0x16d: {  	[sflag:s14] =	ssyncadd.s32 $0xFFFF4000  }
0x16e: {  	[hbm4b:s8+s19] =	stream.linear.scatter [tilespmem:s15], [sflag:$0x4], $0xC000, $0x38;
	[tilespmem:$0x19980] =	vst v63  }
0x16f: {  	_ =	swait.ge [sflag:s16], $0xC000  }
0x170: {  	[sflag:s16] =	ssyncset.done $0x0  }
0x171: {  	s20 =	simm.s32 $0x100;
	s21 =	simm.s32 $0x0;
	[sflag:s16] =	ssyncadd.s32 $0xFFFF4000  }
.LBB2_6:
0x172: {  	v1 =	vld [tilespmem:s20+$0x0];
	_ =	sdelay $0x4  }
0x173: {  	(v2sf) =	vpush v1, $0x0;
	_ =	sdelay $0x9  }
0x174: {  	(v2sf) =	vpush v1, $0x1;
	_ =	sdelay $0x4  }
0x175: {  	s22 =	spop (v2sf)  }
0x176: {  	s23 =	sshrl.u32 s22, $0x3  }
0x177: {  	s22 =	sshll.u32 s22, $0x7;
	s23 =	smul.u32 $0xC00, s23  }
0x178: {  	s22 =	sand.u32 $0x380, s22  }
0x179: {  	(v2sf) =	vpush v1, $0x2;
	s22 =	sor.u32 s22, s23  }
0x17a: {  	s23 =	sshrl.u32 s22, $0x3;
	s22 =	sshra.s32 s21, $0x2  }
0x17b: {  	s23 =	sadd.s32 s4, s23;
	s24 =	sadd.s32 $0x1980, s22  }
0x17c: {  	[tilespmem:s24], [sflag:$0x1] =	stream.linear.gather [hbm4b:s23+s19], $0x80, $0x38;
	[tilespmem:$0x19980] =	vst v63  }
0x17d: {  	s25 =	sadd.s32 $0x1D80, s22;
	s30 =	sadd.s32 $0x80, s23  }
0x17e: {  	[tilespmem:s25], [sflag:$0x1] =	stream.linear.gather [hbm4b:s30+s19], $0x80, $0x38;
	[tilespmem:$0x19980] =	vst v63  }
0x17f: {  	s25 =	spop (v2sf)  }
0x180: {  	s31 =	sadd.s32 $0x2180, s22;
	s23 =	sadd.s32 $0x100, s23;
	s26 =	sshrl.u32 s25, $0x3  }
0x181: {  	[tilespmem:s31], [sflag:$0x1] =	stream.linear.gather [hbm4b:s23+s19], $0x80, $0x38;
	[tilespmem:$0x19980] =	vst v63  }
0x182: {  	s24 =	smul.u32 $0xC00, s26;
	s23 =	sshll.u32 s25, $0x7  }
0x183: {  	(v2sf) =	vpush v1, $0x3;
	s23 =	sand.u32 $0x380, s23  }
0x184: {  	s23 =	sor.u32 s23, s24  }
0x185: {  	s23 =	sshrl.u32 s23, $0x3  }
0x186: {  	s28 =	sadd.s32 $0x1A00, s22;
	s23 =	sadd.s32 s4, s23  }
0x187: {  	[tilespmem:s28], [sflag:$0x1] =	stream.linear.gather [hbm4b:s23+s19], $0x80, $0x38;
	[tilespmem:$0x19980] =	vst v63  }
0x188: {  	s30 =	sadd.s32 $0x1E00, s22;
	s25 =	spop (v2sf);
	s29 =	sadd.s32 $0x80, s23  }
0x189: {  	[tilespmem:s30], [sflag:$0x1] =	stream.linear.gather [hbm4b:s29+s19], $0x80, $0x38;
	[tilespmem:$0x19980] =	vst v63  }
0x18a: {  	s31 =	sadd.s32 $0x2200, s22;
	s23 =	sadd.s32 $0x100, s23;
	s26 =	sshrl.u32 s25, $0x3  }
0x18b: {  	[tilespmem:s31], [sflag:$0x1] =	stream.linear.gather [hbm4b:s23+s19], $0x80, $0x38;
	[tilespmem:$0x19980] =	vst v63  }
0x18c: {  	s24 =	smul.u32 $0xC00, s26;
	s23 =	sshll.u32 s25, $0x7  }
0x18d: {  	(v2sf) =	vpush v1, $0x4;
	s23 =	sand.u32 $0x380, s23  }
0x18e: {  	s23 =	sor.u32 s23, s24  }
0x18f: {  	s23 =	sshrl.u32 s23, $0x3  }
0x190: {  	s28 =	sadd.s32 $0x1A80, s22;
	s23 =	sadd.s32 s4, s23  }
0x191: {  	[tilespmem:s28], [sflag:$0x1] =	stream.linear.gather [hbm4b:s23+s19], $0x80, $0x38;
	[tilespmem:$0x19980] =	vst v63  }
0x192: {  	s30 =	sadd.s32 $0x1E80, s22;
	s25 =	spop (v2sf);
	s29 =	sadd.s32 $0x80, s23  }
0x193: {  	[tilespmem:s30], [sflag:$0x1] =	stream.linear.gather [hbm4b:s29+s19], $0x80, $0x38;
	[tilespmem:$0x19980] =	vst v63  }
0x194: {  	s31 =	sadd.s32 $0x2280, s22;
	s23 =	sadd.s32 $0x100, s23;
	s26 =	sshrl.u32 s25, $0x3  }
0x195: {  	[tilespmem:s31], [sflag:$0x1] =	stream.linear.gather [hbm4b:s23+s19], $0x80, $0x38;
	[tilespmem:$0x19980] =	vst v63  }
0x196: {  	s24 =	smul.u32 $0xC00, s26;
	s23 =	sshll.u32 s25, $0x7  }
0x197: {  	(v2sf) =	vpush v1, $0x5;
	s23 =	sand.u32 $0x380, s23  }
0x198: {  	s23 =	sor.u32 s23, s24  }
0x199: {  	s23 =	sshrl.u32 s23, $0x3  }
0x19a: {  	s28 =	sadd.s32 $0x1B00, s22;
	s23 =	sadd.s32 s4, s23  }
0x19b: {  	[tilespmem:s28], [sflag:$0x1] =	stream.linear.gather [hbm4b:s23+s19], $0x80, $0x38;
	[tilespmem:$0x19980] =	vst v63  }
0x19c: {  	s30 =	sadd.s32 $0x1F00, s22;
	s25 =	spop (v2sf);
	s29 =	sadd.s32 $0x80, s23  }
0x19d: {  	[tilespmem:s30], [sflag:$0x1] =	stream.linear.gather [hbm4b:s29+s19], $0x80, $0x38;
	[tilespmem:$0x19980] =	vst v63  }
0x19e: {  	s31 =	sadd.s32 $0x2300, s22;
	s26 =	sshrl.u32 s25, $0x3;
	s23 =	sadd.s32 $0x100, s23  }
0x19f: {  	[tilespmem:s31], [sflag:$0x1] =	stream.linear.gather [hbm4b:s23+s19], $0x80, $0x38;
	[tilespmem:$0x19980] =	vst v63  }
0x1a0: {  	s24 =	smul.u32 $0xC00, s26;
	s23 =	sshll.u32 s25, $0x7  }
0x1a1: {  	(v2sf) =	vpush v1, $0x6;
	s23 =	sand.u32 $0x380, s23  }
0x1a2: {  	s23 =	sor.u32 s23, s24  }
0x1a3: {  	s23 =	sshrl.u32 s23, $0x3  }
0x1a4: {  	s28 =	sadd.s32 $0x1B80, s22;
	s23 =	sadd.s32 s4, s23  }
0x1a5: {  	[tilespmem:s28], [sflag:$0x1] =	stream.linear.gather [hbm4b:s23+s19], $0x80, $0x38;
	[tilespmem:$0x19980] =	vst v63  }
0x1a6: {  	s30 =	sadd.s32 $0x1F80, s22;
	s25 =	spop (v2sf);
	s29 =	sadd.s32 $0x80, s23  }
0x1a7: {  	[tilespmem:s30], [sflag:$0x1] =	stream.linear.gather [hbm4b:s29+s19], $0x80, $0x38;
	[tilespmem:$0x19980] =	vst v63  }
0x1a8: {  	s31 =	sadd.s32 $0x2380, s22;
	s26 =	sshrl.u32 s25, $0x3;
	s23 =	sadd.s32 $0x100, s23  }
0x1a9: {  	[tilespmem:s31], [sflag:$0x1] =	stream.linear.gather [hbm4b:s23+s19], $0x80, $0x38;
	[tilespmem:$0x19980] =	vst v63  }
0x1aa: {  	s24 =	smul.u32 $0xC00, s26;
	s23 =	sshll.u32 s25, $0x7  }
0x1ab: {  	(v2sf) =	vpush v1, $0x7;
	s23 =	sand.u32 $0x380, s23  }
0x1ac: {  	s23 =	sor.u32 s23, s24  }
0x1ad: {  	s23 =	sshrl.u32 s23, $0x3  }
0x1ae: {  	s28 =	sadd.s32 $0x1C00, s22;
	s23 =	sadd.s32 s4, s23  }
0x1af: {  	[tilespmem:s28], [sflag:$0x1] =	stream.linear.gather [hbm4b:s23+s19], $0x80, $0x38;
	[tilespmem:$0x19980] =	vst v63  }
0x1b0: {  	s30 =	sadd.s32 $0x2000, s22;
	s25 =	spop (v2sf);
	s29 =	sadd.s32 $0x80, s23  }
0x1b1: {  	[tilespmem:s30], [sflag:$0x1] =	stream.linear.gather [hbm4b:s29+s19], $0x80, $0x38;
	[tilespmem:$0x19980] =	vst v63  }
0x1b2: {  	s31 =	sadd.s32 $0x2400, s22;
	s26 =	sshrl.u32 s25, $0x3;
	s23 =	sadd.s32 $0x100, s23  }
0x1b3: {  	[tilespmem:s31], [sflag:$0x1] =	stream.linear.gather [hbm4b:s23+s19], $0x80, $0x38;
	[tilespmem:$0x19980] =	vst v63  }
0x1b4: {  	s24 =	smul.u32 $0xC00, s26;
	s23 =	sshll.u32 s25, $0x7  }
0x1b5: {  	(v2sf) =	vpush v1, $0x8;
	s23 =	sand.u32 $0x380, s23  }
0x1b6: {  	s23 =	sor.u32 s23, s24  }
0x1b7: {  	s23 =	sshrl.u32 s23, $0x3  }
0x1b8: {  	s28 =	sadd.s32 $0x1C80, s22;
	s23 =	sadd.s32 s4, s23  }
0x1b9: {  	[tilespmem:s28], [sflag:$0x1] =	stream.linear.gather [hbm4b:s23+s19], $0x80, $0x38;
	[tilespmem:$0x19980] =	vst v63  }
0x1ba: {  	s30 =	sadd.s32 $0x2080, s22;
	s25 =	spop (v2sf);
	s29 =	sadd.s32 $0x80, s23  }
0x1bb: {  	[tilespmem:s30], [sflag:$0x1] =	stream.linear.gather [hbm4b:s29+s19], $0x80, $0x38;
	[tilespmem:$0x19980] =	vst v63  }
0x1bc: {  	s31 =	sadd.s32 $0x2480, s22;
	s26 =	sshrl.u32 s25, $0x3;
	s23 =	sadd.s32 $0x100, s23  }
0x1bd: {  	[tilespmem:s31], [sflag:$0x1] =	stream.linear.gather [hbm4b:s23+s19], $0x80, $0x38;
	[tilespmem:$0x19980] =	vst v63  }
0x1be: {  	s24 =	smul.u32 $0xC00, s26;
	s23 =	sshll.u32 s25, $0x7  }
0x1bf: {  	(v2sf) =	vpush v1, $0x9;
	s23 =	sand.u32 $0x380, s23  }
0x1c0: {  	s23 =	sor.u32 s23, s24  }
0x1c1: {  	s23 =	sshrl.u32 s23, $0x3  }
0x1c2: {  	s28 =	sadd.s32 $0x1D00, s22;
	s23 =	sadd.s32 s4, s23  }
0x1c3: {  	[tilespmem:s28], [sflag:$0x1] =	stream.linear.gather [hbm4b:s23+s19], $0x80, $0x38;
	[tilespmem:$0x19980] =	vst v63  }
0x1c4: {  	s30 =	sadd.s32 $0x2100, s22;
	s25 =	spop (v2sf);
	s29 =	sadd.s32 $0x80, s23  }
0x1c5: {  	[tilespmem:s30], [sflag:$0x1] =	stream.linear.gather [hbm4b:s29+s19], $0x80, $0x38;
	[tilespmem:$0x19980] =	vst v63  }
0x1c6: {  	s31 =	sadd.s32 $0x2500, s22;
	s26 =	sshrl.u32 s25, $0x3;
	s23 =	sadd.s32 $0x100, s23  }
0x1c7: {  	[tilespmem:s31], [sflag:$0x1] =	stream.linear.gather [hbm4b:s23+s19], $0x80, $0x38;
	[tilespmem:$0x19980] =	vst v63  }
0x1c8: {  	s24 =	smul.u32 $0xC00, s26;
	s23 =	sshll.u32 s25, $0x7  }
0x1c9: {  	(v2sf) =	vpush v1, $0xA;
	s23 =	sand.u32 $0x380, s23  }
0x1ca: {  	s23 =	sor.u32 s23, s24  }
0x1cb: {  	s23 =	sshrl.u32 s23, $0x3  }
0x1cc: {  	s28 =	sadd.s32 $0x2580, s22;
	s23 =	sadd.s32 s4, s23  }
0x1cd: {  	[tilespmem:s28], [sflag:$0x1] =	stream.linear.gather [hbm4b:s23+s19], $0x80, $0x38;
	[tilespmem:$0x19980] =	vst v63  }
0x1ce: {  	s30 =	sadd.s32 $0x2980, s22;
	s25 =	spop (v2sf);
	s29 =	sadd.s32 $0x80, s23  }
0x1cf: {  	[tilespmem:s30], [sflag:$0x1] =	stream.linear.gather [hbm4b:s29+s19], $0x80, $0x38;
	[tilespmem:$0x19980] =	vst v63  }
0x1d0: {  	s31 =	sadd.s32 $0x2D80, s22;
	s26 =	sshrl.u32 s25, $0x3;
	s23 =	sadd.s32 $0x100, s23  }
0x1d1: {  	[tilespmem:s31], [sflag:$0x1] =	stream.linear.gather [hbm4b:s23+s19], $0x80, $0x38;
	[tilespmem:$0x19980] =	vst v63  }
0x1d2: {  	s24 =	smul.u32 $0xC00, s26;
	s23 =	sshll.u32 s25, $0x7  }
0x1d3: {  	(v2sf) =	vpush v1, $0xB;
	s23 =	sand.u32 $0x380, s23  }
0x1d4: {  	s23 =	sor.u32 s23, s24  }
0x1d5: {  	s23 =	sshrl.u32 s23, $0x3  }
0x1d6: {  	s28 =	sadd.s32 $0x2600, s22;
	s23 =	sadd.s32 s4, s23  }
0x1d7: {  	[tilespmem:s28], [sflag:$0x1] =	stream.linear.gather [hbm4b:s23+s19], $0x80, $0x38;
	[tilespmem:$0x19980] =	vst v63  }
0x1d8: {  	s30 =	sadd.s32 $0x2A00, s22;
	s25 =	spop (v2sf);
	s29 =	sadd.s32 $0x80, s23  }
0x1d9: {  	[tilespmem:s30], [sflag:$0x1] =	stream.linear.gather [hbm4b:s29+s19], $0x80, $0x38;
	[tilespmem:$0x19980] =	vst v63  }
0x1da: {  	s31 =	sadd.s32 $0x2E00, s22;
	s26 =	sshrl.u32 s25, $0x3;
	s23 =	sadd.s32 $0x100, s23  }
0x1db: {  	[tilespmem:s31], [sflag:$0x1] =	stream.linear.gather [hbm4b:s23+s19], $0x80, $0x38;
	[tilespmem:$0x19980] =	vst v63  }
0x1dc: {  	s24 =	smul.u32 $0xC00, s26;
	s23 =	sshll.u32 s25, $0x7  }
0x1dd: {  	(v2sf) =	vpush v1, $0xC;
	s23 =	sand.u32 $0x380, s23  }
0x1de: {  	s23 =	sor.u32 s23, s24  }
0x1df: {  	s23 =	sshrl.u32 s23, $0x3  }
0x1e0: {  	s28 =	sadd.s32 $0x2680, s22;
	s23 =	sadd.s32 s4, s23  }
0x1e1: {  	[tilespmem:s28], [sflag:$0x1] =	stream.linear.gather [hbm4b:s23+s19], $0x80, $0x38;
	[tilespmem:$0x19980] =	vst v63  }
0x1e2: {  	s30 =	sadd.s32 $0x2A80, s22;
	s25 =	spop (v2sf);
	s29 =	sadd.s32 $0x80, s23  }
0x1e3: {  	[tilespmem:s30], [sflag:$0x1] =	stream.linear.gather [hbm4b:s29+s19], $0x80, $0x38;
	[tilespmem:$0x19980] =	vst v63  }
0x1e4: {  	s31 =	sadd.s32 $0x2E80, s22;
	s26 =	sshrl.u32 s25, $0x3;
	s23 =	sadd.s32 $0x100, s23  }
0x1e5: {  	[tilespmem:s31], [sflag:$0x1] =	stream.linear.gather [hbm4b:s23+s19], $0x80, $0x38;
	[tilespmem:$0x19980] =	vst v63  }
0x1e6: {  	s24 =	smul.u32 $0xC00, s26;
	s23 =	sshll.u32 s25, $0x7  }
0x1e7: {  	(v2sf) =	vpush v1, $0xD;
	s23 =	sand.u32 $0x380, s23  }
0x1e8: {  	s23 =	sor.u32 s23, s24  }
0x1e9: {  	s23 =	sshrl.u32 s23, $0x3  }
0x1ea: {  	s28 =	sadd.s32 $0x2700, s22;
	s23 =	sadd.s32 s4, s23  }
0x1eb: {  	[tilespmem:s28], [sflag:$0x1] =	stream.linear.gather [hbm4b:s23+s19], $0x80, $0x38;
	[tilespmem:$0x19980] =	vst v63  }
0x1ec: {  	s30 =	sadd.s32 $0x2B00, s22;
	s25 =	spop (v2sf);
	s29 =	sadd.s32 $0x80, s23  }
0x1ed: {  	[tilespmem:s30], [sflag:$0x1] =	stream.linear.gather [hbm4b:s29+s19], $0x80, $0x38;
	[tilespmem:$0x19980] =	vst v63  }
0x1ee: {  	s31 =	sadd.s32 $0x2F00, s22;
	s26 =	sshrl.u32 s25, $0x3;
	s23 =	sadd.s32 $0x100, s23  }
0x1ef: {  	[tilespmem:s31], [sflag:$0x1] =	stream.linear.gather [hbm4b:s23+s19], $0x80, $0x38;
	[tilespmem:$0x19980] =	vst v63  }
0x1f0: {  	s24 =	smul.u32 $0xC00, s26;
	s23 =	sshll.u32 s25, $0x7  }
0x1f1: {  	(v2sf) =	vpush v1, $0xE;
	s23 =	sand.u32 $0x380, s23  }
0x1f2: {  	s23 =	sor.u32 s23, s24  }
0x1f3: {  	s23 =	sshrl.u32 s23, $0x3  }
0x1f4: {  	s28 =	sadd.s32 $0x2780, s22;
	s23 =	sadd.s32 s4, s23  }
0x1f5: {  	[tilespmem:s28], [sflag:$0x1] =	stream.linear.gather [hbm4b:s23+s19], $0x80, $0x38;
	[tilespmem:$0x19980] =	vst v63  }
0x1f6: {  	s30 =	sadd.s32 $0x2B80, s22;
	s25 =	spop (v2sf);
	s29 =	sadd.s32 $0x80, s23  }
0x1f7: {  	[tilespmem:s30], [sflag:$0x1] =	stream.linear.gather [hbm4b:s29+s19], $0x80, $0x38;
	[tilespmem:$0x19980] =	vst v63  }
0x1f8: {  	s31 =	sadd.s32 $0x2F80, s22;
	s26 =	sshrl.u32 s25, $0x3;
	s23 =	sadd.s32 $0x100, s23  }
0x1f9: {  	[tilespmem:s31], [sflag:$0x1] =	stream.linear.gather [hbm4b:s23+s19], $0x80, $0x38;
	[tilespmem:$0x19980] =	vst v63  }
0x1fa: {  	s24 =	smul.u32 $0xC00, s26;
	s23 =	sshll.u32 s25, $0x7  }
0x1fb: {  	(v2sf) =	vpush v1, $0xF;
	s23 =	sand.u32 $0x380, s23  }
0x1fc: {  	s23 =	sor.u32 s23, s24  }
0x1fd: {  	s23 =	sshrl.u32 s23, $0x3  }
0x1fe: {  	s28 =	sadd.s32 $0x2800, s22;
	s23 =	sadd.s32 s4, s23  }
0x1ff: {  	[tilespmem:s28], [sflag:$0x1] =	stream.linear.gather [hbm4b:s23+s19], $0x80, $0x38;
	[tilespmem:$0x19980] =	vst v63  }
0x200: {  	s30 =	sadd.s32 $0x2C00, s22;
	s31 =	spop (v2sf);
	s29 =	sadd.s32 $0x80, s23  }
0x201: {  	[tilespmem:s30], [sflag:$0x1] =	stream.linear.gather [hbm4b:s29+s19], $0x80, $0x38;
	[tilespmem:$0x19980] =	vst v63  }
0x202: {  	s26 =	sadd.s32 $0x3000, s22;
	s23 =	sadd.s32 $0x100, s23;
	s28 =	sshrl.u32 s31, $0x3  }
0x203: {  	[tilespmem:s26], [sflag:$0x1] =	stream.linear.gather [hbm4b:s23+s19], $0x80, $0x38;
	[tilespmem:$0x19980] =	vst v63  }
0x204: {  	s24 =	sshll.u32 s31, $0x7;
	s23 =	smul.u32 $0xC00, s28  }
0x205: {  	s24 =	sand.u32 $0x380, s24  }
0x206: {  	s23 =	sor.u32 s24, s23  }
0x207: {  	s23 =	sshrl.u32 s23, $0x3  }
0x208: {  	s29 =	sadd.s32 $0x2880, s22;
	s23 =	sadd.s32 s4, s23  }
0x209: {  	[tilespmem:s29], [sflag:$0x1] =	stream.linear.gather [hbm4b:s23+s19], $0x80, $0x38;
	[tilespmem:$0x19980] =	vst v63  }
0x20a: {  	s31 =	sadd.s32 $0x2C80, s22;
	s26 =	spop (v2sf);
	s30 =	sadd.s32 $0x80, s23  }
0x20b: {  	[tilespmem:s31], [sflag:$0x1] =	stream.linear.gather [hbm4b:s30+s19], $0x80, $0x38;
	[tilespmem:$0x19980] =	vst v63  }
0x20c: {  	s25 =	sadd.s32 $0x3080, s22;
	s28 =	sshrl.u32 s26, $0x3;
	s23 =	sadd.s32 $0x100, s23  }
0x20d: {  	[tilespmem:s25], [sflag:$0x1] =	stream.linear.gather [hbm4b:s23+s19], $0x80, $0x38;
	[tilespmem:$0x19980] =	vst v63  }
0x20e: {  	s24 =	smul.u32 $0xC00, s28;
	s23 =	sshll.u32 s26, $0x7  }
0x20f: {  	s23 =	sand.u32 $0x380, s23  }
0x210: {  	s23 =	sor.u32 s23, s24  }
0x211: {  	s23 =	sshrl.u32 s23, $0x3  }
0x212: {  	p0 =	sne.s32 s21, $0x2A000;
	s29 =	sadd.s32 $0x2900, s22;
	s23 =	sadd.s32 s4, s23  }
0x213: {  	[tilespmem:s29], [sflag:$0x1] =	stream.linear.gather [hbm4b:s23+s19], $0x80, $0x38;
	[tilespmem:$0x19980] =	vst v63  }
.Ltmp2:
0x214: {  	_ = 	snop;
	(pc) =	sbr.rel @p0 .LBB2_6-.Ltmp2, $4  }
0x215: {  	s20 =	sadd.s32 $0x10, s20;
	s31 =	sadd.s32 $0x2D00, s22;
	s30 =	sadd.s32 $0x80, s23  }
0x216: {  	[tilespmem:s31], [sflag:$0x1] =	stream.linear.gather [hbm4b:s30+s19], $0x80, $0x38;
	[tilespmem:$0x19980] =	vst v63  }
0x217: {  	s21 =	sadd.s32 $0x6000, s21;
	s22 =	sadd.s32 $0x3100, s22;
	s23 =	sadd.s32 $0x100, s23  }
0x218: {  	[tilespmem:s22], [sflag:$0x1] =	stream.linear.gather [hbm4b:s23+s19], $0x80, $0x38;
	[tilespmem:$0x19980] =	vst v63  }
0x219: {  	s20 =	simm.s32 $0x180;
	s21 =	simm.s32 $0x200  }
.LBB2_8:
0x21a: {  	s22 =	sshll.u32 s19, $0x8  }
0x21b: {  	s22 =	sadd.s32 s22, s9  }
0x21c: {  	s22 =	sshrl.u32 s22, $0x3  }
0x21d: {  	_ =	swait.ge [sflag:s12], $0xC000;
	s22 =	smul.u32 $0x180, s22  }
0x21e: {  	[sflag:s12] =	ssyncset.done $0x0  }
0x21f: {  	[sflag:s12] =	ssyncadd.s32 $0xFFFF4000;
	s23 =	sadd.s32 s5, s22;
	s22 =	simm.s32 $0x0  }
0x220: {  	[hbm4b:s23+s22] =	stream.linear.scatter [tilespmem:s13], [sflag:$0x3], $0xC000, $0x38;
	[tilespmem:$0x19980] =	vst v63  }
0x221: {  	_ =	swait.ge [sflag:s17], $0xC000  }
0x222: {  	s31 =	sshll.u32 s19, $0x1;
	[sflag:s17] =	ssyncset.done $0x0  }
0x223: {  	s24 =	smov.u32 s20;
	s23 =	sadd.s32 $0x3, s31;
	[sflag:s17] =	ssyncadd.s32 $0xFFFF4000  }
.LBB2_9:
0x224: {  	v1 =	vld [tilespmem:s24+$0x0];
	_ =	sdelay $0x4  }
0x225: {  	(v2sf) =	vpush v1, $0x0;
	_ =	sdelay $0x7  }
0x226: {  	(v2sf) =	vpush v1, $0x1;
	_ =	sdelay $0x6  }
0x227: {  	s25 =	spop (v2sf)  }
0x228: {  	s26 =	sshrl.u32 s25, $0x3  }
0x229: {  	s25 =	sshll.u32 s25, $0x7;
	s26 =	smul.u32 $0xC00, s26  }
0x22a: {  	s25 =	sand.u32 $0x380, s25  }
0x22b: {  	s25 =	sor.u32 s25, s26  }
0x22c: {  	(v2sf) =	vpush v1, $0x2;
	s26 =	sshrl.u32 s25, $0x3;
	s25 =	sshra.s32 s22, $0x2  }
0x22d: {  	s26 =	sadd.s32 s4, s26;
	s28 =	sadd.s32 $0xD980, s25  }
0x22e: {  	[tilespmem:s28], [sflag:$0x2] =	stream.linear.gather [hbm4b:s26+s3], $0x80, $0x38;
	[tilespmem:$0x19980] =	vst v63  }
0x22f: {  	s30 =	spop (v2sf);
	s29 =	sadd.s32 $0xDD80, s25;
	s31 =	sadd.s32 $0x80, s26  }
0x230: {  	[tilespmem:s29], [sflag:$0x2] =	stream.linear.gather [hbm4b:s31+s3], $0x80, $0x38;
	[tilespmem:$0x19980] =	vst v63  }
0x231: {  	s26 =	sadd.s32 $0x100, s26;
	s29 =	sadd.s32 $0xE180, s25;
	s31 =	sshrl.u32 s30, $0x3  }
0x232: {  	[tilespmem:s29], [sflag:$0x2] =	stream.linear.gather [hbm4b:s26+s3], $0x80, $0x38;
	[tilespmem:$0x19980] =	vst v63  }
0x233: {  	s28 =	smul.u32 $0xC00, s31;
	s26 =	sshll.u32 s30, $0x7  }
0x234: {  	s26 =	sand.u32 $0x380, s26  }
0x235: {  	s26 =	sor.u32 s26, s28  }
0x236: {  	s26 =	sshrl.u32 s26, $0x3  }
0x237: {  	(v2sf) =	vpush v1, $0x3;
	s29 =	sadd.s32 $0xDA00, s25;
	s26 =	sadd.s32 s4, s26  }
0x238: {  	[tilespmem:s29], [sflag:$0x2] =	stream.linear.gather [hbm4b:s26+s3], $0x80, $0x38;
	[tilespmem:$0x19980] =	vst v63  }
0x239: {  	s31 =	sadd.s32 $0xDE00, s25;
	s30 =	sadd.s32 $0x80, s26  }
0x23a: {  	[tilespmem:s31], [sflag:$0x2] =	stream.linear.gather [hbm4b:s30+s3], $0x80, $0x38;
	[tilespmem:$0x19980] =	vst v63  }
0x23b: {  	s30 =	spop (v2sf)  }
0x23c: {  	s26 =	sadd.s32 $0x100, s26;
	s29 =	sadd.s32 $0xE200, s25;
	s31 =	sshrl.u32 s30, $0x3  }
0x23d: {  	[tilespmem:s29], [sflag:$0x2] =	stream.linear.gather [hbm4b:s26+s3], $0x80, $0x38;
	[tilespmem:$0x19980] =	vst v63  }
0x23e: {  	s28 =	smul.u32 $0xC00, s31;
	s26 =	sshll.u32 s30, $0x7  }
0x23f: {  	s26 =	sand.u32 $0x380, s26  }
0x240: {  	s26 =	sor.u32 s26, s28  }
0x241: {  	s26 =	sshrl.u32 s26, $0x3  }
0x242: {  	(v2sf) =	vpush v1, $0x4;
	s29 =	sadd.s32 $0xDA80, s25;
	s26 =	sadd.s32 s4, s26  }
0x243: {  	[tilespmem:s29], [sflag:$0x2] =	stream.linear.gather [hbm4b:s26+s3], $0x80, $0x38;
	[tilespmem:$0x19980] =	vst v63  }
0x244: {  	s31 =	sadd.s32 $0xDE80, s25;
	s30 =	sadd.s32 $0x80, s26  }
0x245: {  	[tilespmem:s31], [sflag:$0x2] =	stream.linear.gather [hbm4b:s30+s3], $0x80, $0x38;
	[tilespmem:$0x19980] =	vst v63  }
0x246: {  	s30 =	spop (v2sf)  }
0x247: {  	s26 =	sadd.s32 $0x100, s26;
	s29 =	sadd.s32 $0xE280, s25;
	s31 =	sshrl.u32 s30, $0x3  }
0x248: {  	[tilespmem:s29], [sflag:$0x2] =	stream.linear.gather [hbm4b:s26+s3], $0x80, $0x38;
	[tilespmem:$0x19980] =	vst v63  }
0x249: {  	s28 =	smul.u32 $0xC00, s31;
	s26 =	sshll.u32 s30, $0x7  }
0x24a: {  	s26 =	sand.u32 $0x380, s26  }
0x24b: {  	s26 =	sor.u32 s26, s28  }
0x24c: {  	s26 =	sshrl.u32 s26, $0x3  }
0x24d: {  	(v2sf) =	vpush v1, $0x5;
	s29 =	sadd.s32 $0xDB00, s25;
	s26 =	sadd.s32 s4, s26  }
0x24e: {  	[tilespmem:s29], [sflag:$0x2] =	stream.linear.gather [hbm4b:s26+s3], $0x80, $0x38;
	[tilespmem:$0x19980] =	vst v63  }
0x24f: {  	s31 =	sadd.s32 $0xDF00, s25;
	s30 =	sadd.s32 $0x80, s26  }
0x250: {  	[tilespmem:s31], [sflag:$0x2] =	stream.linear.gather [hbm4b:s30+s3], $0x80, $0x38;
	[tilespmem:$0x19980] =	vst v63  }
0x251: {  	s30 =	spop (v2sf)  }
0x252: {  	s26 =	sadd.s32 $0x100, s26;
	s29 =	sadd.s32 $0xE300, s25;
	s31 =	sshrl.u32 s30, $0x3  }
0x253: {  	[tilespmem:s29], [sflag:$0x2] =	stream.linear.gather [hbm4b:s26+s3], $0x80, $0x38;
	[tilespmem:$0x19980] =	vst v63  }
0x254: {  	s28 =	smul.u32 $0xC00, s31;
	s26 =	sshll.u32 s30, $0x7  }
0x255: {  	s26 =	sand.u32 $0x380, s26  }
0x256: {  	s26 =	sor.u32 s26, s28  }
0x257: {  	s26 =	sshrl.u32 s26, $0x3  }
0x258: {  	(v2sf) =	vpush v1, $0x6;
	s29 =	sadd.s32 $0xDB80, s25;
	s26 =	sadd.s32 s4, s26  }
0x259: {  	[tilespmem:s29], [sflag:$0x2] =	stream.linear.gather [hbm4b:s26+s3], $0x80, $0x38;
	[tilespmem:$0x19980] =	vst v63  }
0x25a: {  	s31 =	sadd.s32 $0xDF80, s25;
	s30 =	sadd.s32 $0x80, s26  }
0x25b: {  	[tilespmem:s31], [sflag:$0x2] =	stream.linear.gather [hbm4b:s30+s3], $0x80, $0x38;
	[tilespmem:$0x19980] =	vst v63  }
0x25c: {  	s30 =	spop (v2sf)  }
0x25d: {  	s26 =	sadd.s32 $0x100, s26;
	s29 =	sadd.s32 $0xE380, s25;
	s31 =	sshrl.u32 s30, $0x3  }
0x25e: {  	[tilespmem:s29], [sflag:$0x2] =	stream.linear.gather [hbm4b:s26+s3], $0x80, $0x38;
	[tilespmem:$0x19980] =	vst v63  }
0x25f: {  	s28 =	smul.u32 $0xC00, s31;
	s26 =	sshll.u32 s30, $0x7  }
0x260: {  	s26 =	sand.u32 $0x380, s26  }
0x261: {  	s26 =	sor.u32 s26, s28  }
0x262: {  	s26 =	sshrl.u32 s26, $0x3  }
0x263: {  	(v2sf) =	vpush v1, $0x7;
	s29 =	sadd.s32 $0xDC00, s25;
	s26 =	sadd.s32 s4, s26  }
0x264: {  	[tilespmem:s29], [sflag:$0x2] =	stream.linear.gather [hbm4b:s26+s3], $0x80, $0x38;
	[tilespmem:$0x19980] =	vst v63  }
0x265: {  	s31 =	sadd.s32 $0xE000, s25;
	s30 =	sadd.s32 $0x80, s26  }
0x266: {  	[tilespmem:s31], [sflag:$0x2] =	stream.linear.gather [hbm4b:s30+s3], $0x80, $0x38;
	[tilespmem:$0x19980] =	vst v63  }
0x267: {  	s30 =	spop (v2sf)  }
0x268: {  	s26 =	sadd.s32 $0x100, s26;
	s29 =	sadd.s32 $0xE400, s25;
	s31 =	sshrl.u32 s30, $0x3  }
0x269: {  	[tilespmem:s29], [sflag:$0x2] =	stream.linear.gather [hbm4b:s26+s3], $0x80, $0x38;
	[tilespmem:$0x19980] =	vst v63  }
0x26a: {  	s28 =	smul.u32 $0xC00, s31;
	s26 =	sshll.u32 s30, $0x7  }
0x26b: {  	s26 =	sand.u32 $0x380, s26  }
0x26c: {  	s26 =	sor.u32 s26, s28  }
0x26d: {  	s26 =	sshrl.u32 s26, $0x3  }
0x26e: {  	(v2sf) =	vpush v1, $0x8;
	s29 =	sadd.s32 $0xDC80, s25;
	s26 =	sadd.s32 s4, s26  }
0x26f: {  	[tilespmem:s29], [sflag:$0x2] =	stream.linear.gather [hbm4b:s26+s3], $0x80, $0x38;
	[tilespmem:$0x19980] =	vst v63  }
0x270: {  	s31 =	sadd.s32 $0xE080, s25;
	s30 =	sadd.s32 $0x80, s26  }
0x271: {  	[tilespmem:s31], [sflag:$0x2] =	stream.linear.gather [hbm4b:s30+s3], $0x80, $0x38;
	[tilespmem:$0x19980] =	vst v63  }
0x272: {  	s30 =	spop (v2sf)  }
0x273: {  	s26 =	sadd.s32 $0x100, s26;
	s29 =	sadd.s32 $0xE480, s25;
	s31 =	sshrl.u32 s30, $0x3  }
0x274: {  	[tilespmem:s29], [sflag:$0x2] =	stream.linear.gather [hbm4b:s26+s3], $0x80, $0x38;
	[tilespmem:$0x19980] =	vst v63  }
0x275: {  	s28 =	smul.u32 $0xC00, s31;
	s26 =	sshll.u32 s30, $0x7  }
0x276: {  	s26 =	sand.u32 $0x380, s26  }
0x277: {  	s26 =	sor.u32 s26, s28  }
0x278: {  	s26 =	sshrl.u32 s26, $0x3  }
0x279: {  	(v2sf) =	vpush v1, $0x9;
	s29 =	sadd.s32 $0xDD00, s25;
	s26 =	sadd.s32 s4, s26  }
0x27a: {  	[tilespmem:s29], [sflag:$0x2] =	stream.linear.gather [hbm4b:s26+s3], $0x80, $0x38;
	[tilespmem:$0x19980] =	vst v63  }
0x27b: {  	s31 =	sadd.s32 $0xE100, s25;
	s30 =	sadd.s32 $0x80, s26  }
0x27c: {  	[tilespmem:s31], [sflag:$0x2] =	stream.linear.gather [hbm4b:s30+s3], $0x80, $0x38;
	[tilespmem:$0x19980] =	vst v63  }
0x27d: {  	s30 =	spop (v2sf)  }
0x27e: {  	s26 =	sadd.s32 $0x100, s26;
	s29 =	sadd.s32 $0xE500, s25;
	s31 =	sshrl.u32 s30, $0x3  }
0x27f: {  	[tilespmem:s29], [sflag:$0x2] =	stream.linear.gather [hbm4b:s26+s3], $0x80, $0x38;
	[tilespmem:$0x19980] =	vst v63  }
0x280: {  	s28 =	smul.u32 $0xC00, s31;
	s26 =	sshll.u32 s30, $0x7  }
0x281: {  	s26 =	sand.u32 $0x380, s26  }
0x282: {  	s26 =	sor.u32 s26, s28  }
0x283: {  	s26 =	sshrl.u32 s26, $0x3  }
0x284: {  	(v2sf) =	vpush v1, $0xA;
	s29 =	sadd.s32 $0xE580, s25;
	s26 =	sadd.s32 s4, s26  }
0x285: {  	[tilespmem:s29], [sflag:$0x2] =	stream.linear.gather [hbm4b:s26+s3], $0x80, $0x38;
	[tilespmem:$0x19980] =	vst v63  }
0x286: {  	s31 =	sadd.s32 $0xE980, s25;
	s30 =	sadd.s32 $0x80, s26  }
0x287: {  	[tilespmem:s31], [sflag:$0x2] =	stream.linear.gather [hbm4b:s30+s3], $0x80, $0x38;
	[tilespmem:$0x19980] =	vst v63  }
0x288: {  	s30 =	spop (v2sf)  }
0x289: {  	s26 =	sadd.s32 $0x100, s26;
	s29 =	sadd.s32 $0xED80, s25;
	s31 =	sshrl.u32 s30, $0x3  }
0x28a: {  	[tilespmem:s29], [sflag:$0x2] =	stream.linear.gather [hbm4b:s26+s3], $0x80, $0x38;
	[tilespmem:$0x19980] =	vst v63  }
0x28b: {  	s28 =	smul.u32 $0xC00, s31;
	s26 =	sshll.u32 s30, $0x7  }
0x28c: {  	s26 =	sand.u32 $0x380, s26  }
0x28d: {  	s26 =	sor.u32 s26, s28  }
0x28e: {  	s26 =	sshrl.u32 s26, $0x3  }
0x28f: {  	(v2sf) =	vpush v1, $0xB;
	s29 =	sadd.s32 $0xE600, s25;
	s26 =	sadd.s32 s4, s26  }
0x290: {  	[tilespmem:s29], [sflag:$0x2] =	stream.linear.gather [hbm4b:s26+s3], $0x80, $0x38;
	[tilespmem:$0x19980] =	vst v63  }
0x291: {  	s31 =	sadd.s32 $0xEA00, s25;
	s30 =	sadd.s32 $0x80, s26  }
0x292: {  	[tilespmem:s31], [sflag:$0x2] =	stream.linear.gather [hbm4b:s30+s3], $0x80, $0x38;
	[tilespmem:$0x19980] =	vst v63  }
0x293: {  	s30 =	spop (v2sf)  }
0x294: {  	s26 =	sadd.s32 $0x100, s26;
	s29 =	sadd.s32 $0xEE00, s25;
	s31 =	sshrl.u32 s30, $0x3  }
0x295: {  	[tilespmem:s29], [sflag:$0x2] =	stream.linear.gather [hbm4b:s26+s3], $0x80, $0x38;
	[tilespmem:$0x19980] =	vst v63  }
0x296: {  	s28 =	smul.u32 $0xC00, s31;
	s26 =	sshll.u32 s30, $0x7  }
0x297: {  	s26 =	sand.u32 $0x380, s26  }
0x298: {  	s26 =	sor.u32 s26, s28  }
0x299: {  	s26 =	sshrl.u32 s26, $0x3  }
0x29a: {  	(v2sf) =	vpush v1, $0xC;
	s29 =	sadd.s32 $0xE680, s25;
	s26 =	sadd.s32 s4, s26  }
0x29b: {  	[tilespmem:s29], [sflag:$0x2] =	stream.linear.gather [hbm4b:s26+s3], $0x80, $0x38;
	[tilespmem:$0x19980] =	vst v63  }
0x29c: {  	s31 =	sadd.s32 $0xEA80, s25;
	s30 =	sadd.s32 $0x80, s26  }
0x29d: {  	[tilespmem:s31], [sflag:$0x2] =	stream.linear.gather [hbm4b:s30+s3], $0x80, $0x38;
	[tilespmem:$0x19980] =	vst v63  }
0x29e: {  	s30 =	spop (v2sf)  }
0x29f: {  	s26 =	sadd.s32 $0x100, s26;
	s29 =	sadd.s32 $0xEE80, s25;
	s31 =	sshrl.u32 s30, $0x3  }
0x2a0: {  	[tilespmem:s29], [sflag:$0x2] =	stream.linear.gather [hbm4b:s26+s3], $0x80, $0x38;
	[tilespmem:$0x19980] =	vst v63  }
0x2a1: {  	s28 =	smul.u32 $0xC00, s31;
	s26 =	sshll.u32 s30, $0x7  }
0x2a2: {  	s26 =	sand.u32 $0x380, s26  }
0x2a3: {  	s26 =	sor.u32 s26, s28  }
0x2a4: {  	s26 =	sshrl.u32 s26, $0x3  }
0x2a5: {  	(v2sf) =	vpush v1, $0xD;
	s29 =	sadd.s32 $0xE700, s25;
	s26 =	sadd.s32 s4, s26  }
0x2a6: {  	[tilespmem:s29], [sflag:$0x2] =	stream.linear.gather [hbm4b:s26+s3], $0x80, $0x38;
	[tilespmem:$0x19980] =	vst v63  }
0x2a7: {  	s31 =	sadd.s32 $0xEB00, s25;
	s30 =	sadd.s32 $0x80, s26  }
0x2a8: {  	[tilespmem:s31], [sflag:$0x2] =	stream.linear.gather [hbm4b:s30+s3], $0x80, $0x38;
	[tilespmem:$0x19980] =	vst v63  }
0x2a9: {  	s30 =	spop (v2sf)  }
0x2aa: {  	s26 =	sadd.s32 $0x100, s26;
	s29 =	sadd.s32 $0xEF00, s25;
	s31 =	sshrl.u32 s30, $0x3  }
0x2ab: {  	[tilespmem:s29], [sflag:$0x2] =	stream.linear.gather [hbm4b:s26+s3], $0x80, $0x38;
	[tilespmem:$0x19980] =	vst v63  }
0x2ac: {  	s28 =	smul.u32 $0xC00, s31;
	s26 =	sshll.u32 s30, $0x7  }
0x2ad: {  	s26 =	sand.u32 $0x380, s26  }
0x2ae: {  	(v2sf) =	vpush v1, $0xE;
	s26 =	sor.u32 s26, s28  }
0x2af: {  	s26 =	sshrl.u32 s26, $0x3  }
0x2b0: {  	s29 =	sadd.s32 $0xE780, s25;
	s26 =	sadd.s32 s4, s26  }
0x2b1: {  	[tilespmem:s29], [sflag:$0x2] =	stream.linear.gather [hbm4b:s26+s3], $0x80, $0x38;
	[tilespmem:$0x19980] =	vst v63  }
0x2b2: {  	s31 =	sadd.s32 $0xEB80, s25;
	s30 =	sadd.s32 $0x80, s26  }
0x2b3: {  	[tilespmem:s31], [sflag:$0x2] =	stream.linear.gather [hbm4b:s30+s3], $0x80, $0x38;
	[tilespmem:$0x19980] =	vst v63  }
0x2b4: {  	s30 =	spop (v2sf)  }
0x2b5: {  	s26 =	sadd.s32 $0x100, s26;
	s29 =	sadd.s32 $0xEF80, s25;
	s31 =	sshrl.u32 s30, $0x3  }
0x2b6: {  	[tilespmem:s29], [sflag:$0x2] =	stream.linear.gather [hbm4b:s26+s3], $0x80, $0x38;
	[tilespmem:$0x19980] =	vst v63  }
0x2b7: {  	s28 =	smul.u32 $0xC00, s31;
	s26 =	sshll.u32 s30, $0x7  }
0x2b8: {  	s26 =	sand.u32 $0x380, s26  }
0x2b9: {  	s26 =	sor.u32 s26, s28  }
0x2ba: {  	(v2sf) =	vpush v1, $0xF;
	s26 =	sshrl.u32 s26, $0x3  }
0x2bb: {  	s29 =	sadd.s32 $0xE800, s25;
	s26 =	sadd.s32 s4, s26  }
0x2bc: {  	[tilespmem:s29], [sflag:$0x2] =	stream.linear.gather [hbm4b:s26+s3], $0x80, $0x38;
	[tilespmem:$0x19980] =	vst v63  }
0x2bd: {  	s31 =	sadd.s32 $0xEC00, s25;
	s28 =	spop (v2sf);
	s30 =	sadd.s32 $0x80, s26  }
0x2be: {  	[tilespmem:s31], [sflag:$0x2] =	stream.linear.gather [hbm4b:s30+s3], $0x80, $0x38;
	[tilespmem:$0x19980] =	vst v63  }
0x2bf: {  	s26 =	sadd.s32 $0x100, s26;
	s30 =	sadd.s32 $0xF000, s25;
	s31 =	sshrl.u32 s28, $0x3  }
0x2c0: {  	[tilespmem:s30], [sflag:$0x2] =	stream.linear.gather [hbm4b:s26+s3], $0x80, $0x38;
	[tilespmem:$0x19980] =	vst v63  }
0x2c1: {  	s28 =	sshll.u32 s28, $0x7;
	s26 =	smul.u32 $0xC00, s31  }
0x2c2: {  	s28 =	sand.u32 $0x380, s28  }
0x2c3: {  	s26 =	sor.u32 s28, s26  }
0x2c4: {  	s26 =	sshrl.u32 s26, $0x3  }
0x2c5: {  	s29 =	sadd.s32 $0xE880, s25;
	s26 =	sadd.s32 s4, s26  }
0x2c6: {  	[tilespmem:s29], [sflag:$0x2] =	stream.linear.gather [hbm4b:s26+s3], $0x80, $0x38;
	[tilespmem:$0x19980] =	vst v63  }
0x2c7: {  	s31 =	sadd.s32 $0xEC80, s25;
	s30 =	sadd.s32 $0x80, s26  }
0x2c8: {  	[tilespmem:s31], [sflag:$0x2] =	stream.linear.gather [hbm4b:s30+s3], $0x80, $0x38;
	[tilespmem:$0x19980] =	vst v63  }
0x2c9: {  	s30 =	spop (v2sf)  }
0x2ca: {  	s26 =	sadd.s32 $0x100, s26;
	s29 =	sadd.s32 $0xF080, s25;
	s31 =	sshrl.u32 s30, $0x3  }
0x2cb: {  	[tilespmem:s29], [sflag:$0x2] =	stream.linear.gather [hbm4b:s26+s3], $0x80, $0x38;
	[tilespmem:$0x19980] =	vst v63  }
0x2cc: {  	s28 =	smul.u32 $0xC00, s31;
	s26 =	sshll.u32 s30, $0x7  }
0x2cd: {  	s26 =	sand.u32 $0x380, s26  }
0x2ce: {  	s26 =	sor.u32 s26, s28  }
0x2cf: {  	s26 =	sshrl.u32 s26, $0x3  }
0x2d0: {  	p0 =	sne.s32 s22, $0x2A000;
	s29 =	sadd.s32 $0xE900, s25;
	s26 =	sadd.s32 s4, s26  }
0x2d1: {  	[tilespmem:s29], [sflag:$0x2] =	stream.linear.gather [hbm4b:s26+s3], $0x80, $0x38;
	[tilespmem:$0x19980] =	vst v63  }
.Ltmp3:
0x2d2: {  	_ = 	snop;
	(pc) =	sbr.rel @p0 .LBB2_9-.Ltmp3, $4  }
0x2d3: {  	s24 =	sadd.s32 $0x10, s24;
	s31 =	sadd.s32 $0xED00, s25;
	s30 =	sadd.s32 $0x80, s26  }
0x2d4: {  	[tilespmem:s31], [sflag:$0x2] =	stream.linear.gather [hbm4b:s30+s3], $0x80, $0x38;
	[tilespmem:$0x19980] =	vst v63  }
0x2d5: {  	s22 =	sadd.s32 $0x6000, s22;
	s25 =	sadd.s32 $0xF100, s25;
	s26 =	sadd.s32 $0x100, s26  }
0x2d6: {  	[tilespmem:s25], [sflag:$0x2] =	stream.linear.gather [hbm4b:s26+s3], $0x80, $0x38;
	[tilespmem:$0x19980] =	vst v63  }
0x2d7: {  	s22 =	sshll.u32 s23, $0x7  }
0x2d8: {  	s22 =	sadd.s32 s2, s22  }
0x2d9: {  	s22 =	sshrl.u32 s22, $0x3  }
0x2da: {  	_ =	swait.ge [sflag:s14], $0xC000;
	s22 =	smul.u32 $0x180, s22  }
0x2db: {  	[sflag:s14] =	ssyncset.done $0x0  }
0x2dc: {  	[sflag:s14] =	ssyncadd.s32 $0xFFFF4000;
	s31 =	sadd.s32 s5, s22;
	s22 =	simm.s32 $0x0  }
0x2dd: {  	[hbm4b:s31+s22] =	stream.linear.scatter [tilespmem:s15], [sflag:$0x4], $0xC000, $0x38;
	[tilespmem:$0x19980] =	vst v63  }
0x2de: {  	_ =	swait.ge [sflag:s16], $0xC000  }
0x2df: {  	[sflag:s16] =	ssyncset.done $0x0  }
0x2e0: {  	s23 =	smov.u32 s21;
	[sflag:s16] =	ssyncadd.s32 $0xFFFF4000  }
.LBB2_11:
0x2e1: {  	v1 =	vld [tilespmem:s23+$0x0];
	_ =	sdelay $0x4  }
0x2e2: {  	(v2sf) =	vpush v1, $0x0;
	_ =	sdelay $0x9  }
0x2e3: {  	(v2sf) =	vpush v1, $0x1;
	_ =	sdelay $0x4  }
0x2e4: {  	s24 =	spop (v2sf)  }
0x2e5: {  	s25 =	sshrl.u32 s24, $0x3  }
0x2e6: {  	s24 =	sshll.u32 s24, $0x7;
	s25 =	smul.u32 $0xC00, s25  }
0x2e7: {  	s24 =	sand.u32 $0x380, s24  }
0x2e8: {  	s24 =	sor.u32 s24, s25  }
0x2e9: {  	s25 =	sshrl.u32 s24, $0x3;
	s24 =	sshra.s32 s22, $0x2  }
0x2ea: {  	(v2sf) =	vpush v1, $0x2;
	s25 =	sadd.s32 s4, s25;
	s26 =	sadd.s32 $0x1980, s24  }
0x2eb: {  	[tilespmem:s26], [sflag:$0x1] =	stream.linear.gather [hbm4b:s25+s3], $0x80, $0x38;
	[tilespmem:$0x19980] =	vst v63  }
0x2ec: {  	s28 =	sadd.s32 $0x1D80, s24;
	s30 =	sadd.s32 $0x80, s25  }
0x2ed: {  	[tilespmem:s28], [sflag:$0x1] =	stream.linear.gather [hbm4b:s30+s3], $0x80, $0x38;
	[tilespmem:$0x19980] =	vst v63  }
0x2ee: {  	s28 =	spop (v2sf)  }
0x2ef: {  	s31 =	sadd.s32 $0x2180, s24;
	s25 =	sadd.s32 $0x100, s25;
	s29 =	sshrl.u32 s28, $0x3  }
0x2f0: {  	[tilespmem:s31], [sflag:$0x1] =	stream.linear.gather [hbm4b:s25+s3], $0x80, $0x38;
	[tilespmem:$0x19980] =	vst v63  }
0x2f1: {  	s26 =	smul.u32 $0xC00, s29;
	s25 =	sshll.u32 s28, $0x7  }
0x2f2: {  	s25 =	sand.u32 $0x380, s25  }
0x2f3: {  	s25 =	sor.u32 s25, s26  }
0x2f4: {  	s25 =	sshrl.u32 s25, $0x3  }
0x2f5: {  	s30 =	sadd.s32 $0x1A00, s24;
	(v2sf) =	vpush v1, $0x3;
	s25 =	sadd.s32 s4, s25  }
0x2f6: {  	[tilespmem:s30], [sflag:$0x1] =	stream.linear.gather [hbm4b:s25+s3], $0x80, $0x38;
	[tilespmem:$0x19980] =	vst v63  }
0x2f7: {  	s29 =	sadd.s32 $0x1E00, s24;
	s31 =	sadd.s32 $0x80, s25  }
0x2f8: {  	[tilespmem:s29], [sflag:$0x1] =	stream.linear.gather [hbm4b:s31+s3], $0x80, $0x38;
	[tilespmem:$0x19980] =	vst v63  }
0x2f9: {  	s31 =	spop (v2sf)  }
0x2fa: {  	s25 =	sadd.s32 $0x100, s25;
	s30 =	sadd.s32 $0x2200, s24;
	s28 =	sshrl.u32 s31, $0x3  }
0x2fb: {  	[tilespmem:s30], [sflag:$0x1] =	stream.linear.gather [hbm4b:s25+s3], $0x80, $0x38;
	[tilespmem:$0x19980] =	vst v63  }
0x2fc: {  	s26 =	smul.u32 $0xC00, s28;
	s25 =	sshll.u32 s31, $0x7  }
0x2fd: {  	s25 =	sand.u32 $0x380, s25  }
0x2fe: {  	(v2sf) =	vpush v1, $0x4;
	s25 =	sor.u32 s25, s26  }
0x2ff: {  	s25 =	sshrl.u32 s25, $0x3  }
0x300: {  	s29 =	sadd.s32 $0x1A80, s24;
	s25 =	sadd.s32 s4, s25  }
0x301: {  	[tilespmem:s29], [sflag:$0x1] =	stream.linear.gather [hbm4b:s25+s3], $0x80, $0x38;
	[tilespmem:$0x19980] =	vst v63  }
0x302: {  	s31 =	sadd.s32 $0x1E80, s24;
	s30 =	sadd.s32 $0x80, s25  }
0x303: {  	[tilespmem:s31], [sflag:$0x1] =	stream.linear.gather [hbm4b:s30+s3], $0x80, $0x38;
	[tilespmem:$0x19980] =	vst v63  }
0x304: {  	s30 =	spop (v2sf)  }
0x305: {  	s25 =	sadd.s32 $0x100, s25;
	s29 =	sadd.s32 $0x2280, s24;
	s31 =	sshrl.u32 s30, $0x3  }
0x306: {  	[tilespmem:s29], [sflag:$0x1] =	stream.linear.gather [hbm4b:s25+s3], $0x80, $0x38;
	[tilespmem:$0x19980] =	vst v63  }
0x307: {  	s26 =	smul.u32 $0xC00, s31;
	s25 =	sshll.u32 s30, $0x7  }
0x308: {  	s25 =	sand.u32 $0x380, s25  }
0x309: {  	s25 =	sor.u32 s25, s26  }
0x30a: {  	(v2sf) =	vpush v1, $0x5;
	s25 =	sshrl.u32 s25, $0x3  }
0x30b: {  	s28 =	sadd.s32 $0x1B00, s24;
	s25 =	sadd.s32 s4, s25  }
0x30c: {  	[tilespmem:s28], [sflag:$0x1] =	stream.linear.gather [hbm4b:s25+s3], $0x80, $0x38;
	[tilespmem:$0x19980] =	vst v63  }
0x30d: {  	s30 =	sadd.s32 $0x1F00, s24;
	s29 =	sadd.s32 $0x80, s25;
	s28 =	spop (v2sf)  }
0x30e: {  	[tilespmem:s30], [sflag:$0x1] =	stream.linear.gather [hbm4b:s29+s3], $0x80, $0x38;
	[tilespmem:$0x19980] =	vst v63  }
0x30f: {  	s31 =	sadd.s32 $0x2300, s24;
	s25 =	sadd.s32 $0x100, s25;
	s29 =	sshrl.u32 s28, $0x3  }
0x310: {  	[tilespmem:s31], [sflag:$0x1] =	stream.linear.gather [hbm4b:s25+s3], $0x80, $0x38;
	[tilespmem:$0x19980] =	vst v63  }
0x311: {  	s26 =	smul.u32 $0xC00, s29;
	s25 =	sshll.u32 s28, $0x7  }
0x312: {  	s25 =	sand.u32 $0x380, s25  }
0x313: {  	s25 =	sor.u32 s25, s26  }
0x314: {  	s25 =	sshrl.u32 s25, $0x3  }
0x315: {  	(v2sf) =	vpush v1, $0x6;
	s30 =	sadd.s32 $0x1B80, s24;
	s25 =	sadd.s32 s4, s25  }
0x316: {  	[tilespmem:s30], [sflag:$0x1] =	stream.linear.gather [hbm4b:s25+s3], $0x80, $0x38;
	[tilespmem:$0x19980] =	vst v63  }
0x317: {  	s29 =	sadd.s32 $0x1F80, s24;
	s31 =	sadd.s32 $0x80, s25  }
0x318: {  	[tilespmem:s29], [sflag:$0x1] =	stream.linear.gather [hbm4b:s31+s3], $0x80, $0x38;
	[tilespmem:$0x19980] =	vst v63  }
0x319: {  	s31 =	spop (v2sf)  }
0x31a: {  	s25 =	sadd.s32 $0x100, s25;
	s30 =	sadd.s32 $0x2380, s24;
	s28 =	sshrl.u32 s31, $0x3  }
0x31b: {  	[tilespmem:s30], [sflag:$0x1] =	stream.linear.gather [hbm4b:s25+s3], $0x80, $0x38;
	[tilespmem:$0x19980] =	vst v63  }
0x31c: {  	s26 =	smul.u32 $0xC00, s28;
	s25 =	sshll.u32 s31, $0x7  }
0x31d: {  	s25 =	sand.u32 $0x380, s25  }
0x31e: {  	(v2sf) =	vpush v1, $0x7;
	s25 =	sor.u32 s25, s26  }
0x31f: {  	s25 =	sshrl.u32 s25, $0x3  }
0x320: {  	s29 =	sadd.s32 $0x1C00, s24;
	s25 =	sadd.s32 s4, s25  }
0x321: {  	[tilespmem:s29], [sflag:$0x1] =	stream.linear.gather [hbm4b:s25+s3], $0x80, $0x38;
	[tilespmem:$0x19980] =	vst v63  }
0x322: {  	s31 =	sadd.s32 $0x2000, s24;
	s30 =	sadd.s32 $0x80, s25  }
0x323: {  	[tilespmem:s31], [sflag:$0x1] =	stream.linear.gather [hbm4b:s30+s3], $0x80, $0x38;
	[tilespmem:$0x19980] =	vst v63  }
0x324: {  	s30 =	spop (v2sf)  }
0x325: {  	s25 =	sadd.s32 $0x100, s25;
	s29 =	sadd.s32 $0x2400, s24;
	s31 =	sshrl.u32 s30, $0x3  }
0x326: {  	[tilespmem:s29], [sflag:$0x1] =	stream.linear.gather [hbm4b:s25+s3], $0x80, $0x38;
	[tilespmem:$0x19980] =	vst v63  }
0x327: {  	s26 =	smul.u32 $0xC00, s31;
	s25 =	sshll.u32 s30, $0x7  }
0x328: {  	s25 =	sand.u32 $0x380, s25  }
0x329: {  	s25 =	sor.u32 s25, s26  }
0x32a: {  	(v2sf) =	vpush v1, $0x8;
	s25 =	sshrl.u32 s25, $0x3  }
0x32b: {  	s28 =	sadd.s32 $0x1C80, s24;
	s25 =	sadd.s32 s4, s25  }
0x32c: {  	[tilespmem:s28], [sflag:$0x1] =	stream.linear.gather [hbm4b:s25+s3], $0x80, $0x38;
	[tilespmem:$0x19980] =	vst v63  }
0x32d: {  	s30 =	sadd.s32 $0x2080, s24;
	s29 =	sadd.s32 $0x80, s25;
	s28 =	spop (v2sf)  }
0x32e: {  	[tilespmem:s30], [sflag:$0x1] =	stream.linear.gather [hbm4b:s29+s3], $0x80, $0x38;
	[tilespmem:$0x19980] =	vst v63  }
0x32f: {  	s31 =	sadd.s32 $0x2480, s24;
	s25 =	sadd.s32 $0x100, s25;
	s29 =	sshrl.u32 s28, $0x3  }
0x330: {  	[tilespmem:s31], [sflag:$0x1] =	stream.linear.gather [hbm4b:s25+s3], $0x80, $0x38;
	[tilespmem:$0x19980] =	vst v63  }
0x331: {  	s26 =	smul.u32 $0xC00, s29;
	s25 =	sshll.u32 s28, $0x7  }
0x332: {  	s25 =	sand.u32 $0x380, s25  }
0x333: {  	s25 =	sor.u32 s25, s26  }
0x334: {  	s25 =	sshrl.u32 s25, $0x3  }
0x335: {  	(v2sf) =	vpush v1, $0x9;
	s30 =	sadd.s32 $0x1D00, s24;
	s25 =	sadd.s32 s4, s25  }
0x336: {  	[tilespmem:s30], [sflag:$0x1] =	stream.linear.gather [hbm4b:s25+s3], $0x80, $0x38;
	[tilespmem:$0x19980] =	vst v63  }
0x337: {  	s29 =	sadd.s32 $0x2100, s24;
	s31 =	sadd.s32 $0x80, s25  }
0x338: {  	[tilespmem:s29], [sflag:$0x1] =	stream.linear.gather [hbm4b:s31+s3], $0x80, $0x38;
	[tilespmem:$0x19980] =	vst v63  }
0x339: {  	s31 =	spop (v2sf)  }
0x33a: {  	s25 =	sadd.s32 $0x100, s25;
	s30 =	sadd.s32 $0x2500, s24;
	s28 =	sshrl.u32 s31, $0x3  }
0x33b: {  	[tilespmem:s30], [sflag:$0x1] =	stream.linear.gather [hbm4b:s25+s3], $0x80, $0x38;
	[tilespmem:$0x19980] =	vst v63  }
0x33c: {  	s26 =	smul.u32 $0xC00, s28;
	s25 =	sshll.u32 s31, $0x7  }
0x33d: {  	s25 =	sand.u32 $0x380, s25  }
0x33e: {  	(v2sf) =	vpush v1, $0xA;
	s25 =	sor.u32 s25, s26  }
0x33f: {  	s25 =	sshrl.u32 s25, $0x3  }
0x340: {  	s29 =	sadd.s32 $0x2580, s24;
	s25 =	sadd.s32 s4, s25  }
0x341: {  	[tilespmem:s29], [sflag:$0x1] =	stream.linear.gather [hbm4b:s25+s3], $0x80, $0x38;
	[tilespmem:$0x19980] =	vst v63  }
0x342: {  	s31 =	sadd.s32 $0x2980, s24;
	s30 =	sadd.s32 $0x80, s25  }
0x343: {  	[tilespmem:s31], [sflag:$0x1] =	stream.linear.gather [hbm4b:s30+s3], $0x80, $0x38;
	[tilespmem:$0x19980] =	vst v63  }
0x344: {  	s30 =	spop (v2sf)  }
0x345: {  	s25 =	sadd.s32 $0x100, s25;
	s29 =	sadd.s32 $0x2D80, s24;
	s31 =	sshrl.u32 s30, $0x3  }
0x346: {  	[tilespmem:s29], [sflag:$0x1] =	stream.linear.gather [hbm4b:s25+s3], $0x80, $0x38;
	[tilespmem:$0x19980] =	vst v63  }
0x347: {  	s26 =	smul.u32 $0xC00, s31;
	s25 =	sshll.u32 s30, $0x7  }
0x348: {  	s25 =	sand.u32 $0x380, s25  }
0x349: {  	s25 =	sor.u32 s25, s26  }
0x34a: {  	(v2sf) =	vpush v1, $0xB;
	s25 =	sshrl.u32 s25, $0x3  }
0x34b: {  	s28 =	sadd.s32 $0x2600, s24;
	s25 =	sadd.s32 s4, s25  }
0x34c: {  	[tilespmem:s28], [sflag:$0x1] =	stream.linear.gather [hbm4b:s25+s3], $0x80, $0x38;
	[tilespmem:$0x19980] =	vst v63  }
0x34d: {  	s30 =	sadd.s32 $0x2A00, s24;
	s29 =	sadd.s32 $0x80, s25;
	s28 =	spop (v2sf)  }
0x34e: {  	[tilespmem:s30], [sflag:$0x1] =	stream.linear.gather [hbm4b:s29+s3], $0x80, $0x38;
	[tilespmem:$0x19980] =	vst v63  }
0x34f: {  	s31 =	sadd.s32 $0x2E00, s24;
	s25 =	sadd.s32 $0x100, s25;
	s29 =	sshrl.u32 s28, $0x3  }
0x350: {  	[tilespmem:s31], [sflag:$0x1] =	stream.linear.gather [hbm4b:s25+s3], $0x80, $0x38;
	[tilespmem:$0x19980] =	vst v63  }
0x351: {  	s26 =	smul.u32 $0xC00, s29;
	s25 =	sshll.u32 s28, $0x7  }
0x352: {  	s25 =	sand.u32 $0x380, s25  }
0x353: {  	s25 =	sor.u32 s25, s26  }
0x354: {  	s25 =	sshrl.u32 s25, $0x3  }
0x355: {  	(v2sf) =	vpush v1, $0xC;
	s30 =	sadd.s32 $0x2680, s24;
	s25 =	sadd.s32 s4, s25  }
0x356: {  	[tilespmem:s30], [sflag:$0x1] =	stream.linear.gather [hbm4b:s25+s3], $0x80, $0x38;
	[tilespmem:$0x19980] =	vst v63  }
0x357: {  	s29 =	sadd.s32 $0x2A80, s24;
	s31 =	sadd.s32 $0x80, s25  }
0x358: {  	[tilespmem:s29], [sflag:$0x1] =	stream.linear.gather [hbm4b:s31+s3], $0x80, $0x38;
	[tilespmem:$0x19980] =	vst v63  }
0x359: {  	s31 =	spop (v2sf)  }
0x35a: {  	s25 =	sadd.s32 $0x100, s25;
	s30 =	sadd.s32 $0x2E80, s24;
	s28 =	sshrl.u32 s31, $0x3  }
0x35b: {  	[tilespmem:s30], [sflag:$0x1] =	stream.linear.gather [hbm4b:s25+s3], $0x80, $0x38;
	[tilespmem:$0x19980] =	vst v63  }
0x35c: {  	s26 =	smul.u32 $0xC00, s28;
	s25 =	sshll.u32 s31, $0x7  }
0x35d: {  	s25 =	sand.u32 $0x380, s25  }
0x35e: {  	(v2sf) =	vpush v1, $0xD;
	s25 =	sor.u32 s25, s26  }
0x35f: {  	s25 =	sshrl.u32 s25, $0x3  }
0x360: {  	s29 =	sadd.s32 $0x2700, s24;
	s25 =	sadd.s32 s4, s25  }
0x361: {  	[tilespmem:s29], [sflag:$0x1] =	stream.linear.gather [hbm4b:s25+s3], $0x80, $0x38;
	[tilespmem:$0x19980] =	vst v63  }
0x362: {  	s31 =	sadd.s32 $0x2B00, s24;
	s30 =	sadd.s32 $0x80, s25  }
0x363: {  	[tilespmem:s31], [sflag:$0x1] =	stream.linear.gather [hbm4b:s30+s3], $0x80, $0x38;
	[tilespmem:$0x19980] =	vst v63  }
0x364: {  	s30 =	spop (v2sf)  }
0x365: {  	s25 =	sadd.s32 $0x100, s25;
	s29 =	sadd.s32 $0x2F00, s24;
	s31 =	sshrl.u32 s30, $0x3  }
0x366: {  	[tilespmem:s29], [sflag:$0x1] =	stream.linear.gather [hbm4b:s25+s3], $0x80, $0x38;
	[tilespmem:$0x19980] =	vst v63  }
0x367: {  	s26 =	smul.u32 $0xC00, s31;
	s25 =	sshll.u32 s30, $0x7  }
0x368: {  	(v2sf) =	vpush v1, $0xE;
	s25 =	sand.u32 $0x380, s25  }
0x369: {  	s25 =	sor.u32 s25, s26  }
0x36a: {  	s25 =	sshrl.u32 s25, $0x3  }
0x36b: {  	s28 =	sadd.s32 $0x2780, s24;
	s25 =	sadd.s32 s4, s25  }
0x36c: {  	[tilespmem:s28], [sflag:$0x1] =	stream.linear.gather [hbm4b:s25+s3], $0x80, $0x38;
	[tilespmem:$0x19980] =	vst v63  }
0x36d: {  	s30 =	sadd.s32 $0x2B80, s24;
	s29 =	sadd.s32 $0x80, s25;
	s28 =	spop (v2sf)  }
0x36e: {  	[tilespmem:s30], [sflag:$0x1] =	stream.linear.gather [hbm4b:s29+s3], $0x80, $0x38;
	[tilespmem:$0x19980] =	vst v63  }
0x36f: {  	s31 =	sadd.s32 $0x2F80, s24;
	s25 =	sadd.s32 $0x100, s25;
	s29 =	sshrl.u32 s28, $0x3  }
0x370: {  	[tilespmem:s31], [sflag:$0x1] =	stream.linear.gather [hbm4b:s25+s3], $0x80, $0x38;
	[tilespmem:$0x19980] =	vst v63  }
0x371: {  	s26 =	smul.u32 $0xC00, s29;
	s25 =	sshll.u32 s28, $0x7  }
0x372: {  	s25 =	sand.u32 $0x380, s25  }
0x373: {  	s25 =	sor.u32 s25, s26  }
0x374: {  	(v2sf) =	vpush v1, $0xF;
	s25 =	sshrl.u32 s25, $0x3  }
0x375: {  	s30 =	sadd.s32 $0x2800, s24;
	s25 =	sadd.s32 s4, s25  }
0x376: {  	[tilespmem:s30], [sflag:$0x1] =	stream.linear.gather [hbm4b:s25+s3], $0x80, $0x38;
	[tilespmem:$0x19980] =	vst v63  }
0x377: {  	s29 =	sadd.s32 $0x2C00, s24;
	s31 =	sadd.s32 $0x80, s25;
	s30 =	spop (v2sf)  }
0x378: {  	[tilespmem:s29], [sflag:$0x1] =	stream.linear.gather [hbm4b:s31+s3], $0x80, $0x38;
	[tilespmem:$0x19980] =	vst v63  }
0x379: {  	s25 =	sadd.s32 $0x100, s25;
	s31 =	sadd.s32 $0x3000, s24;
	s29 =	sshrl.u32 s30, $0x3  }
0x37a: {  	[tilespmem:s31], [sflag:$0x1] =	stream.linear.gather [hbm4b:s25+s3], $0x80, $0x38;
	[tilespmem:$0x19980] =	vst v63  }
0x37b: {  	s26 =	sshll.u32 s30, $0x7;
	s25 =	smul.u32 $0xC00, s29  }
0x37c: {  	s26 =	sand.u32 $0x380, s26  }
0x37d: {  	s25 =	sor.u32 s26, s25  }
0x37e: {  	s25 =	sshrl.u32 s25, $0x3  }
0x37f: {  	s30 =	sadd.s32 $0x2880, s24;
	s25 =	sadd.s32 s4, s25  }
0x380: {  	[tilespmem:s30], [sflag:$0x1] =	stream.linear.gather [hbm4b:s25+s3], $0x80, $0x38;
	[tilespmem:$0x19980] =	vst v63  }
0x381: {  	s29 =	sadd.s32 $0x2C80, s24;
	s31 =	sadd.s32 $0x80, s25  }
0x382: {  	[tilespmem:s29], [sflag:$0x1] =	stream.linear.gather [hbm4b:s31+s3], $0x80, $0x38;
	[tilespmem:$0x19980] =	vst v63  }
0x383: {  	s31 =	spop (v2sf)  }
0x384: {  	s25 =	sadd.s32 $0x100, s25;
	s30 =	sadd.s32 $0x3080, s24;
	s28 =	sshrl.u32 s31, $0x3  }
0x385: {  	[tilespmem:s30], [sflag:$0x1] =	stream.linear.gather [hbm4b:s25+s3], $0x80, $0x38;
	[tilespmem:$0x19980] =	vst v63  }
0x386: {  	s26 =	smul.u32 $0xC00, s28;
	s25 =	sshll.u32 s31, $0x7  }
0x387: {  	s25 =	sand.u32 $0x380, s25  }
0x388: {  	s25 =	sor.u32 s25, s26  }
0x389: {  	s25 =	sshrl.u32 s25, $0x3  }
0x38a: {  	p0 =	sne.s32 s22, $0x2A000;
	s29 =	sadd.s32 $0x2900, s24;
	s25 =	sadd.s32 s4, s25  }
0x38b: {  	[tilespmem:s29], [sflag:$0x1] =	stream.linear.gather [hbm4b:s25+s3], $0x80, $0x38;
	[tilespmem:$0x19980] =	vst v63  }
.Ltmp4:
0x38c: {  	_ = 	snop;
	(pc) =	sbr.rel @p0 .LBB2_11-.Ltmp4, $4  }
0x38d: {  	s23 =	sadd.s32 $0x10, s23;
	s31 =	sadd.s32 $0x2D00, s24;
	s30 =	sadd.s32 $0x80, s25  }
0x38e: {  	[tilespmem:s31], [sflag:$0x1] =	stream.linear.gather [hbm4b:s30+s3], $0x80, $0x38;
	[tilespmem:$0x19980] =	vst v63  }
0x38f: {  	s22 =	sadd.s32 $0x6000, s22;
	s24 =	sadd.s32 $0x3100, s24;
	s25 =	sadd.s32 $0x100, s25  }
0x390: {  	[tilespmem:s24], [sflag:$0x1] =	stream.linear.gather [hbm4b:s25+s3], $0x80, $0x38;
	[tilespmem:$0x19980] =	vst v63  }
0x391: {  	s19 =	sadd.s32 $0x1, s19  }
0x392: {  	p0 =	sne.s32 s19, $0x18  }
.Ltmp5:
0x393: {  	_ = 	snop;
	(pc) =	sbr.rel @p0 .LBB2_8-.Ltmp5, $2  }
0x394: {  	_ =	sdelay $0x2  }
0x395: {  	s20 =	sadd.s32 $0x100, s20;
	s21 =	sadd.s32 $0x100, s21  }
0x396: {  	s18 =	sadd.s32 $0x1, s18  }
0x397: {  	_ =	swait.ge [sflag:s12], $0xC000;
	p0 =	sne.s32 s18, s10  }
.Ltmp6:
0x398: {  	[sflag:s12] =	ssyncset.done $0x0;
	(pc) =	sbr.rel @p0 .LBB2_1-.Ltmp6, $4  }
0x399: {  	[sflag:s12] =	ssyncadd.s32 $0xFFFF4000  }
0x39a: {  	_ =	swait.ge [sflag:s17], $0xC000  }
0x39b: {  	[sflag:s17] =	ssyncset.done $0x0  }
0x39c: {  	[sflag:s17] =	ssyncadd.s32 $0xFFFF4000  }
0x39d: {  	_ =	sfence.sel $0x180000  }
0x39e: {  	[bflag:$0x0] =	sbarrier.arrive $0xFFFF  }
0x39f: {  	p0 =	sne.s32 s0, $0x0;
	_ =	strace $0x90000047  }
0x3a0: {  	s0 =	sadd.s32 @!p0 $0x100000, s1;
	[bflag:$0x2] =	sbarrier.arrive $0xFFFF  }
0x3a1: {  	[sflag:s0] =	ssyncadd.tile.s32 @!p0 $0x1;
	_ =	shalt  }
.Lfunc_end2:
_tile_overlayer_lowered:
.L_overlay_start_2:
0x3a2: {  	(tag) =	ssettag $0x2  }
0x3a3: {  	s0 =	rddreg [dreg:$0x0];
	s2 =	stileid.u32  }
0x3a4: {  	s1 =	rddreg [dreg:$0x1];
	p0 =	sne.s32 s2, $0x0  }
0x3a5: {  	s3 =	rddreg [dreg:$0x2];
	[bflag:$0x3] =	sbarrier.arrive $0xFFFF;
	s2 =	simm.s32 @!p0 $0x1C05  }
0x3a6: {  	[timem:s3], [sflag:s2] =	dma.local @!p0 [hbm:s0], s1  }
0x3a7: {  	s0 =	simm.s32 @!p0 $0x5  }
0x3a8: {  	_ =	swait.ge @!p0 [sflag:s0], s1  }
0x3a9: {  	s1 =	ssub.s32 @!p0 $0x0, s1;
	[sflag:s0] =	ssyncset.done @!p0 $0x0  }
0x3aa: {  	[sflag:s0] =	ssyncadd.s32 @!p0 s1  }
0x3ab: {  	[bflag:$0x3] =	sbarrier.arrive $0xFFFF  }
0x3ac: {  	_ =	shalt  }

// kernel: sparse-core-data-format-call.cloned.1.call-start
scs
called_computation_lowered:
.L_overlay_start_0:
0x0: {  	s2 =	sld [smem:$0x3FD9]  }
0x1: {  	s3 =	sld [smem:$0x3FFE];
	_ =	sdelay $0x1  }
0x2: {  	s1 =	srdreg.scid  }
0x3: {  	s0 =	sand.u32 $0x1, s1  }
0x4: {  	s18 =	sshll.u32 s0, $0xA;
	s2 =	sadd.s32 s3, s2  }
0x5: {  	s2 =	sadd.s32 s2, s18  }
0x6: {  	[smem:$0x3FC6] =	sst s2  }
0x7: {  	_ = 	snop  }
0x8: {  	s2 =	sld [smem:$0x3FD0];
	(tm) =	ssettm $0x1  }
0x9: {  	s19 =	sld [smem:$0x3FFB];
	_ =	sdelay $0x3  }
0xa: {  	_ =	strace s19  }
0xb: {  	s3 =	sld [smem:$0x3FFC];
	_ =	sdelay $0x3  }
0xc: {  	_ =	strace s3  }
0xd: {  	s3 =	sld [smem:$0x3FFD];
	_ =	sdelay $0x3  }
0xe: {  	_ =	strace s3  }
0xf: {  	_ =	strace $0x8FFFFFFF  }
0x10: {  	s20 =	sld [smem:$0x3FDB];
	_ =	sdelay $0x1  }
0x11: {  	s4 =	simm.s32 $_scs_section_size  }
0x12: {  	s5 =	simm.s32 $_size__tile_overlayer_lowered;
	s6 =	simm.s32 $_tile_overlayer_lowered  }
0x13: {  	s23 =	simm.s32 $0x1BFF;
	s22 =	sshll.u32 s6, $0x1;
	s3 =	sadd.s32 s4, s20  }
0x14: {  	s7 =	simm.s32 $0x0;
	s21 =	sshll.u32 s5, $0x1;
	s5 =	sadd.s32 s22, s3  }
0x15: {  	[timem:s7], [sflag:s23] =	dma.local [hbm:s5], s21  }
0x16: {  	_ =	swait.ge [sflag:s23], s21  }
0x17: {  	s4 =	ssub.s32 $0x0, s21;
	[sflag:s23] =	ssyncset.done $0x0  }
0x18: {  	[sflag:s23] =	ssyncadd.s32 s4;
	_ =	sdelay $0x1  }
0x19: {  	s24 =	simm.s32 $0x1B8B  }
0x1a: {  	_ =	swait.ge [sflag:s24], $0x1  }
0x1b: {  	[sflag:s24] =	ssyncset.done $0x0  }
0x1c: {  	s26 =	simm.s32 $0x1B8E;
	s25 =	sld [smem:$0x3FFE];
	[sflag:s24] =	ssyncadd.s32 $0xFFFFFFFF  }
0x1d: {  	s27 =	simm.s32 $execute0_lowered;
	[smem:$0x3FD2] =	sst s26  }
0x1e: {  	s5 =	sshll.u32 s27, $0x1;
	_ =	strace $0x80000049;
	[dreg:$0x1] =	wrdreg $0xFFFFFFFF  }
0x1f: {  	s28 =	simm.s32 $_size_execute0_lowered;
	s3 =	sadd.s32 s3, s5;
	[dreg:$0x0] =	wrdreg $0x0  }
0x20: {  	s5 =	sshll.u32 s28, $0x1;
	[dreg:$0x2] =	wrdreg s3  }
0x21: {  	[dreg:$0x3] =	wrdreg s5  }
0x22: {  	[dreg:$0x4] =	wrdreg $0xC0  }
0x23: {  	_ =	task [dreg:s7], $0x5FFFF  }
0x24: {  	[dreg:$0x1] =	wrdreg $0xFFFFFFFF  }
0x25: {  	[dreg:$0x0] =	wrdreg $0x60  }
0x26: {  	[dreg:$0x2] =	wrdreg s25  }
0x27: {  	[dreg:$0x3] =	wrdreg s2  }
0x28: {  	[dreg:$0x4] =	wrdreg $0x9  }
0x29: {  	_ =	task.clear_ibuf [dreg:s7], $0x5FFFF;
	_ =	strace $0x90000049  }
0x2a: {  	s29 =	simm.s32 $0x9;
	_ =	strace $0x8000004B  }
0x2b: {  	_ =	swait.ge [sflag:s29], $0x1  }
0x2c: {  	[sflag:s29] =	ssyncadd.s32 $0xFFFFFFFF  }
0x2d: {  	_ =	strace $0x9000004B  }
0x2e: {  	_ =	sfence  }
0x2f: {  	s30 =	sld [smem:$0x0];
	_ =	sdelay $0x2  }
0x30: {  	s31 =	sshll.u32 s1, $0xD;
	s1 =	sshrl.u32 s1, $0x2  }
0x31: {  	s3 =	sand.u32 $0x4000, s31;
	s1 =	sadd.s32 s1, s30  }
0x32: {  	s0 =	sor.u32 s3, s0;
	s1 =	sshll.u32 s1, $0x11  }
0x33: {  	s0 =	sor.u32 s1, s0  }
0x34: {  	s0 =	sadd.s32 $0x8F2B, s0  }
0x35: {  	[sflag:s0] =	ssyncadd.remote.s32 $0x1  }
0x36: {  	_ =	sfence.sel $0xFFFF  }
0x37: {  	[dreg:$0x0] =	wrdreg $0xFFFFFFFF;
	(pc) =	sbr.abs _section_cstart, $3  }
0x38: {  	[dreg:$0x1] =	wrdreg $0xFFFFFFFF  }
0x39: {  	_ =	task.clear_ibuf [dreg:s7], $0x2FFFF;
	_ =	strace $0x9FFFFFFF  }
0x3a: {  	(tm) =	ssettm $0x7FFFFFFF  }
0x3b: {  	_ =	shalt  }
tec
execute0_lowered:
.L_overlay_start_1:
0x0: {  	(tag) =	ssettag $0x1  }
0x1: {  	s4 =	rddreg [dreg:$0x0]  }
0x2: {  	s0 =	stileid.u32;
	s2 =	rddreg [dreg:$0x1]  }
0x3: {  	s7 =	srdreg.scid;
	s8 =	simm.s32 $0x2;
	s17 =	simm.s32 $0x0  }
0x4: {  	s9 =	simm.s32 $0x32000;
	s19 =	simm.s32 $0x0;
	s18 =	simm.s32 $0x0  }
0x5: {  	s10 =	simm.s32 $0x0;
	s11 =	simm.s32 $0x0;
	s1 =	sshll.u32 s0, $0x7  }
0x6: {  	s12 =	simm.s32 $0x0;
	s13 =	simm.s32 $0x0;
	s3 =	sand.u32 $0x380, s1  }
0x7: {  	s16 =	simm.s32 $0x0;
	s7 =	sshll.u32 s7, $0x4;
	s5 =	ssub.s32 $0x400, s3  }
0x8: {  	s4 =	sadd.s32 $0x2DC7400, s4;
	s1 =	rddreg [dreg:$0x2];
	s6 =	sand.u32 $0x380, s5  }
0x9: {  	s7 =	sand.u32 $0x10, s7;
	p0 =	sne.s32 s6, $0x0;
	s6 =	simm.s32 $0x1  }
.Ltmp0:
0xa: {  	s5 =	sshrl.u32 s5, $0xA;
	s6 =	simm.s32 @!p0 $0x0;
	(pc) =	sbr.rel .LBB1_1-.Ltmp0, $4  }
0xb: {  	_ =	strace $0x8000004A;
	s7 =	sor.u32 s0, s7;
	s6 =	sadd.s32 s6, s5  }
0xc: {  	s7 =	sshrl.u32 s7, $0x3;
	s5 =	simm.s32 $0x1;
	s6 =	smul.u32 $0x96, s6  }
0xd: {  	s15 =	smov.u32 s3;
	s14 =	smov.u32 s7;
	[sflag:s5] =	ssyncpa.u1 $0x0  }
0xe: {  	p0 =	por $0x0, $0x0;
	[sflag:s8] =	ssyncpa.u1 $0x0;
	s8 =	sor.u32 $0x1, s6  }
.LBB1_4:
0xf: {  	s25 =	sshll.u32 s11, $0xA;
	s26 =	sshll.u32 s12, $0x3;
	s24 =	sshra.s32 s24, $0x2  }
0x10: {  	p1 =	sgt.s32 s10, $0xAC;
	s27 =	sshra.s32 s11, $0x1F;
	s28 =	sshra.s32 s10, $0x1F  }
0x11: {  	s29 =	sshra.s32 s12, $0x1F;
	s25 =	sand.u32 $0xFFFFE000, s25;
	s26 =	sand.u32 $0xFFFFFC00, s26  }
0x12: {  	s23 =	sadd.s32 s24, s23;
	s27 =	sand.u32 s27, s11;
	s25 =	sadd.s32 s26, s25  }
0x13: {  	s28 =	sand.u32 s28, s10;
	s24 =	sshrl.u32 s25, $0xA;
	s25 =	smov.u32 s10  }
0x14: {  	s26 =	smov.u32 s11;
	s25 =	simm.s32 @!p1 $0xAC;
	p1 =	sgt.s32 s11, $0xC7  }
0x15: {  	[tilespmem:s22+$0x2040 ss:$0x81] =	vst.msk $0xffff, v4;
	s29 =	sand.u32 s29, s12;
	s30 =	smulhi.u32 $0x147AE15, s24;
	s26 =	simm.s32 @!p1 $0xC7  }
0x16: {  	v5 =	vld [tilespmem:s21+$0xFFFFFFD0];
	[tilespmem:s22+$0x2850 ss:$0x81] =	vst.msk $0xffff, v3;
	p1 =	sgt.s32 s12, $0x380;
	s25 =	ssub.s32 s25, s28;
	s26 =	ssub.s32 s26, s27  }
0x17: {  	v58 =	vld [tilespmem:s21+$0xFFFFFFE0];
	[tilespmem:s22+$0x3060 ss:$0x81] =	vst.msk $0xffff, v2;
	s27 =	smov.u32 s12;
	s28 =	sadd.s32 $0xFFFFFF54, s25;
	s25 =	ssub.s32 $0x12C, s25  }
0x18: {  	v59 =	vld [tilespmem:s21+$0xFFFFFFF0];
	[tilespmem:s22+$0x0 ss:$0x81] =	vst.msk $0xffff, v1;
	s27 =	simm.s32 @!p1 $0x380;
	s31 =	sadd.s32 $0xFFFFFF39, s26;
	s22 =	ssub.s32 $0xC8, s26  }
0x19: {  	v60 =	vld [tilespmem:s21+$0x0];
	s27 =	ssub.s32 s27, s29;
	p1 =	sgt.s32 s31, $0x0;
	s29 =	smul.u32 $0xC8, s30  }
0x1a: {  	v61 =	vld [tilespmem:s21+$0x10];
	[tilespmem:s23+$0x3870 ss:$0x81] =	vst.msk $0xffff, v0;
	s30 =	sshll.u32 s11, $0x7;
	s31 =	sadd.s32 $0xFFFFFC80, s27;
	s26 =	ssub.s32 $0x400, s27  }
0x1b: {  	v62 =	vld [tilespmem:s21+$0x20];
	[tilespmem:s23+$0x810 ss:$0x81] =	vst.msk $0xffff, v5;
	s22 =	simm.s32 @p1 $0x0;
	p1 =	sgt.s32 s28, $0x7F;
	p2 =	sgt.s32 s31, $0x7F  }
0x1c: {  	v63 =	vld [tilespmem:s21+$0xFFFFFFC0];
	[tilespmem:s23+$0x1020 ss:$0x81] =	vst.msk $0xffff, v58;
	s27 =	sand.u32 $0x78, s12;
	s31 =	smul.u32 $0x6400, s10;
	s26 =	simm.s32 @p2 $0x0  }
0x1d: {  	[tilespmem:s23+$0x1830 ss:$0x81] =	vst.msk $0xffff, v59;
	s21 =	sand.u32 $0x380, s30;
	s25 =	simm.s32 @p1 $0x0;
	s22 =	smul.u32 s26, s22  }
0x1e: {  	[tilespmem:s23+$0x2040 ss:$0x81] =	vst.msk $0xffff, v60;
	s21 =	sor.u32 s27, s21;
	s24 =	ssub.s32 s24, s29;
	s29 =	sand.u32 $0x7, s12  }
0x1f: {  	[tilespmem:s23+$0x2850 ss:$0x81] =	vst.msk $0xffff, v61;
	s21 =	sshrl.u32 s21, $0x3;
	s28 =	sadd.s32 s2, s31;
	s22 =	smul.u32 s25, s22  }
0x20: {  	[tilespmem:s23+$0x3060 ss:$0x81] =	vst.msk $0xffff, v62;
	s24 =	sshll.u32 s24, $0x7;
	s30 =	sshll.u32 s29, $0x12;
	s21 =	sadd.s32 s21, s28  }
0x21: {  	[tilespmem:s23+$0x0 ss:$0x81] =	vst.msk $0xffff, v63;
	s31 =	sor.u32 $0x80, s30;
	s21 =	sadd.s32 s24, s21;
	s22 =	sand.u32 $0x3FFFFFFF, s22  }
0x22: {  	[hbm4b:s21+s31] =	stream.strided.scatter [tilespmem:s20], [sflag:$0x2], s22, s9, s31, $0x20;
	[tilespmem:$0x10100] =	vst v63  }
.LBB1_5:
0x23: {  	p1 =	slt.u32 s16, $0x2;
	s21 =	smov.u32 s19  }
0x24: {  	p2 =	sgt.s32 @!p1 s17, $0xAC;
	s20 =	sshra.s32 @!p1 s17, $0x1F;
	p3 =	sgt.s32 @!p1 s19, $0xC7  }
0x25: {  	s22 =	sshra.s32 @!p1 s19, $0x1F;
	p2 =	por !p2, p1;
	s20 =	sand.u32 @!p1 s20, s17  }
0x26: {  	p3 =	por !p3, p1;
	s19 =	sand.u32 @!p1 s22, s19;
	s22 =	sshra.s32 @!p1 s18, $0x1F  }
0x27: {  	s21 =	simm.s32 @p3 $0xC7;
	p3 =	sgt.s32 @!p1 s18, $0x380;
	s17 =	simm.s32 @p2 $0xAC  }
0x28: {  	s19 =	ssub.s32 @!p1 s21, s19;
	p3 =	por !p3, p1;
	s21 =	smov.u32 s18  }
0x29: {  	s18 =	sand.u32 @!p1 s22, s18;
	s17 =	ssub.s32 @!p1 s17, s20;
	s21 =	simm.s32 @p3 $0x380  }
0x2a: {  	s20 =	sadd.s32 @!p1 $0xFFFFFF39, s19;
	s19 =	ssub.s32 @!p1 $0xC8, s19;
	s18 =	ssub.s32 @!p1 s21, s18  }
0x2b: {  	s21 =	sadd.s32 @!p1 $0xFFFFFF54, s17;
	p2 =	sgt.s32 @!p1 s20, $0x0;
	s20 =	sadd.s32 @!p1 $0xFFFFFC80, s18  }
0x2c: {  	s17 =	ssub.s32 @!p1 $0x12C, s17;
	p2 =	por !p2, p1;
	p3 =	sgt.s32 @!p1 s20, $0x7F  }
0x2d: {  	s18 =	ssub.s32 @!p1 $0x400, s18;
	s19 =	simm.s32 @!p2 $0x0;
	p2 =	por !p3, p1  }
0x2e: {  	s20 =	sadd.s32 $0x80, s13;
	p3 =	sgt.s32 @!p1 s21, $0x7F;
	s18 =	simm.s32 @!p2 $0x0  }
0x2f: {  	s21 =	smov.u32 s14;
	p2 =	por !p3, p1;
	s18 =	smul.u32 @!p1 s18, s19  }
0x30: {  	s17 =	simm.s32 @!p2 $0x0;
	p2 =	sgt.s32 s20, $0x12B;
	s19 =	sadd.s32 $0x4, s14  }
0x31: {  	s22 =	smov.u32 s15;
	s21 =	smov.u32 @p2 s19  }
0x32: {  	s17 =	smul.u32 @!p1 s17, s18;
	p3 =	sgt.s32 s21, $0xC7;
	s18 =	sadd.s32 $0x400, s15  }
0x33: {  	p0 =	por !p0, !p0;
	s23 =	simm.s32 @!p1 $0x2;
	s22 =	smov.u32 @p3 s18  }
0x34: {  	s20 =	simm.s32 @p2 $0x0;
	s19 =	smov.u32 s11;
	p2 =	sgt.s32 s22, $0x3FF  }
0x35: {  	s11 =	smov.u32 s14;
	s22 =	smov.u32 @p2 s3;
	p2 =	sne.s32 s16, s8  }
.Ltmp1:
0x36: {  	s21 =	smov.u32 @p3 s7;
	s18 =	smov.u32 s12;
	(pc) =	sbr.rel @!p2 .LBB1_6-.Ltmp1, $4  }
0x37: {  	s12 =	smov.u32 s15;
	s17 =	sand.u32 @!p1 $0x3FFFFFFF, s17;
	s14 =	smov.u32 s21  }
0x38: {  	_ =	swait.ge @!p1 [sflag:s23], s17;
	s24 =	ssub.s32 @!p1 $0x0, s17;
	s17 =	smov.u32 s10  }
0x39: {  	s16 =	sadd.s32 $0x1, s16;
	s10 =	smov.u32 s13;
	[sflag:s23] =	ssyncset.done @!p1 $0x0  }
0x3a: {  	s13 =	smov.u32 s20;
	s15 =	smov.u32 s22;
	[sflag:s23] =	ssyncadd.s32 @!p1 s24  }
.LBB1_1:
0x3b: {  	p1 =	sge.u32 s16, s6  }
0x3c: {  	s20 =	sshrl.u32 @!p1 s14, $0x3  }
0x3d: {  	s21 =	sshll.u32 @!p1 s13, $0x3;
	s20 =	smul.u32 @!p1 $0xC00, s20  }
0x3e: {  	s22 =	sshll.u32 @!p1 s14, $0x7;
	s21 =	sand.u32 @!p1 $0xFFFFFC00, s21  }
0x3f: {  	s20 =	sadd.s32 @!p1 s20, s21;
	s21 =	sand.u32 @!p1 $0x380, s22  }
0x40: {  	s20 =	sor.u32 @!p1 s21, s20  }
0x41: {  	s21 =	sand.u32 @!p1 $0x7F, s13;
	s22 =	smulhi.u32 @!p1 $0xAAAAAAAB, s20  }
0x42: {  	s20 =	sor.u32 @!p1 s21, s20  }
0x43: {  	s21 =	smulhi.u32 @!p1 $0xAAAAAAAB, s20;
	s22 =	sshrl.u32 @!p1 s22, $0x8  }
0x44: {  	s23 =	smulhi.u32 @!p1 $0x147AE15, s22;
	_ =	sdelay $0x1  }
0x45: {  	s21 =	sshrl.u32 @!p1 s21, $0x8;
	s23 =	smul.u32 @!p1 $0xC8, s23  }
0x46: {  	s31 =	sadd.s32 $0xFFFFFFFF, s16;
	s21 =	smul.u32 @!p1 $0x180, s21  }
0x47: {  	s24 =	sxor.u32 @!p1 $0xFFFFFFFF, s16;
	s22 =	ssub.s32 @!p1 s22, s23;
	s23 =	smul.u32 @!p1 $0x2580, s15  }
0x48: {  	s24 =	sshll.u32 @!p1 s24, $0xE;
	s20 =	ssub.s32 @!p1 s20, s21;
	s21 =	smul.u32 @!p1 $0x30, s22  }
0x49: {  	s22 =	sand.u32 @!p1 $0x4000, s24;
	s24 =	sand.u32 @!p1 $0x7, s20;
	s23 =	sadd.s32 @!p1 s4, s23  }
0x4a: {  	s20 =	sshrl.u32 @!p1 s20, $0x3;
	s21 =	sadd.s32 @!p1 s21, s23;
	s23 =	sshll.u32 @!p1 s24, $0x12  }
0x4b: {  	s20 =	sadd.s32 @!p1 s20, s21;
	s21 =	sor.u32 @!p1 $0x80, s23;
	s23 =	simm.s32 @!p1 $0x12C00  }
0x4c: {  	[tilespmem:s22], [sflag:$0x1] =	stream.strided.gather @!p1 [hbm4b:s20+s21], $0x4000, s23, s21, $0x38;
	[tilespmem:$0x10100] =	vst v63  }
0x4d: {  	p1 =	sge.u32 s31, s6  }
.Ltmp2:
0x4e: {  	_ = 	snop;
	(pc) =	sbr.rel @p1 .LBB1_5-.Ltmp2, $1  }
0x4f: {  	_ =	sdelay $0x3  }
0x50: {  	s20 =	simm.s32 $0x1  }
0x51: {  	_ =	swait.ge [sflag:s5], $0x4000;
	s20 =	simm.s32 @!p0 $0x0  }
0x52: {  	[sflag:s5] =	ssyncset.done $0x0;
	s21 =	sshll.u32 s20, $0xE  }
0x53: {  	[sflag:s5] =	ssyncadd.s32 $0xFFFFC000;
	s21 =	sor.u32 $0x40, s21  }
0x54: {  	s20 =	smul.u32 $0x10200, s20;
	v0 =	vld [tilespmem:s21+$0x30]  }
0x55: {  	v1 =	vld [tilespmem:s21+$0xFFFFFFD0]  }
0x56: {  	s20 =	sshrl.u32 s20, $0x2;
	v5 =	vld [tilespmem:s21+$0xFFFFFFE0]  }
0x57: {  	v6 =	vld [tilespmem:s21+$0xFFFFFFF0];
	s23 =	sor.u32 $0x8000, s20  }
0x58: {  	s31 =	sand.u32 $0x1, s16;
	v4 =	vld [tilespmem:s21+$0x0];
	s22 =	sadd.s32 $0x0, s23  }
0x59: {  	v3 =	vld [tilespmem:s21+$0x10];
	s20 =	smul.u32 $0x10200, s31;
	[tilespmem:s22+$0x3870 ss:$0x81] =	vst.msk $0xffff, v0  }
0x5a: {  	v2 =	vld [tilespmem:s21+$0x20];
	[tilespmem:s22+$0x810 ss:$0x81] =	vst.msk $0xffff, v1  }
0x5b: {  	s20 =	sshrl.u32 s20, $0x2;
	v1 =	vld [tilespmem:s21+$0xFFFFFFC0];
	[tilespmem:s22+$0x1020 ss:$0x81] =	vst.msk $0xffff, v5;
	s21 =	sadd.s32 $0x80, s21  }
0x5c: {  	s24 =	simm.s32 $0x4;
	s25 =	simm.s32 $0x8;
	s20 =	sor.u32 $0x8000, s20;
	[tilespmem:s22+$0x1830 ss:$0x81] =	vst.msk $0xffff, v6;
	v0 =	vld [tilespmem:s21+$0x30]  }
.LBB1_3:
0x5d: {  	p1 =	sne.s32 s25, $0x1FC;
	v5 =	vld [tilespmem:s21+$0xFFFFFFD0];
	[tilespmem:s22+$0x2040 ss:$0x81] =	vst.msk $0xffff, v4  }
0x5e: {  	v6 =	vld [tilespmem:s21+$0xFFFFFFE0];
	[tilespmem:s22+$0x2850 ss:$0x81] =	vst.msk $0xffff, v3  }
0x5f: {  	s26 =	sshra.s32 s24, $0x2;
	s24 =	smov.u32 s25;
	v7 =	vld [tilespmem:s21+$0xFFFFFFF0];
	[tilespmem:s22+$0x3060 ss:$0x81] =	vst.msk $0xffff, v2  }
.Ltmp3:
0x60: {  	v4 =	vld [tilespmem:s21+$0x0];
	[tilespmem:s22+$0x0 ss:$0x81] =	vst.msk $0xffff, v1;
	s22 =	sadd.s32 s26, s23;
	(pc) =	sbr.rel @p1 .LBB1_3-.Ltmp3, $4  }
0x61: {  	v3 =	vld [tilespmem:s21+$0x10];
	[tilespmem:s22+$0x3870 ss:$0x81] =	vst.msk $0xffff, v0  }
0x62: {  	[tilespmem:s22+$0x810 ss:$0x81] =	vst.msk $0xffff, v5;
	v2 =	vld [tilespmem:s21+$0x20]  }
0x63: {  	v1 =	vld [tilespmem:s21+$0xFFFFFFC0];
	[tilespmem:s22+$0x1020 ss:$0x81] =	vst.msk $0xffff, v6;
	s21 =	sadd.s32 $0x80, s21  }
0x64: {  	s25 =	sadd.s32 $0x4, s25;
	v0 =	vld [tilespmem:s21+$0x30];
	[tilespmem:s22+$0x1830 ss:$0x81] =	vst.msk $0xffff, v7  }
.Ltmp4:
0x65: {  	_ = 	snop;
	(pc) =	sbr.rel .LBB1_4-.Ltmp4, $1  }
0x66: {  	_ =	sdelay $0x3  }
.LBB1_6:
0x67: {  	_ =	sfence.sel $0x180000  }
0x68: {  	s2 =	simm.s32 $0x1;
	[bflag:$0x0] =	sbarrier.arrive $0xFFFF  }
0x69: {  	s31 =	simm.s32 $0x2;
	[sflag:s2] =	ssyncpa.u1 $0x1  }
0x6a: {  	[sflag:s31] =	ssyncpa.u1 $0x1  }
0x6b: {  	p0 =	sne.s32 s0, $0x0;
	_ =	strace $0x9000004A  }
0x6c: {  	s0 =	sadd.s32 @!p0 $0x100000, s1;
	[bflag:$0x2] =	sbarrier.arrive $0xFFFF  }
0x6d: {  	[sflag:s0] =	ssyncadd.tile.s32 @!p0 $0x1;
	_ =	shalt  }
.Lfunc_end1:
_tile_overlayer_lowered:
.L_overlay_start_2:
0x6e: {  	(tag) =	ssettag $0x2  }
0x6f: {  	s0 =	rddreg [dreg:$0x0];
	s2 =	stileid.u32  }
0x70: {  	s1 =	rddreg [dreg:$0x1];
	p0 =	sne.s32 s2, $0x0  }
0x71: {  	s3 =	rddreg [dreg:$0x2];
	[bflag:$0x3] =	sbarrier.arrive $0xFFFF;
	s2 =	simm.s32 @!p0 $0x1C01  }
0x72: {  	[timem:s3], [sflag:s2] =	dma.local @!p0 [hbm:s0], s1  }
0x73: {  	s0 =	simm.s32 @!p0 $0x1  }
0x74: {  	_ =	swait.ge @!p0 [sflag:s0], s1  }
0x75: {  	s1 =	ssub.s32 @!p0 $0x0, s1;
	[sflag:s0] =	ssyncset.done @!p0 $0x0  }
0x76: {  	[sflag:s0] =	ssyncadd.s32 @!p0 s1  }
0x77: {  	[bflag:$0x3] =	sbarrier.arrive $0xFFFF  }
0x78: {  	_ =	shalt  }

</sc_bundles>
